<compile_context>
chip_gen: v7x
topology: tpu7x:2x2x1
jax: 0.10.2.dev20260603
libtpu: 0.0.44.dev20260713+nightly
codegen_flags: <defaults>
</compile_context>

<pallas_src>
import functools

import jax
import jax.numpy as jnp
from jax import lax
from jax.experimental import pallas as pl
from jax.experimental.pallas import tpu as pltpu
from jax.experimental.pallas import tpu_sc as plsc

N_TOKENS = 4096
D_MODEL = 1024
NUM_EXPERTS = 8
TB = 512
B = 256
M = 2 * N_TOKENS
NBLK = M // B + NUM_EXPERTS
M_PAD = NBLK * B
AROWS = M // 128
TROWS = N_TOKENS // 128
CH = 64
DH = D_MODEL // 2
HMASK = -65536


def _pack(lo_f32, hi_f32):
    lo_i = lax.bitcast_convert_type(
        lo_f32.astype(jnp.bfloat16).astype(jnp.float32), jnp.int32)
    hi_i = lax.bitcast_convert_type(
        hi_f32.astype(jnp.bfloat16).astype(jnp.float32), jnp.int32)
    return lax.shift_right_logical(lo_i, 16) | (hi_i & HMASK)


def _unpack(pk):
    lo = lax.bitcast_convert_type(lax.shift_left(pk, 16), jnp.float32)
    hi = lax.bitcast_convert_type(pk & HMASK, jnp.float32)
    return lo, hi



def _router_body(x_ref, rw_ref, rb_ref, xi_ref, w1_ref, w2_ref, pos_ref,
                 blk_ref, e_acc):
    logits = jax.lax.dot_general(
        x_ref[...].astype(jnp.bfloat16), rw_ref[...].astype(jnp.bfloat16),
        (((1,), (1,)), ((), ())),
        preferred_element_type=jnp.float32,
    ) + rb_ref[...]
    m = jnp.max(logits, axis=-1, keepdims=True)
    eu = jnp.exp(logits - m)
    p = eu / jnp.sum(eu, axis=-1, keepdims=True)
    iota = jax.lax.broadcasted_iota(jnp.int32, p.shape, 1)
    p1 = jnp.max(p, axis=-1, keepdims=True)
    i1 = jnp.argmax(p, axis=-1)[:, None].astype(jnp.int32)
    pm = jnp.where(iota == i1, -1.0, p)
    p2 = jnp.max(pm, axis=-1, keepdims=True)
    i2 = jnp.argmax(pm, axis=-1)[:, None].astype(jnp.int32)
    s = p1 + p2
    t = pl.program_id(0)
    rpb = TB // 128
    e_acc[pl.ds(t * rpb, rpb), :] = i1.reshape(rpb, 128)
    e_acc[pl.ds(TROWS + t * rpb, rpb), :] = i2.reshape(rpb, 128)
    w1_ref[...] = p1 / s
    w2_ref[...] = p2 / s
    xi_ref[...] = _pack(x_ref[:, :DH], x_ref[:, DH:])

    @pl.when(t == (N_TOKENS // TB) - 1)
    def _dispatch():
        _dispatch_compute(e_acc[...], pos_ref, blk_ref)



def _dispatch_compute(e2d, pos_ref, blk_ref):
    pos = jnp.zeros((AROWS, 128), jnp.int32)
    blk_acc = jnp.zeros((1, 128), jnp.int32)
    lane = jax.lax.broadcasted_iota(jnp.int32, (1, 128), 1)
    start_rows = jnp.int32(0)
    start_blk = jnp.int32(0)
    for e in range(NUM_EXPERTS):
        msk = (e2d == e).astype(jnp.int32)
        c = msk
        for s in (1, 2, 4, 8, 16, 32, 64):
            c = c + jnp.concatenate(
                [jnp.zeros((AROWS, s), jnp.int32), c[:, :128 - s]], axis=1)
        tot = c[:, 127:128]
        t = tot
        for s in (1, 2, 4, 8, 16, 32):
            t = t + jnp.concatenate(
                [jnp.zeros((s, 1), jnp.int32), t[:AROWS - s, :]], axis=0)
        rank_incl = c + (t - tot)
        cnt = jnp.sum(msk)
        blk_acc = blk_acc + (lane >= start_blk).astype(jnp.int32)
        pos = pos + msk * (rank_incl - 1 + start_rows)
        nblk_e = (cnt + (B - 1)) // B
        start_blk = start_blk + nblk_e
        start_rows = start_rows + nblk_e * B
    pos_ref[...] = pos
    blk_ref[...] = jnp.minimum(blk_acc - 1, NUM_EXPERTS - 1)



def _make_scatter_kernel():
    mesh = plsc.VectorSubcoreMesh(core_axis_name="c", subcore_axis_name="s")

    @functools.partial(
        pl.kernel, mesh=mesh,
        out_type=jax.ShapeDtypeStruct((M_PAD, DH), jnp.int32),
        scratch_types=[
            pltpu.VMEM((4, CH), jnp.int32),
            pltpu.VMEM((CH, DH), jnp.int32),
            pltpu.VMEM((CH, DH), jnp.int32),
            pltpu.SemaphoreType.DMA,
            pltpu.SemaphoreType.DMA,
            pltpu.SemaphoreType.DMA,
            pltpu.SemaphoreType.DMA,
        ],
    )
    def scatter_kernel(x_hbm, pos_hbm, xs_hbm,
                       idx_v, rows_a, rows_b, sl_a, sl_b, ss_a, ss_b):
        wid = lax.axis_index("s") * 2 + lax.axis_index("c")
        rows_v = [rows_a, rows_b]
        sl = [sl_a, sl_b]
        ss = [ss_a, ss_b]
        scat = [None, None]
        pltpu.sync_copy(pos_hbm.at[pl.ds(wid * 4, 4)], idx_v)
        for q in range(4):
            r = wid * 2 + q // 2
            h = (q % 2) * CH
            tok0 = (r % TROWS) * 128 + h
            buf = q % 2
            if scat[buf] is not None:
                scat[buf].wait()
            pltpu.async_copy(
                x_hbm.at[pl.ds(tok0, CH)], rows_v[buf], sl[buf]).wait()
            scat[buf] = pltpu.async_copy(
                rows_v[buf], xs_hbm.at[idx_v.at[q]], ss[buf])
        for b in (0, 1):
            scat[b].wait()

    return scatter_kernel



def _gmm_body(be_smem, xs_ref, w_ref, b_ref, y_ref):
    a, bb = _unpack(xs_ref[...])
    w = w_ref[0]
    pre = jax.lax.dot_general(
        a.astype(jnp.bfloat16), w[:, :DH].astype(jnp.bfloat16),
        (((1,), (1,)), ((), ())),
        preferred_element_type=jnp.float32,
    ) + jax.lax.dot_general(
        bb.astype(jnp.bfloat16), w[:, DH:].astype(jnp.bfloat16),
        (((1,), (1,)), ((), ())),
        preferred_element_type=jnp.float32,
    ) + b_ref[0, 0][None, :]
    act = 0.5 * pre * (1.0 + jax.lax.erf(pre * 0.7071067811865476))
    y_ref[...] = _pack(act[:, :DH], act[:, DH:])



def _make_combine_kernel():
    mesh = plsc.VectorSubcoreMesh(core_axis_name="c", subcore_axis_name="s")

    @functools.partial(
        pl.kernel, mesh=mesh,
        out_type=[
            jax.ShapeDtypeStruct((N_TOKENS, DH), jnp.int32),
            jax.ShapeDtypeStruct((N_TOKENS, DH), jnp.int32),
        ],
        scratch_types=[
            pltpu.VMEM((4, CH), jnp.int32),
            pltpu.VMEM((CH, DH), jnp.int32),
            pltpu.VMEM((CH, DH), jnp.int32),
            pltpu.SemaphoreType.DMA,
            pltpu.SemaphoreType.DMA,
            pltpu.SemaphoreType.DMA,
            pltpu.SemaphoreType.DMA,
        ],
    )
    def combine_kernel(y_hbm, pos_hbm, y1_hbm, y2_hbm,
                       idx_v, rows_a, rows_b, sg_a, sg_b, sw_a, sw_b):
        wid = lax.axis_index("s") * 2 + lax.axis_index("c")
        rows_v = [rows_a, rows_b]
        sg = [sg_a, sg_b]
        sw = [sw_a, sw_b]
        outs = [y1_hbm, y2_hbm]
        wr = [None, None]
        pltpu.sync_copy(pos_hbm.at[pl.ds(2 * wid, 2)], idx_v.at[pl.ds(0, 2)])
        pltpu.sync_copy(
            pos_hbm.at[pl.ds(2 * TROWS + 2 * wid, 2)], idx_v.at[pl.ds(2, 2)])
        for q in range(4):
            k = q // 2
            h = q % 2
            buf = q % 2
            base = wid * 128 + h * CH
            if wr[buf] is not None:
                wr[buf].wait()
            pltpu.async_copy(
                y_hbm.at[idx_v.at[q]], rows_v[buf], sg[buf]).wait()
            wr[buf] = pltpu.async_copy(
                rows_v[buf], outs[k].at[pl.ds(base, CH)], sw[buf])
        for b in (0, 1):
            wr[b].wait()

    return combine_kernel



def _add_body(y1_ref, y2_ref, w1_ref, w2_ref, out_ref):
    lo1, hi1 = _unpack(y1_ref[...])
    lo2, hi2 = _unpack(y2_ref[...])
    w1 = w1_ref[...]
    w2 = w2_ref[...]
    out_ref[:, :DH] = w1 * lo1 + w2 * lo2
    out_ref[:, DH:] = w1 * hi1 + w2 * hi2


@jax.jit
def kernel(x, router_w, router_b, expert_w, expert_b):
    xi, w1, w2, pos2d, blk2d = pl.pallas_call(
        _router_body,
        grid=(N_TOKENS // TB,),
        in_specs=[
            pl.BlockSpec((TB, D_MODEL), lambda t: (t, 0)),
            pl.BlockSpec((NUM_EXPERTS, D_MODEL), lambda t: (0, 0)),
            pl.BlockSpec((1, NUM_EXPERTS), lambda t: (0, 0)),
        ],
        out_specs=[
            pl.BlockSpec((TB, DH), lambda t: (t, 0)),
            pl.BlockSpec((TB, 1), lambda t: (t, 0)),
            pl.BlockSpec((TB, 1), lambda t: (t, 0)),
            pl.BlockSpec((AROWS, 128), lambda t: (0, 0)),
            pl.BlockSpec((1, 128), lambda t: (0, 0)),
        ],
        out_shape=[
            jax.ShapeDtypeStruct((N_TOKENS, DH), jnp.int32),
            jax.ShapeDtypeStruct((N_TOKENS, 1), jnp.float32),
            jax.ShapeDtypeStruct((N_TOKENS, 1), jnp.float32),
            jax.ShapeDtypeStruct((AROWS, 128), jnp.int32),
            jax.ShapeDtypeStruct((1, 128), jnp.int32),
        ],
        scratch_shapes=[pltpu.VMEM((AROWS, 128), jnp.int32)],
    )(x, router_w, router_b.reshape(1, NUM_EXPERTS))
    blk_expert = blk2d.reshape(128)[:NBLK]

    xs = _make_scatter_kernel()(xi, pos2d.reshape(2 * AROWS, CH))

    y = pl.pallas_call(
        _gmm_body,
        grid_spec=pltpu.PrefetchScalarGridSpec(
            num_scalar_prefetch=1,
            grid=(NBLK,),
            in_specs=[
                pl.BlockSpec((B, DH), lambda b, be: (b, 0)),
                pl.BlockSpec((1, D_MODEL, D_MODEL), lambda b, be: (be[b], 0, 0)),
                pl.BlockSpec((1, 1, D_MODEL), lambda b, be: (be[b], 0, 0)),
            ],
            out_specs=pl.BlockSpec((B, DH), lambda b, be: (b, 0)),
        ),
        out_shape=jax.ShapeDtypeStruct((M_PAD, DH), jnp.int32),
        compiler_params=pltpu.CompilerParams(
            dimension_semantics=("arbitrary",),
        ),
    )(blk_expert, xs, expert_w,
      expert_b.reshape(NUM_EXPERTS, 1, D_MODEL))

    y1, y2 = _make_combine_kernel()(y, pos2d.reshape(2 * AROWS, CH))

    return pl.pallas_call(
        _add_body,
        grid=(4,),
        in_specs=[
            pl.BlockSpec((N_TOKENS // 4, DH), lambda t: (t, 0)),
            pl.BlockSpec((N_TOKENS // 4, DH), lambda t: (t, 0)),
            pl.BlockSpec((N_TOKENS // 4, 1), lambda t: (t, 0)),
            pl.BlockSpec((N_TOKENS // 4, 1), lambda t: (t, 0)),
        ],
        out_specs=pl.BlockSpec((N_TOKENS // 4, D_MODEL), lambda t: (t, 0)),
        out_shape=jax.ShapeDtypeStruct((N_TOKENS, D_MODEL), jnp.float32),
    )(y1, y2, w1, w2)

# --- scband reference (transcript-rebuilt; emitter-appended) ---
"""Pipeline reference for scband-mixture-of-experts-39943195853562 (READ-ONLY COPY).

The authoritative reference and input builder live on the scoring server;
editing this copy changes nothing except your own understanding.
"""

import jax, jax.numpy as jnp
import numpy as np

N_TOKENS = 4096
D_MODEL = 1024
NUM_EXPERTS = 8
TOP_K = 2

def setup_inputs(seed: int = 0) -> dict:
    key = jax.random.key(seed)
    k_x, k_rw, k_rb, k_ew, k_eb = jax.random.split(key, 5)
    x = jax.random.normal(k_x, (N_TOKENS, D_MODEL), dtype=jnp.float32)
    # router: nn.Linear(input_dim, num_experts)
    bound_r = 1.0 / np.sqrt(D_MODEL)
    router_w = jax.random.uniform(k_rw, (NUM_EXPERTS, D_MODEL), minval=-bound_r, maxval=bound_r, dtype=jnp.float32)
    router_b = jax.random.uniform(k_rb, (NUM_EXPERTS,), minval=-bound_r, maxval=bound_r, dtype=jnp.float32)
    # experts: num_experts x nn.Linear(input_dim, output_dim)
    expert_w = jax.random.uniform(k_ew, (NUM_EXPERTS, D_MODEL, D_MODEL), minval=-bound_r, maxval=bound_r, dtype=jnp.float32)
    expert_b = jax.random.uniform(k_eb, (NUM_EXPERTS, D_MODEL), minval=-bound_r, maxval=bound_r, dtype=jnp.float32)
    return {"x": x, "router_w": router_w, "router_b": router_b, "expert_w": expert_w, "expert_b": expert_b}

def reference(x, router_w, router_b, expert_w, expert_b):
    # routing_weights = softmax(router(x))
    logits = x @ router_w.T + router_b  # [N, E]
    routing_weights = jax.nn.softmax(logits, axis=-1)
    top_k_weights, top_k_indices = jax.lax.top_k(routing_weights, TOP_K)  # [N, k]
    top_k_weights = top_k_weights / jnp.sum(top_k_weights, axis=-1, keepdims=True)
    # compute all expert outputs: expert_out[e, n, :] = GELU(x[n] @ W_e^T + b_e)
    pre = jnp.einsum('nd,eod->eno', x, expert_w) + expert_b[:, None, :]  # [E, N, D]
    expert_out = jax.nn.gelu(pre, approximate=False)
    # gather per-token top-k expert outputs
    eo_nt = jnp.transpose(expert_out, (1, 0, 2))  # [N, E, D]
    gathered = jnp.take_along_axis(eo_nt, top_k_indices[:, :, None], axis=1)  # [N, k, D]
    out = jnp.sum(top_k_weights[:, :, None] * gathered, axis=1)  # [N, D]
    return out

if __name__ == "__main__":
    import jax
    _d = setup_inputs()
    print(jax.jit(kernel)(*tuple(_d.values())))

</pallas_src>

<mosaic_0001>
#map = affine_map<(d0, d1) -> (0, 0)>
module attributes {stable_mosaic.version = 14 : i64} {
  func.func @combine_kernel(%arg0: i32, %arg1: i32, %arg2: memref<10240x512xi32, #tpu.memory_space<hbm>>, %arg3: memref<128x64xi32, #tpu.memory_space<hbm>>, %arg4: memref<4096x512xi32, #tpu.memory_space<hbm>>, %arg5: memref<4096x512xi32, #tpu.memory_space<hbm>>, %arg6: memref<4x64xi32, #tpu.memory_space<vmem>>, %arg7: memref<64x512xi32, #tpu.memory_space<vmem>>, %arg8: memref<64x512xi32, #tpu.memory_space<vmem>>, %arg9: memref<!tpu.dma_semaphore, #tpu.memory_space<semaphore_mem>>, %arg10: memref<!tpu.dma_semaphore, #tpu.memory_space<semaphore_mem>>, %arg11: memref<!tpu.dma_semaphore, #tpu.memory_space<semaphore_mem>>, %arg12: memref<!tpu.dma_semaphore, #tpu.memory_space<semaphore_mem>>) attributes {dimension_semantics = [#tpu.dimension_semantics<core_parallel>, #tpu.dimension_semantics<subcore_parallel>], iteration_bounds = array<i64: 2, 16>, scalar_prefetch = 0 : i64, scratch_operands = 7 : i64, tpu.core_type = #tpu.core_type<sc_vector_subcore>, window_params = [{transform_indices = #map}, {transform_indices = #map}, {transform_indices = #map}, {transform_indices = #map}]} {
    %mul3A = arith.constant 2 : i32
    %mul3A_0 = arith.muli %arg1, %mul3A : i32
    %add3A = arith.addi %mul3A_0, %arg0 : i32
    %mul3A_1 = arith.constant 2 : i32
    %mul3A_2 = arith.muli %mul3A_1, %add3A : i32
    "tpu.region"() ({
      %run_scoped3A = tpu.sem_alloc : memref<!tpu.dma_semaphore, #tpu.memory_space<semaphore_mem>>
      %dma_start3A_109 = arith.constant 0 : i32
      %dma_start3A_110 = arith.constant 0 : i32
      %dma_start3A_111 = tpu.memref_slice %arg6[%dma_start3A_109, %dma_start3A_110] : memref<4x64xi32, #tpu.memory_space<vmem>> -> memref<2x64xi32, #tpu.memory_space<vmem>>
      %dma_start3A_112 = arith.constant 0 : i32
      %dma_start3A_113 = tpu.memref_slice %arg3[%mul3A_2, %dma_start3A_112] : memref<128x64xi32, #tpu.memory_space<hbm>> -> memref<2x64xi32, #tpu.memory_space<hbm>>
      %dma_start3A_114 = arith.constant 0 : i32
      %dma_start3A_115 = arith.constant 0 : i32
      %dma_start3A_116 = tpu.memref_slice %arg6[%dma_start3A_114, %dma_start3A_115] : memref<4x64xi32, #tpu.memory_space<vmem>> -> memref<2x64xi32, #tpu.memory_space<vmem>>
      %dma_start3A_117 = arith.constant 0 : i32
      %dma_start3A_118 = tpu.memref_slice %arg3[%mul3A_2, %dma_start3A_117] : memref<128x64xi32, #tpu.memory_space<hbm>> -> memref<2x64xi32, #tpu.memory_space<hbm>>
      tpu.enqueue_dma source(%dma_start3A_118 : memref<2x64xi32, #tpu.memory_space<hbm>>) target(%dma_start3A_116 : memref<2x64xi32, #tpu.memory_space<vmem>>) target_semaphore(%run_scoped3A : memref<!tpu.dma_semaphore, #tpu.memory_space<semaphore_mem>>)
      %dma_wait3A_119 = arith.constant 0 : i32
      %dma_wait3A_120 = arith.constant 0 : i32
      %dma_wait3A_121 = tpu.memref_slice %arg6[%dma_wait3A_119, %dma_wait3A_120] : memref<4x64xi32, #tpu.memory_space<vmem>> -> memref<2x64xi32, #tpu.memory_space<vmem>>
      %dma_wait3A_122 = arith.constant 0 : i32
      %dma_wait3A_123 = tpu.memref_slice %arg3[%mul3A_2, %dma_wait3A_122] : memref<128x64xi32, #tpu.memory_space<hbm>> -> memref<2x64xi32, #tpu.memory_space<hbm>>
      %dma_wait3A_124 = arith.constant 0 : i32
      %dma_wait3A_125 = arith.constant 0 : i32
      %dma_wait3A_126 = tpu.memref_slice %arg6[%dma_wait3A_124, %dma_wait3A_125] : memref<4x64xi32, #tpu.memory_space<vmem>> -> memref<2x64xi32, #tpu.memory_space<vmem>>
      %dma_wait3A_127 = arith.constant 0 : i32
      %dma_wait3A_128 = tpu.memref_slice %arg3[%mul3A_2, %dma_wait3A_127] : memref<128x64xi32, #tpu.memory_space<hbm>> -> memref<2x64xi32, #tpu.memory_space<hbm>>
      tpu.wait_dma2 semaphore(%run_scoped3A : memref<!tpu.dma_semaphore, #tpu.memory_space<semaphore_mem>>) src(%dma_wait3A_128 : memref<2x64xi32, #tpu.memory_space<hbm>>) dst(%dma_wait3A_126 : memref<2x64xi32, #tpu.memory_space<vmem>>)
      tpu.yield
    }) : () -> ()
    %mul3A_3 = arith.constant 2 : i32
    %mul3A_4 = arith.muli %mul3A_3, %add3A : i32
    %add3A_5 = arith.constant 64 : i32
    %add3A_6 = arith.addi %add3A_5, %mul3A_4 : i32
    "tpu.region"() ({
      %run_scoped3A = tpu.sem_alloc : memref<!tpu.dma_semaphore, #tpu.memory_space<semaphore_mem>>
      %dma_start3A_109 = arith.constant 2 : i32
      %dma_start3A_110 = arith.constant 0 : i32
      %dma_start3A_111 = tpu.memref_slice %arg6[%dma_start3A_109, %dma_start3A_110] : memref<4x64xi32, #tpu.memory_space<vmem>> -> memref<2x64xi32, #tpu.memory_space<vmem>>
      %dma_start3A_112 = arith.constant 0 : i32
      %dma_start3A_113 = tpu.memref_slice %arg3[%add3A_6, %dma_start3A_112] : memref<128x64xi32, #tpu.memory_space<hbm>> -> memref<2x64xi32, #tpu.memory_space<hbm>>
      %dma_start3A_114 = arith.constant 2 : i32
      %dma_start3A_115 = arith.constant 0 : i32
      %dma_start3A_116 = tpu.memref_slice %arg6[%dma_start3A_114, %dma_start3A_115] : memref<4x64xi32, #tpu.memory_space<vmem>> -> memref<2x64xi32, #tpu.memory_space<vmem>>
      %dma_start3A_117 = arith.constant 0 : i32
      %dma_start3A_118 = tpu.memref_slice %arg3[%add3A_6, %dma_start3A_117] : memref<128x64xi32, #tpu.memory_space<hbm>> -> memref<2x64xi32, #tpu.memory_space<hbm>>
      tpu.enqueue_dma source(%dma_start3A_118 : memref<2x64xi32, #tpu.memory_space<hbm>>) target(%dma_start3A_116 : memref<2x64xi32, #tpu.memory_space<vmem>>) target_semaphore(%run_scoped3A : memref<!tpu.dma_semaphore, #tpu.memory_space<semaphore_mem>>)
      %dma_wait3A_119 = arith.constant 2 : i32
      %dma_wait3A_120 = arith.constant 0 : i32
      %dma_wait3A_121 = tpu.memref_slice %arg6[%dma_wait3A_119, %dma_wait3A_120] : memref<4x64xi32, #tpu.memory_space<vmem>> -> memref<2x64xi32, #tpu.memory_space<vmem>>
      %dma_wait3A_122 = arith.constant 0 : i32
      %dma_wait3A_123 = tpu.memref_slice %arg3[%add3A_6, %dma_wait3A_122] : memref<128x64xi32, #tpu.memory_space<hbm>> -> memref<2x64xi32, #tpu.memory_space<hbm>>
      %dma_wait3A_124 = arith.constant 2 : i32
      %dma_wait3A_125 = arith.constant 0 : i32
      %dma_wait3A_126 = tpu.memref_slice %arg6[%dma_wait3A_124, %dma_wait3A_125] : memref<4x64xi32, #tpu.memory_space<vmem>> -> memref<2x64xi32, #tpu.memory_space<vmem>>
      %dma_wait3A_127 = arith.constant 0 : i32
      %dma_wait3A_128 = tpu.memref_slice %arg3[%add3A_6, %dma_wait3A_127] : memref<128x64xi32, #tpu.memory_space<hbm>> -> memref<2x64xi32, #tpu.memory_space<hbm>>
      tpu.wait_dma2 semaphore(%run_scoped3A : memref<!tpu.dma_semaphore, #tpu.memory_space<semaphore_mem>>) src(%dma_wait3A_128 : memref<2x64xi32, #tpu.memory_space<hbm>>) dst(%dma_wait3A_126 : memref<2x64xi32, #tpu.memory_space<vmem>>)
      tpu.yield
    }) : () -> ()
    %mul3A_7 = arith.constant 128 : i32
    %mul3A_8 = arith.muli %add3A, %mul3A_7 : i32
    %add3A_9 = arith.constant 0 : i32
    %add3A_10 = arith.addi %mul3A_8, %add3A_9 : i32
    %dma_start3A = arith.constant 0 : i32
    %dma_start3A_11 = arith.constant 0 : i32
    %dma_start3A_12 = tpu.memref_slice %arg6[%dma_start3A, %dma_start3A_11] : memref<4x64xi32, #tpu.memory_space<vmem>> -> memref<1x64xi32, #tpu.memory_space<vmem>>
    %dma_start3A_13 = tpu.memref_squeeze %dma_start3A_12 : memref<1x64xi32, #tpu.memory_space<vmem>> -> memref<64xi32, #tpu.memory_space<vmem>>
    %dma_start3A_14 = arith.constant 0 : i32
    %dma_start3A_15 = arith.constant 0 : i32
    %dma_start3A_16 = tpu.memref_slice %arg2[%dma_start3A_14, %dma_start3A_15] : memref<10240x512xi32, #tpu.memory_space<hbm>> -> memref<10240x512xi32, #tpu.memory_space<hbm>>
    tpu.enqueue_indirect_dma source(%dma_start3A_16 : memref<10240x512xi32, #tpu.memory_space<hbm>>) target(%arg7 : memref<64x512xi32, #tpu.memory_space<vmem>>) offsets(%dma_start3A_13 : memref<64xi32, #tpu.memory_space<vmem>>) semaphore(%arg9 : memref<!tpu.dma_semaphore, #tpu.memory_space<semaphore_mem>>)
    %dma_wait3A = arith.constant 0 : i32
    %dma_wait3A_17 = arith.constant 0 : i32
    %dma_wait3A_18 = tpu.memref_slice %arg6[%dma_wait3A, %dma_wait3A_17] : memref<4x64xi32, #tpu.memory_space<vmem>> -> memref<1x64xi32, #tpu.memory_space<vmem>>
    %dma_wait3A_19 = tpu.memref_squeeze %dma_wait3A_18 : memref<1x64xi32, #tpu.memory_space<vmem>> -> memref<64xi32, #tpu.memory_space<vmem>>
    %dma_wait3A_20 = arith.constant 0 : i32
    %dma_wait3A_21 = arith.constant 0 : i32
    %dma_wait3A_22 = tpu.memref_slice %arg2[%dma_wait3A_20, %dma_wait3A_21] : memref<10240x512xi32, #tpu.memory_space<hbm>> -> memref<10240x512xi32, #tpu.memory_space<hbm>>
    tpu.wait_indirect_dma semaphore(%arg9 : memref<!tpu.dma_semaphore, #tpu.memory_space<semaphore_mem>>) src(%dma_wait3A_22 : memref<10240x512xi32, #tpu.memory_space<hbm>>) dst(%arg7 : memref<64x512xi32, #tpu.memory_space<vmem>>)
    %dma_start3A_23 = arith.constant 0 : i32
    %dma_start3A_24 = tpu.memref_slice %arg4[%add3A_10, %dma_start3A_23] : memref<4096x512xi32, #tpu.memory_space<hbm>> -> memref<64x512xi32, #tpu.memory_space<hbm>>
    %dma_start3A_25 = arith.constant 0 : i32
    %dma_start3A_26 = tpu.memref_slice %arg4[%add3A_10, %dma_start3A_25] : memref<4096x512xi32, #tpu.memory_space<hbm>> -> memref<64x512xi32, #tpu.memory_space<hbm>>
    tpu.enqueue_dma source(%arg7 : memref<64x512xi32, #tpu.memory_space<vmem>>) target(%dma_start3A_26 : memref<64x512xi32, #tpu.memory_space<hbm>>) target_semaphore(%arg11 : memref<!tpu.dma_semaphore, #tpu.memory_space<semaphore_mem>>)
    %mul3A_27 = arith.constant 128 : i32
    %mul3A_28 = arith.muli %add3A, %mul3A_27 : i32
    %add3A_29 = arith.constant 64 : i32
    %add3A_30 = arith.addi %mul3A_28, %add3A_29 : i32
    %dma_start3A_31 = arith.constant 1 : i32
    %dma_start3A_32 = arith.constant 0 : i32
    %dma_start3A_33 = tpu.memref_slice %arg6[%dma_start3A_31, %dma_start3A_32] : memref<4x64xi32, #tpu.memory_space<vmem>> -> memref<1x64xi32, #tpu.memory_space<vmem>>
    %dma_start3A_34 = tpu.memref_squeeze %dma_start3A_33 : memref<1x64xi32, #tpu.memory_space<vmem>> -> memref<64xi32, #tpu.memory_space<vmem>>
    %dma_start3A_35 = arith.constant 0 : i32
    %dma_start3A_36 = arith.constant 0 : i32
    %dma_start3A_37 = tpu.memref_slice %arg2[%dma_start3A_35, %dma_start3A_36] : memref<10240x512xi32, #tpu.memory_space<hbm>> -> memref<10240x512xi32, #tpu.memory_space<hbm>>
    tpu.enqueue_indirect_dma source(%dma_start3A_37 : memref<10240x512xi32, #tpu.memory_space<hbm>>) target(%arg8 : memref<64x512xi32, #tpu.memory_space<vmem>>) offsets(%dma_start3A_34 : memref<64xi32, #tpu.memory_space<vmem>>) semaphore(%arg10 : memref<!tpu.dma_semaphore, #tpu.memory_space<semaphore_mem>>)
    %dma_wait3A_38 = arith.constant 1 : i32
    %dma_wait3A_39 = arith.constant 0 : i32
    %dma_wait3A_40 = tpu.memref_slice %arg6[%dma_wait3A_38, %dma_wait3A_39] : memref<4x64xi32, #tpu.memory_space<vmem>> -> memref<1x64xi32, #tpu.memory_space<vmem>>
    %dma_wait3A_41 = tpu.memref_squeeze %dma_wait3A_40 : memref<1x64xi32, #tpu.memory_space<vmem>> -> memref<64xi32, #tpu.memory_space<vmem>>
    %dma_wait3A_42 = arith.constant 0 : i32
    %dma_wait3A_43 = arith.constant 0 : i32
    %dma_wait3A_44 = tpu.memref_slice %arg2[%dma_wait3A_42, %dma_wait3A_43] : memref<10240x512xi32, #tpu.memory_space<hbm>> -> memref<10240x512xi32, #tpu.memory_space<hbm>>
    tpu.wait_indirect_dma semaphore(%arg10 : memref<!tpu.dma_semaphore, #tpu.memory_space<semaphore_mem>>) src(%dma_wait3A_44 : memref<10240x512xi32, #tpu.memory_space<hbm>>) dst(%arg8 : memref<64x512xi32, #tpu.memory_space<vmem>>)
    %dma_start3A_45 = arith.constant 0 : i32
    %dma_start3A_46 = tpu.memref_slice %arg4[%add3A_30, %dma_start3A_45] : memref<4096x512xi32, #tpu.memory_space<hbm>> -> memref<64x512xi32, #tpu.memory_space<hbm>>
    %dma_start3A_47 = arith.constant 0 : i32
    %dma_start3A_48 = tpu.memref_slice %arg4[%add3A_30, %dma_start3A_47] : memref<4096x512xi32, #tpu.memory_space<hbm>> -> memref<64x512xi32, #tpu.memory_space<hbm>>
    tpu.enqueue_dma source(%arg8 : memref<64x512xi32, #tpu.memory_space<vmem>>) target(%dma_start3A_48 : memref<64x512xi32, #tpu.memory_space<hbm>>) target_semaphore(%arg12 : memref<!tpu.dma_semaphore, #tpu.memory_space<semaphore_mem>>)
    %mul3A_49 = arith.constant 128 : i32
    %mul3A_50 = arith.muli %add3A, %mul3A_49 : i32
    %add3A_51 = arith.constant 0 : i32
    %add3A_52 = arith.addi %mul3A_50, %add3A_51 : i32
    %dma_wait3A_53 = arith.constant 0 : i32
    %dma_wait3A_54 = tpu.memref_slice %arg4[%add3A_10, %dma_wait3A_53] : memref<4096x512xi32, #tpu.memory_space<hbm>> -> memref<64x512xi32, #tpu.memory_space<hbm>>
    %dma_wait3A_55 = arith.constant 0 : i32
    %dma_wait3A_56 = tpu.memref_slice %arg4[%add3A_10, %dma_wait3A_55] : memref<4096x512xi32, #tpu.memory_space<hbm>> -> memref<64x512xi32, #tpu.memory_space<hbm>>
    tpu.wait_dma2 semaphore(%arg11 : memref<!tpu.dma_semaphore, #tpu.memory_space<semaphore_mem>>) src(%arg7 : memref<64x512xi32, #tpu.memory_space<vmem>>) dst(%dma_wait3A_56 : memref<64x512xi32, #tpu.memory_space<hbm>>)
    %dma_start3A_57 = arith.constant 2 : i32
    %dma_start3A_58 = arith.constant 0 : i32
    %dma_start3A_59 = tpu.memref_slice %arg6[%dma_start3A_57, %dma_start3A_58] : memref<4x64xi32, #tpu.memory_space<vmem>> -> memref<1x64xi32, #tpu.memory_space<vmem>>
    %dma_start3A_60 = tpu.memref_squeeze %dma_start3A_59 : memref<1x64xi32, #tpu.memory_space<vmem>> -> memref<64xi32, #tpu.memory_space<vmem>>
    %dma_start3A_61 = arith.constant 0 : i32
    %dma_start3A_62 = arith.constant 0 : i32
    %dma_start3A_63 = tpu.memref_slice %arg2[%dma_start3A_61, %dma_start3A_62] : memref<10240x512xi32, #tpu.memory_space<hbm>> -> memref<10240x512xi32, #tpu.memory_space<hbm>>
    tpu.enqueue_indirect_dma source(%dma_start3A_63 : memref<10240x512xi32, #tpu.memory_space<hbm>>) target(%arg7 : memref<64x512xi32, #tpu.memory_space<vmem>>) offsets(%dma_start3A_60 : memref<64xi32, #tpu.memory_space<vmem>>) semaphore(%arg9 : memref<!tpu.dma_semaphore, #tpu.memory_space<semaphore_mem>>)
    %dma_wait3A_64 = arith.constant 2 : i32
    %dma_wait3A_65 = arith.constant 0 : i32
    %dma_wait3A_66 = tpu.memref_slice %arg6[%dma_wait3A_64, %dma_wait3A_65] : memref<4x64xi32, #tpu.memory_space<vmem>> -> memref<1x64xi32, #tpu.memory_space<vmem>>
    %dma_wait3A_67 = tpu.memref_squeeze %dma_wait3A_66 : memref<1x64xi32, #tpu.memory_space<vmem>> -> memref<64xi32, #tpu.memory_space<vmem>>
    %dma_wait3A_68 = arith.constant 0 : i32
    %dma_wait3A_69 = arith.constant 0 : i32
    %dma_wait3A_70 = tpu.memref_slice %arg2[%dma_wait3A_68, %dma_wait3A_69] : memref<10240x512xi32, #tpu.memory_space<hbm>> -> memref<10240x512xi32, #tpu.memory_space<hbm>>
    tpu.wait_indirect_dma semaphore(%arg9 : memref<!tpu.dma_semaphore, #tpu.memory_space<semaphore_mem>>) src(%dma_wait3A_70 : memref<10240x512xi32, #tpu.memory_space<hbm>>) dst(%arg7 : memref<64x512xi32, #tpu.memory_space<vmem>>)
    %dma_start3A_71 = arith.constant 0 : i32
    %dma_start3A_72 = tpu.memref_slice %arg5[%add3A_52, %dma_start3A_71] : memref<4096x512xi32, #tpu.memory_space<hbm>> -> memref<64x512xi32, #tpu.memory_space<hbm>>
    %dma_start3A_73 = arith.constant 0 : i32
    %dma_start3A_74 = tpu.memref_slice %arg5[%add3A_52, %dma_start3A_73] : memref<4096x512xi32, #tpu.memory_space<hbm>> -> memref<64x512xi32, #tpu.memory_space<hbm>>
    tpu.enqueue_dma source(%arg7 : memref<64x512xi32, #tpu.memory_space<vmem>>) target(%dma_start3A_74 : memref<64x512xi32, #tpu.memory_space<hbm>>) target_semaphore(%arg11 : memref<!tpu.dma_semaphore, #tpu.memory_space<semaphore_mem>>)
    %mul3A_75 = arith.constant 128 : i32
    %mul3A_76 = arith.muli %add3A, %mul3A_75 : i32
    %add3A_77 = arith.constant 64 : i32
    %add3A_78 = arith.addi %mul3A_76, %add3A_77 : i32
    %dma_wait3A_79 = arith.constant 0 : i32
    %dma_wait3A_80 = tpu.memref_slice %arg4[%add3A_30, %dma_wait3A_79] : memref<4096x512xi32, #tpu.memory_space<hbm>> -> memref<64x512xi32, #tpu.memory_space<hbm>>
    %dma_wait3A_81 = arith.constant 0 : i32
    %dma_wait3A_82 = tpu.memref_slice %arg4[%add3A_30, %dma_wait3A_81] : memref<4096x512xi32, #tpu.memory_space<hbm>> -> memref<64x512xi32, #tpu.memory_space<hbm>>
    tpu.wait_dma2 semaphore(%arg12 : memref<!tpu.dma_semaphore, #tpu.memory_space<semaphore_mem>>) src(%arg8 : memref<64x512xi32, #tpu.memory_space<vmem>>) dst(%dma_wait3A_82 : memref<64x512xi32, #tpu.memory_space<hbm>>)
    %dma_start3A_83 = arith.constant 3 : i32
    %dma_start3A_84 = arith.constant 0 : i32
    %dma_start3A_85 = tpu.memref_slice %arg6[%dma_start3A_83, %dma_start3A_84] : memref<4x64xi32, #tpu.memory_space<vmem>> -> memref<1x64xi32, #tpu.memory_space<vmem>>
    %dma_start3A_86 = tpu.memref_squeeze %dma_start3A_85 : memref<1x64xi32, #tpu.memory_space<vmem>> -> memref<64xi32, #tpu.memory_space<vmem>>
    %dma_start3A_87 = arith.constant 0 : i32
    %dma_start3A_88 = arith.constant 0 : i32
    %dma_start3A_89 = tpu.memref_slice %arg2[%dma_start3A_87, %dma_start3A_88] : memref<10240x512xi32, #tpu.memory_space<hbm>> -> memref<10240x512xi32, #tpu.memory_space<hbm>>
    tpu.enqueue_indirect_dma source(%dma_start3A_89 : memref<10240x512xi32, #tpu.memory_space<hbm>>) target(%arg8 : memref<64x512xi32, #tpu.memory_space<vmem>>) offsets(%dma_start3A_86 : memref<64xi32, #tpu.memory_space<vmem>>) semaphore(%arg10 : memref<!tpu.dma_semaphore, #tpu.memory_space<semaphore_mem>>)
    %dma_wait3A_90 = arith.constant 3 : i32
    %dma_wait3A_91 = arith.constant 0 : i32
    %dma_wait3A_92 = tpu.memref_slice %arg6[%dma_wait3A_90, %dma_wait3A_91] : memref<4x64xi32, #tpu.memory_space<vmem>> -> memref<1x64xi32, #tpu.memory_space<vmem>>
    %dma_wait3A_93 = tpu.memref_squeeze %dma_wait3A_92 : memref<1x64xi32, #tpu.memory_space<vmem>> -> memref<64xi32, #tpu.memory_space<vmem>>
    %dma_wait3A_94 = arith.constant 0 : i32
    %dma_wait3A_95 = arith.constant 0 : i32
    %dma_wait3A_96 = tpu.memref_slice %arg2[%dma_wait3A_94, %dma_wait3A_95] : memref<10240x512xi32, #tpu.memory_space<hbm>> -> memref<10240x512xi32, #tpu.memory_space<hbm>>
    tpu.wait_indirect_dma semaphore(%arg10 : memref<!tpu.dma_semaphore, #tpu.memory_space<semaphore_mem>>) src(%dma_wait3A_96 : memref<10240x512xi32, #tpu.memory_space<hbm>>) dst(%arg8 : memref<64x512xi32, #tpu.memory_space<vmem>>)
    %dma_start3A_97 = arith.constant 0 : i32
    %dma_start3A_98 = tpu.memref_slice %arg5[%add3A_78, %dma_start3A_97] : memref<4096x512xi32, #tpu.memory_space<hbm>> -> memref<64x512xi32, #tpu.memory_space<hbm>>
    %dma_start3A_99 = arith.constant 0 : i32
    %dma_start3A_100 = tpu.memref_slice %arg5[%add3A_78, %dma_start3A_99] : memref<4096x512xi32, #tpu.memory_space<hbm>> -> memref<64x512xi32, #tpu.memory_space<hbm>>
    tpu.enqueue_dma source(%arg8 : memref<64x512xi32, #tpu.memory_space<vmem>>) target(%dma_start3A_100 : memref<64x512xi32, #tpu.memory_space<hbm>>) target_semaphore(%arg12 : memref<!tpu.dma_semaphore, #tpu.memory_space<semaphore_mem>>)
    %dma_wait3A_101 = arith.constant 0 : i32
    %dma_wait3A_102 = tpu.memref_slice %arg5[%add3A_52, %dma_wait3A_101] : memref<4096x512xi32, #tpu.memory_space<hbm>> -> memref<64x512xi32, #tpu.memory_space<hbm>>
    %dma_wait3A_103 = arith.constant 0 : i32
    %dma_wait3A_104 = tpu.memref_slice %arg5[%add3A_52, %dma_wait3A_103] : memref<4096x512xi32, #tpu.memory_space<hbm>> -> memref<64x512xi32, #tpu.memory_space<hbm>>
    tpu.wait_dma2 semaphore(%arg11 : memref<!tpu.dma_semaphore, #tpu.memory_space<semaphore_mem>>) src(%arg7 : memref<64x512xi32, #tpu.memory_space<vmem>>) dst(%dma_wait3A_104 : memref<64x512xi32, #tpu.memory_space<hbm>>)
    %dma_wait3A_105 = arith.constant 0 : i32
    %dma_wait3A_106 = tpu.memref_slice %arg5[%add3A_78, %dma_wait3A_105] : memref<4096x512xi32, #tpu.memory_space<hbm>> -> memref<64x512xi32, #tpu.memory_space<hbm>>
    %dma_wait3A_107 = arith.constant 0 : i32
    %dma_wait3A_108 = tpu.memref_slice %arg5[%add3A_78, %dma_wait3A_107] : memref<4096x512xi32, #tpu.memory_space<hbm>> -> memref<64x512xi32, #tpu.memory_space<hbm>>
    tpu.wait_dma2 semaphore(%arg12 : memref<!tpu.dma_semaphore, #tpu.memory_space<semaphore_mem>>) src(%arg8 : memref<64x512xi32, #tpu.memory_space<vmem>>) dst(%dma_wait3A_108 : memref<64x512xi32, #tpu.memory_space<hbm>>)
    return
  }
}

#map = affine_map<(d0, d1) -> (0, 0)>
module attributes {stable_mosaic.version = 14 : i64} {
  func.func @scatter_kernel(%arg0: i32, %arg1: i32, %arg2: memref<4096x512xi32, #tpu.memory_space<hbm>>, %arg3: memref<128x64xi32, #tpu.memory_space<hbm>>, %arg4: memref<10240x512xi32, #tpu.memory_space<hbm>>, %arg5: memref<4x64xi32, #tpu.memory_space<vmem>>, %arg6: memref<64x512xi32, #tpu.memory_space<vmem>>, %arg7: memref<64x512xi32, #tpu.memory_space<vmem>>, %arg8: memref<!tpu.dma_semaphore, #tpu.memory_space<semaphore_mem>>, %arg9: memref<!tpu.dma_semaphore, #tpu.memory_space<semaphore_mem>>, %arg10: memref<!tpu.dma_semaphore, #tpu.memory_space<semaphore_mem>>, %arg11: memref<!tpu.dma_semaphore, #tpu.memory_space<semaphore_mem>>) attributes {dimension_semantics = [#tpu.dimension_semantics<core_parallel>, #tpu.dimension_semantics<subcore_parallel>], iteration_bounds = array<i64: 2, 16>, scalar_prefetch = 0 : i64, scratch_operands = 7 : i64, tpu.core_type = #tpu.core_type<sc_vector_subcore>, window_params = [{transform_indices = #map}, {transform_indices = #map}, {transform_indices = #map}]} {
    %mul3A = arith.constant 2 : i32
    %mul3A_0 = arith.muli %arg1, %mul3A : i32
    %add3A = arith.addi %mul3A_0, %arg0 : i32
    %mul3A_1 = arith.constant 4 : i32
    %mul3A_2 = arith.muli %add3A, %mul3A_1 : i32
    "tpu.region"() ({
      %run_scoped3A = tpu.sem_alloc : memref<!tpu.dma_semaphore, #tpu.memory_space<semaphore_mem>>
      %dma_start3A_178 = arith.constant 0 : i32
      %dma_start3A_179 = tpu.memref_slice %arg3[%mul3A_2, %dma_start3A_178] : memref<128x64xi32, #tpu.memory_space<hbm>> -> memref<4x64xi32, #tpu.memory_space<hbm>>
      %dma_start3A_180 = arith.constant 0 : i32
      %dma_start3A_181 = tpu.memref_slice %arg3[%mul3A_2, %dma_start3A_180] : memref<128x64xi32, #tpu.memory_space<hbm>> -> memref<4x64xi32, #tpu.memory_space<hbm>>
      tpu.enqueue_dma source(%dma_start3A_181 : memref<4x64xi32, #tpu.memory_space<hbm>>) target(%arg5 : memref<4x64xi32, #tpu.memory_space<vmem>>) target_semaphore(%run_scoped3A : memref<!tpu.dma_semaphore, #tpu.memory_space<semaphore_mem>>)
      %dma_wait3A_182 = arith.constant 0 : i32
      %dma_wait3A_183 = tpu.memref_slice %arg3[%mul3A_2, %dma_wait3A_182] : memref<128x64xi32, #tpu.memory_space<hbm>> -> memref<4x64xi32, #tpu.memory_space<hbm>>
      %dma_wait3A_184 = arith.constant 0 : i32
      %dma_wait3A_185 = tpu.memref_slice %arg3[%mul3A_2, %dma_wait3A_184] : memref<128x64xi32, #tpu.memory_space<hbm>> -> memref<4x64xi32, #tpu.memory_space<hbm>>
      tpu.wait_dma2 semaphore(%run_scoped3A : memref<!tpu.dma_semaphore, #tpu.memory_space<semaphore_mem>>) src(%dma_wait3A_185 : memref<4x64xi32, #tpu.memory_space<hbm>>) dst(%arg5 : memref<4x64xi32, #tpu.memory_space<vmem>>)
      tpu.yield
    }) : () -> ()
    %mul3A_3 = arith.constant 2 : i32
    %mul3A_4 = arith.muli %add3A, %mul3A_3 : i32
    %add3A_5 = arith.constant 0 : i32
    %add3A_6 = arith.addi %mul3A_4, %add3A_5 : i32
    %jit3A = arith.constant 32 : i32
    %eq3A = arith.constant 0 : i32
    %eq3A_7 = arith.cmpi eq, %jit3A, %eq3A : i32
    %jit3A_8 = arith.constant 1 : i32
    %select_n3A = arith.select %eq3A_7, %jit3A_8, %jit3A : i32
    %rem3A = arith.remsi %add3A_6, %select_n3A : i32
    %ne3A = arith.constant 0 : i32
    %ne3A_9 = arith.cmpi ne, %rem3A, %ne3A : i32
    %lt3A = arith.constant 0 : i32
    %lt3A_10 = arith.cmpi slt, %rem3A, %lt3A : i32
    %lt3A_11 = arith.constant 0 : i32
    %lt3A_12 = arith.cmpi slt, %select_n3A, %lt3A_11 : i32
    %ne3A_13 = arith.xori %lt3A_10, %lt3A_12 : i1
    %and3A = arith.andi %ne3A_13, %ne3A_9 : i1
    %add3A_14 = arith.addi %rem3A, %select_n3A : i32
    %select_n3A_15 = arith.select %and3A, %add3A_14, %rem3A : i32
    %mul3A_16 = arith.constant 128 : i32
    %mul3A_17 = arith.muli %select_n3A_15, %mul3A_16 : i32
    %add3A_18 = arith.constant 0 : i32
    %add3A_19 = arith.addi %mul3A_17, %add3A_18 : i32
    %dma_start3A = arith.constant 0 : i32
    %dma_start3A_20 = tpu.memref_slice %arg2[%add3A_19, %dma_start3A] : memref<4096x512xi32, #tpu.memory_space<hbm>> -> memref<64x512xi32, #tpu.memory_space<hbm>>
    %dma_start3A_21 = arith.constant 0 : i32
    %dma_start3A_22 = tpu.memref_slice %arg2[%add3A_19, %dma_start3A_21] : memref<4096x512xi32, #tpu.memory_space<hbm>> -> memref<64x512xi32, #tpu.memory_space<hbm>>
    tpu.enqueue_dma source(%dma_start3A_22 : memref<64x512xi32, #tpu.memory_space<hbm>>) target(%arg6 : memref<64x512xi32, #tpu.memory_space<vmem>>) target_semaphore(%arg8 : memref<!tpu.dma_semaphore, #tpu.memory_space<semaphore_mem>>)
    %dma_wait3A = arith.constant 0 : i32
    %dma_wait3A_23 = tpu.memref_slice %arg2[%add3A_19, %dma_wait3A] : memref<4096x512xi32, #tpu.memory_space<hbm>> -> memref<64x512xi32, #tpu.memory_space<hbm>>
    %dma_wait3A_24 = arith.constant 0 : i32
    %dma_wait3A_25 = tpu.memref_slice %arg2[%add3A_19, %dma_wait3A_24] : memref<4096x512xi32, #tpu.memory_space<hbm>> -> memref<64x512xi32, #tpu.memory_space<hbm>>
    tpu.wait_dma2 semaphore(%arg8 : memref<!tpu.dma_semaphore, #tpu.memory_space<semaphore_mem>>) src(%dma_wait3A_25 : memref<64x512xi32, #tpu.memory_space<hbm>>) dst(%arg6 : memref<64x512xi32, #tpu.memory_space<vmem>>)
    %dma_start3A_26 = arith.constant 0 : i32
    %dma_start3A_27 = arith.constant 0 : i32
    %dma_start3A_28 = tpu.memref_slice %arg5[%dma_start3A_26, %dma_start3A_27] : memref<4x64xi32, #tpu.memory_space<vmem>> -> memref<1x64xi32, #tpu.memory_space<vmem>>
    %dma_start3A_29 = tpu.memref_squeeze %dma_start3A_28 : memref<1x64xi32, #tpu.memory_space<vmem>> -> memref<64xi32, #tpu.memory_space<vmem>>
    %dma_start3A_30 = arith.constant 0 : i32
    %dma_start3A_31 = arith.constant 0 : i32
    %dma_start3A_32 = tpu.memref_slice %arg4[%dma_start3A_30, %dma_start3A_31] : memref<10240x512xi32, #tpu.memory_space<hbm>> -> memref<10240x512xi32, #tpu.memory_space<hbm>>
    tpu.enqueue_indirect_dma source(%arg6 : memref<64x512xi32, #tpu.memory_space<vmem>>) target(%dma_start3A_32 : memref<10240x512xi32, #tpu.memory_space<hbm>>) offsets(%dma_start3A_29 : memref<64xi32, #tpu.memory_space<vmem>>) semaphore(%arg10 : memref<!tpu.dma_semaphore, #tpu.memory_space<semaphore_mem>>)
    %mul3A_33 = arith.constant 2 : i32
    %mul3A_34 = arith.muli %add3A, %mul3A_33 : i32
    %add3A_35 = arith.constant 0 : i32
    %add3A_36 = arith.addi %mul3A_34, %add3A_35 : i32
    %jit3A_37 = arith.constant 32 : i32
    %eq3A_38 = arith.constant 0 : i32
    %eq3A_39 = arith.cmpi eq, %jit3A_37, %eq3A_38 : i32
    %jit3A_40 = arith.constant 1 : i32
    %select_n3A_41 = arith.select %eq3A_39, %jit3A_40, %jit3A_37 : i32
    %rem3A_42 = arith.remsi %add3A_36, %select_n3A_41 : i32
    %ne3A_43 = arith.constant 0 : i32
    %ne3A_44 = arith.cmpi ne, %rem3A_42, %ne3A_43 : i32
    %lt3A_45 = arith.constant 0 : i32
    %lt3A_46 = arith.cmpi slt, %rem3A_42, %lt3A_45 : i32
    %lt3A_47 = arith.constant 0 : i32
    %lt3A_48 = arith.cmpi slt, %select_n3A_41, %lt3A_47 : i32
    %ne3A_49 = arith.xori %lt3A_46, %lt3A_48 : i1
    %and3A_50 = arith.andi %ne3A_49, %ne3A_44 : i1
    %add3A_51 = arith.addi %rem3A_42, %select_n3A_41 : i32
    %select_n3A_52 = arith.select %and3A_50, %add3A_51, %rem3A_42 : i32
    %mul3A_53 = arith.constant 128 : i32
    %mul3A_54 = arith.muli %select_n3A_52, %mul3A_53 : i32
    %add3A_55 = arith.constant 64 : i32
    %add3A_56 = arith.addi %mul3A_54, %add3A_55 : i32
    %dma_start3A_57 = arith.constant 0 : i32
    %dma_start3A_58 = tpu.memref_slice %arg2[%add3A_56, %dma_start3A_57] : memref<4096x512xi32, #tpu.memory_space<hbm>> -> memref<64x512xi32, #tpu.memory_space<hbm>>
    %dma_start3A_59 = arith.constant 0 : i32
    %dma_start3A_60 = tpu.memref_slice %arg2[%add3A_56, %dma_start3A_59] : memref<4096x512xi32, #tpu.memory_space<hbm>> -> memref<64x512xi32, #tpu.memory_space<hbm>>
    tpu.enqueue_dma source(%dma_start3A_60 : memref<64x512xi32, #tpu.memory_space<hbm>>) target(%arg7 : memref<64x512xi32, #tpu.memory_space<vmem>>) target_semaphore(%arg9 : memref<!tpu.dma_semaphore, #tpu.memory_space<semaphore_mem>>)
    %dma_wait3A_61 = arith.constant 0 : i32
    %dma_wait3A_62 = tpu.memref_slice %arg2[%add3A_56, %dma_wait3A_61] : memref<4096x512xi32, #tpu.memory_space<hbm>> -> memref<64x512xi32, #tpu.memory_space<hbm>>
    %dma_wait3A_63 = arith.constant 0 : i32
    %dma_wait3A_64 = tpu.memref_slice %arg2[%add3A_56, %dma_wait3A_63] : memref<4096x512xi32, #tpu.memory_space<hbm>> -> memref<64x512xi32, #tpu.memory_space<hbm>>
    tpu.wait_dma2 semaphore(%arg9 : memref<!tpu.dma_semaphore, #tpu.memory_space<semaphore_mem>>) src(%dma_wait3A_64 : memref<64x512xi32, #tpu.memory_space<hbm>>) dst(%arg7 : memref<64x512xi32, #tpu.memory_space<vmem>>)
    %dma_start3A_65 = arith.constant 1 : i32
    %dma_start3A_66 = arith.constant 0 : i32
    %dma_start3A_67 = tpu.memref_slice %arg5[%dma_start3A_65, %dma_start3A_66] : memref<4x64xi32, #tpu.memory_space<vmem>> -> memref<1x64xi32, #tpu.memory_space<vmem>>
    %dma_start3A_68 = tpu.memref_squeeze %dma_start3A_67 : memref<1x64xi32, #tpu.memory_space<vmem>> -> memref<64xi32, #tpu.memory_space<vmem>>
    %dma_start3A_69 = arith.constant 0 : i32
    %dma_start3A_70 = arith.constant 0 : i32
    %dma_start3A_71 = tpu.memref_slice %arg4[%dma_start3A_69, %dma_start3A_70] : memref<10240x512xi32, #tpu.memory_space<hbm>> -> memref<10240x512xi32, #tpu.memory_space<hbm>>
    tpu.enqueue_indirect_dma source(%arg7 : memref<64x512xi32, #tpu.memory_space<vmem>>) target(%dma_start3A_71 : memref<10240x512xi32, #tpu.memory_space<hbm>>) offsets(%dma_start3A_68 : memref<64xi32, #tpu.memory_space<vmem>>) semaphore(%arg11 : memref<!tpu.dma_semaphore, #tpu.memory_space<semaphore_mem>>)
    %mul3A_72 = arith.constant 2 : i32
    %mul3A_73 = arith.muli %add3A, %mul3A_72 : i32
    %add3A_74 = arith.constant 1 : i32
    %add3A_75 = arith.addi %mul3A_73, %add3A_74 : i32
    %jit3A_76 = arith.constant 32 : i32
    %eq3A_77 = arith.constant 0 : i32
    %eq3A_78 = arith.cmpi eq, %jit3A_76, %eq3A_77 : i32
    %jit3A_79 = arith.constant 1 : i32
    %select_n3A_80 = arith.select %eq3A_78, %jit3A_79, %jit3A_76 : i32
    %rem3A_81 = arith.remsi %add3A_75, %select_n3A_80 : i32
    %ne3A_82 = arith.constant 0 : i32
    %ne3A_83 = arith.cmpi ne, %rem3A_81, %ne3A_82 : i32
    %lt3A_84 = arith.constant 0 : i32
    %lt3A_85 = arith.cmpi slt, %rem3A_81, %lt3A_84 : i32
    %lt3A_86 = arith.constant 0 : i32
    %lt3A_87 = arith.cmpi slt, %select_n3A_80, %lt3A_86 : i32
    %ne3A_88 = arith.xori %lt3A_85, %lt3A_87 : i1
    %and3A_89 = arith.andi %ne3A_88, %ne3A_83 : i1
    %add3A_90 = arith.addi %rem3A_81, %select_n3A_80 : i32
    %select_n3A_91 = arith.select %and3A_89, %add3A_90, %rem3A_81 : i32
    %mul3A_92 = arith.constant 128 : i32
    %mul3A_93 = arith.muli %select_n3A_91, %mul3A_92 : i32
    %add3A_94 = arith.constant 0 : i32
    %add3A_95 = arith.addi %mul3A_93, %add3A_94 : i32
    %dma_wait3A_96 = arith.constant 0 : i32
    %dma_wait3A_97 = arith.constant 0 : i32
    %dma_wait3A_98 = tpu.memref_slice %arg5[%dma_wait3A_96, %dma_wait3A_97] : memref<4x64xi32, #tpu.memory_space<vmem>> -> memref<1x64xi32, #tpu.memory_space<vmem>>
    %dma_wait3A_99 = tpu.memref_squeeze %dma_wait3A_98 : memref<1x64xi32, #tpu.memory_space<vmem>> -> memref<64xi32, #tpu.memory_space<vmem>>
    %dma_wait3A_100 = arith.constant 0 : i32
    %dma_wait3A_101 = arith.constant 0 : i32
    %dma_wait3A_102 = tpu.memref_slice %arg4[%dma_wait3A_100, %dma_wait3A_101] : memref<10240x512xi32, #tpu.memory_space<hbm>> -> memref<10240x512xi32, #tpu.memory_space<hbm>>
    tpu.wait_indirect_dma semaphore(%arg10 : memref<!tpu.dma_semaphore, #tpu.memory_space<semaphore_mem>>) src(%arg6 : memref<64x512xi32, #tpu.memory_space<vmem>>) dst(%dma_wait3A_102 : memref<10240x512xi32, #tpu.memory_space<hbm>>)
    %dma_start3A_103 = arith.constant 0 : i32
    %dma_start3A_104 = tpu.memref_slice %arg2[%add3A_95, %dma_start3A_103] : memref<4096x512xi32, #tpu.memory_space<hbm>> -> memref<64x512xi32, #tpu.memory_space<hbm>>
    %dma_start3A_105 = arith.constant 0 : i32
    %dma_start3A_106 = tpu.memref_slice %arg2[%add3A_95, %dma_start3A_105] : memref<4096x512xi32, #tpu.memory_space<hbm>> -> memref<64x512xi32, #tpu.memory_space<hbm>>
    tpu.enqueue_dma source(%dma_start3A_106 : memref<64x512xi32, #tpu.memory_space<hbm>>) target(%arg6 : memref<64x512xi32, #tpu.memory_space<vmem>>) target_semaphore(%arg8 : memref<!tpu.dma_semaphore, #tpu.memory_space<semaphore_mem>>)
    %dma_wait3A_107 = arith.constant 0 : i32
    %dma_wait3A_108 = tpu.memref_slice %arg2[%add3A_95, %dma_wait3A_107] : memref<4096x512xi32, #tpu.memory_space<hbm>> -> memref<64x512xi32, #tpu.memory_space<hbm>>
    %dma_wait3A_109 = arith.constant 0 : i32
    %dma_wait3A_110 = tpu.memref_slice %arg2[%add3A_95, %dma_wait3A_109] : memref<4096x512xi32, #tpu.memory_space<hbm>> -> memref<64x512xi32, #tpu.memory_space<hbm>>
    tpu.wait_dma2 semaphore(%arg8 : memref<!tpu.dma_semaphore, #tpu.memory_space<semaphore_mem>>) src(%dma_wait3A_110 : memref<64x512xi32, #tpu.memory_space<hbm>>) dst(%arg6 : memref<64x512xi32, #tpu.memory_space<vmem>>)
    %dma_start3A_111 = arith.constant 2 : i32
    %dma_start3A_112 = arith.constant 0 : i32
    %dma_start3A_113 = tpu.memref_slice %arg5[%dma_start3A_111, %dma_start3A_112] : memref<4x64xi32, #tpu.memory_space<vmem>> -> memref<1x64xi32, #tpu.memory_space<vmem>>
    %dma_start3A_114 = tpu.memref_squeeze %dma_start3A_113 : memref<1x64xi32, #tpu.memory_space<vmem>> -> memref<64xi32, #tpu.memory_space<vmem>>
    %dma_start3A_115 = arith.constant 0 : i32
    %dma_start3A_116 = arith.constant 0 : i32
    %dma_start3A_117 = tpu.memref_slice %arg4[%dma_start3A_115, %dma_start3A_116] : memref<10240x512xi32, #tpu.memory_space<hbm>> -> memref<10240x512xi32, #tpu.memory_space<hbm>>
    tpu.enqueue_indirect_dma source(%arg6 : memref<64x512xi32, #tpu.memory_space<vmem>>) target(%dma_start3A_117 : memref<10240x512xi32, #tpu.memory_space<hbm>>) offsets(%dma_start3A_114 : memref<64xi32, #tpu.memory_space<vmem>>) semaphore(%arg10 : memref<!tpu.dma_semaphore, #tpu.memory_space<semaphore_mem>>)
    %mul3A_118 = arith.constant 2 : i32
    %mul3A_119 = arith.muli %add3A, %mul3A_118 : i32
    %add3A_120 = arith.constant 1 : i32
    %add3A_121 = arith.addi %mul3A_119, %add3A_120 : i32
    %jit3A_122 = arith.constant 32 : i32
    %eq3A_123 = arith.constant 0 : i32
    %eq3A_124 = arith.cmpi eq, %jit3A_122, %eq3A_123 : i32
    %jit3A_125 = arith.constant 1 : i32
    %select_n3A_126 = arith.select %eq3A_124, %jit3A_125, %jit3A_122 : i32
    %rem3A_127 = arith.remsi %add3A_121, %select_n3A_126 : i32
    %ne3A_128 = arith.constant 0 : i32
    %ne3A_129 = arith.cmpi ne, %rem3A_127, %ne3A_128 : i32
    %lt3A_130 = arith.constant 0 : i32
    %lt3A_131 = arith.cmpi slt, %rem3A_127, %lt3A_130 : i32
    %lt3A_132 = arith.constant 0 : i32
    %lt3A_133 = arith.cmpi slt, %select_n3A_126, %lt3A_132 : i32
    %ne3A_134 = arith.xori %lt3A_131, %lt3A_133 : i1
    %and3A_135 = arith.andi %ne3A_134, %ne3A_129 : i1
    %add3A_136 = arith.addi %rem3A_127, %select_n3A_126 : i32
    %select_n3A_137 = arith.select %and3A_135, %add3A_136, %rem3A_127 : i32
    %mul3A_138 = arith.constant 128 : i32
    %mul3A_139 = arith.muli %select_n3A_137, %mul3A_138 : i32
    %add3A_140 = arith.constant 64 : i32
    %add3A_141 = arith.addi %mul3A_139, %add3A_140 : i32
    %dma_wait3A_142 = arith.constant 1 : i32
    %dma_wait3A_143 = arith.constant 0 : i32
    %dma_wait3A_144 = tpu.memref_slice %arg5[%dma_wait3A_142, %dma_wait3A_143] : memref<4x64xi32, #tpu.memory_space<vmem>> -> memref<1x64xi32, #tpu.memory_space<vmem>>
    %dma_wait3A_145 = tpu.memref_squeeze %dma_wait3A_144 : memref<1x64xi32, #tpu.memory_space<vmem>> -> memref<64xi32, #tpu.memory_space<vmem>>
    %dma_wait3A_146 = arith.constant 0 : i32
    %dma_wait3A_147 = arith.constant 0 : i32
    %dma_wait3A_148 = tpu.memref_slice %arg4[%dma_wait3A_146, %dma_wait3A_147] : memref<10240x512xi32, #tpu.memory_space<hbm>> -> memref<10240x512xi32, #tpu.memory_space<hbm>>
    tpu.wait_indirect_dma semaphore(%arg11 : memref<!tpu.dma_semaphore, #tpu.memory_space<semaphore_mem>>) src(%arg7 : memref<64x512xi32, #tpu.memory_space<vmem>>) dst(%dma_wait3A_148 : memref<10240x512xi32, #tpu.memory_space<hbm>>)
    %dma_start3A_149 = arith.constant 0 : i32
    %dma_start3A_150 = tpu.memref_slice %arg2[%add3A_141, %dma_start3A_149] : memref<4096x512xi32, #tpu.memory_space<hbm>> -> memref<64x512xi32, #tpu.memory_space<hbm>>
    %dma_start3A_151 = arith.constant 0 : i32
    %dma_start3A_152 = tpu.memref_slice %arg2[%add3A_141, %dma_start3A_151] : memref<4096x512xi32, #tpu.memory_space<hbm>> -> memref<64x512xi32, #tpu.memory_space<hbm>>
    tpu.enqueue_dma source(%dma_start3A_152 : memref<64x512xi32, #tpu.memory_space<hbm>>) target(%arg7 : memref<64x512xi32, #tpu.memory_space<vmem>>) target_semaphore(%arg9 : memref<!tpu.dma_semaphore, #tpu.memory_space<semaphore_mem>>)
    %dma_wait3A_153 = arith.constant 0 : i32
    %dma_wait3A_154 = tpu.memref_slice %arg2[%add3A_141, %dma_wait3A_153] : memref<4096x512xi32, #tpu.memory_space<hbm>> -> memref<64x512xi32, #tpu.memory_space<hbm>>
    %dma_wait3A_155 = arith.constant 0 : i32
    %dma_wait3A_156 = tpu.memref_slice %arg2[%add3A_141, %dma_wait3A_155] : memref<4096x512xi32, #tpu.memory_space<hbm>> -> memref<64x512xi32, #tpu.memory_space<hbm>>
    tpu.wait_dma2 semaphore(%arg9 : memref<!tpu.dma_semaphore, #tpu.memory_space<semaphore_mem>>) src(%dma_wait3A_156 : memref<64x512xi32, #tpu.memory_space<hbm>>) dst(%arg7 : memref<64x512xi32, #tpu.memory_space<vmem>>)
    %dma_start3A_157 = arith.constant 3 : i32
    %dma_start3A_158 = arith.constant 0 : i32
    %dma_start3A_159 = tpu.memref_slice %arg5[%dma_start3A_157, %dma_start3A_158] : memref<4x64xi32, #tpu.memory_space<vmem>> -> memref<1x64xi32, #tpu.memory_space<vmem>>
    %dma_start3A_160 = tpu.memref_squeeze %dma_start3A_159 : memref<1x64xi32, #tpu.memory_space<vmem>> -> memref<64xi32, #tpu.memory_space<vmem>>
    %dma_start3A_161 = arith.constant 0 : i32
    %dma_start3A_162 = arith.constant 0 : i32
    %dma_start3A_163 = tpu.memref_slice %arg4[%dma_start3A_161, %dma_start3A_162] : memref<10240x512xi32, #tpu.memory_space<hbm>> -> memref<10240x512xi32, #tpu.memory_space<hbm>>
    tpu.enqueue_indirect_dma source(%arg7 : memref<64x512xi32, #tpu.memory_space<vmem>>) target(%dma_start3A_163 : memref<10240x512xi32, #tpu.memory_space<hbm>>) offsets(%dma_start3A_160 : memref<64xi32, #tpu.memory_space<vmem>>) semaphore(%arg11 : memref<!tpu.dma_semaphore, #tpu.memory_space<semaphore_mem>>)
    %dma_wait3A_164 = arith.constant 2 : i32
    %dma_wait3A_165 = arith.constant 0 : i32
    %dma_wait3A_166 = tpu.memref_slice %arg5[%dma_wait3A_164, %dma_wait3A_165] : memref<4x64xi32, #tpu.memory_space<vmem>> -> memref<1x64xi32, #tpu.memory_space<vmem>>
    %dma_wait3A_167 = tpu.memref_squeeze %dma_wait3A_166 : memref<1x64xi32, #tpu.memory_space<vmem>> -> memref<64xi32, #tpu.memory_space<vmem>>
    %dma_wait3A_168 = arith.constant 0 : i32
    %dma_wait3A_169 = arith.constant 0 : i32
    %dma_wait3A_170 = tpu.memref_slice %arg4[%dma_wait3A_168, %dma_wait3A_169] : memref<10240x512xi32, #tpu.memory_space<hbm>> -> memref<10240x512xi32, #tpu.memory_space<hbm>>
    tpu.wait_indirect_dma semaphore(%arg10 : memref<!tpu.dma_semaphore, #tpu.memory_space<semaphore_mem>>) src(%arg6 : memref<64x512xi32, #tpu.memory_space<vmem>>) dst(%dma_wait3A_170 : memref<10240x512xi32, #tpu.memory_space<hbm>>)
    %dma_wait3A_171 = arith.constant 3 : i32
    %dma_wait3A_172 = arith.constant 0 : i32
    %dma_wait3A_173 = tpu.memref_slice %arg5[%dma_wait3A_171, %dma_wait3A_172] : memref<4x64xi32, #tpu.memory_space<vmem>> -> memref<1x64xi32, #tpu.memory_space<vmem>>
    %dma_wait3A_174 = tpu.memref_squeeze %dma_wait3A_173 : memref<1x64xi32, #tpu.memory_space<vmem>> -> memref<64xi32, #tpu.memory_space<vmem>>
    %dma_wait3A_175 = arith.constant 0 : i32
    %dma_wait3A_176 = arith.constant 0 : i32
    %dma_wait3A_177 = tpu.memref_slice %arg4[%dma_wait3A_175, %dma_wait3A_176] : memref<10240x512xi32, #tpu.memory_space<hbm>> -> memref<10240x512xi32, #tpu.memory_space<hbm>>
    tpu.wait_indirect_dma semaphore(%arg11 : memref<!tpu.dma_semaphore, #tpu.memory_space<semaphore_mem>>) src(%arg7 : memref<64x512xi32, #tpu.memory_space<vmem>>) dst(%dma_wait3A_177 : memref<10240x512xi32, #tpu.memory_space<hbm>>)
    return
  }
}

module attributes {stable_mosaic.version = 14 : i64} {
  func.func @_add_body(%arg0: i32, %arg1: memref<1024x512xi32, #tpu.memory_space<vmem>>, %arg2: memref<1024x512xi32, #tpu.memory_space<vmem>>, %arg3: memref<1024x1xf32, #tpu.memory_space<vmem>>, %arg4: memref<1024x1xf32, #tpu.memory_space<vmem>>, %arg5: memref<1024x1024xf32, #tpu.memory_space<vmem>>) attributes {dimension_semantics = [#tpu.dimension_semantics<arbitrary>], iteration_bounds = array<i64: 4>, scalar_prefetch = 0 : i64, scratch_operands = 0 : i64, tpu.core_type = #tpu.core_type<tc>, window_params = [{transform_indices = @transform_0, window_bounds = array<i64: 1024, 512>}, {transform_indices = @transform_1, window_bounds = array<i64: 1024, 512>}, {transform_indices = @transform_2, window_bounds = array<i64: 1024, 1>}, {transform_indices = @transform_3, window_bounds = array<i64: 1024, 1>}, {transform_indices = @transform_4, window_bounds = array<i64: 1024, 1024>}]} {
    %get3A = arith.constant 0 : index
    %get3A_0 = arith.constant 0 : index
    %get3A_1 = vector.load %arg1[%get3A, %get3A_0] : memref<1024x512xi32, #tpu.memory_space<vmem>>, vector<1024x512xi32>
    %shift_left3A = arith.constant 16 : i32
    %shift_left3A_2 = vector.broadcast %shift_left3A : i32 to vector<1024x512xi32>
    %shift_left3A_3 = arith.shli %get3A_1, %shift_left3A_2 : vector<1024x512xi32>
    %bitcast_convert_type3A = tpu.bitcast %shift_left3A_3 : vector<1024x512xi32> -> vector<1024x512xf32>
    %and3A = arith.constant -65536 : i32
    %and3A_4 = vector.broadcast %and3A : i32 to vector<1024x512xi32>
    %and3A_5 = arith.andi %get3A_1, %and3A_4 : vector<1024x512xi32>
    %bitcast_convert_type3A_6 = tpu.bitcast %and3A_5 : vector<1024x512xi32> -> vector<1024x512xf32>
    %get3A_7 = arith.constant 0 : index
    %get3A_8 = arith.constant 0 : index
    %get3A_9 = vector.load %arg2[%get3A_7, %get3A_8] : memref<1024x512xi32, #tpu.memory_space<vmem>>, vector<1024x512xi32>
    %shift_left3A_10 = arith.constant 16 : i32
    %shift_left3A_11 = vector.broadcast %shift_left3A_10 : i32 to vector<1024x512xi32>
    %shift_left3A_12 = arith.shli %get3A_9, %shift_left3A_11 : vector<1024x512xi32>
    %bitcast_convert_type3A_13 = tpu.bitcast %shift_left3A_12 : vector<1024x512xi32> -> vector<1024x512xf32>
    %and3A_14 = arith.constant -65536 : i32
    %and3A_15 = vector.broadcast %and3A_14 : i32 to vector<1024x512xi32>
    %and3A_16 = arith.andi %get3A_9, %and3A_15 : vector<1024x512xi32>
    %bitcast_convert_type3A_17 = tpu.bitcast %and3A_16 : vector<1024x512xi32> -> vector<1024x512xf32>
    %get3A_18 = arith.constant 0 : index
    %get3A_19 = arith.constant 0 : index
    %get3A_20 = vector.load %arg3[%get3A_18, %get3A_19] : memref<1024x1xf32, #tpu.memory_space<vmem>>, vector<1024x1xf32>
    %get3A_21 = arith.constant 0 : index
    %get3A_22 = arith.constant 0 : index
    %get3A_23 = vector.load %arg4[%get3A_21, %get3A_22] : memref<1024x1xf32, #tpu.memory_space<vmem>>, vector<1024x1xf32>
    %mul3A = vector.broadcast %get3A_20 : vector<1024x1xf32> to vector<1024x512xf32>
    %mul3A_24 = arith.mulf %mul3A, %bitcast_convert_type3A : vector<1024x512xf32>
    %mul3A_25 = vector.broadcast %get3A_23 : vector<1024x1xf32> to vector<1024x512xf32>
    %mul3A_26 = arith.mulf %mul3A_25, %bitcast_convert_type3A_13 : vector<1024x512xf32>
    %add3A = arith.addf %mul3A_24, %mul3A_26 : vector<1024x512xf32>
    %swap3A = arith.constant 0 : index
    %swap3A_27 = arith.constant 0 : index
    %swap3A_28 = vector.load %arg5[%swap3A, %swap3A_27] : memref<1024x1024xf32, #tpu.memory_space<vmem>>, vector<1024x512xf32>
    tpu.vector_store %arg5[%swap3A, %swap3A_27], %add3A {strides = array<i32>} : memref<1024x1024xf32, #tpu.memory_space<vmem>>, vector<1024x512xf32>,
    %mul3A_29 = vector.broadcast %get3A_20 : vector<1024x1xf32> to vector<1024x512xf32>
    %mul3A_30 = arith.mulf %mul3A_29, %bitcast_convert_type3A_6 : vector<1024x512xf32>
    %mul3A_31 = vector.broadcast %get3A_23 : vector<1024x1xf32> to vector<1024x512xf32>
    %mul3A_32 = arith.mulf %mul3A_31, %bitcast_convert_type3A_17 : vector<1024x512xf32>
    %add3A_33 = arith.addf %mul3A_30, %mul3A_32 : vector<1024x512xf32>
    %swap3A_34 = arith.constant 0 : index
    %swap3A_35 = arith.constant 512 : index
    %swap3A_36 = vector.load %arg5[%swap3A_34, %swap3A_35] : memref<1024x1024xf32, #tpu.memory_space<vmem>>, vector<1024x512xf32>
    tpu.vector_store %arg5[%swap3A_34, %swap3A_35], %add3A_33 {strides = array<i32>} : memref<1024x1024xf32, #tpu.memory_space<vmem>>, vector<1024x512xf32>,
    return
  }
  func.func @transform_0(%arg0: i32) -> (i32, i32) {
    %c0_i32 = arith.constant 0 : i32
    %c0_i32_0 = arith.constant 0 : i32
    return %arg0, %c0_i32 : i32, i32
  }
  func.func @transform_1(%arg0: i32) -> (i32, i32) {
    %c0_i32 = arith.constant 0 : i32
    %c0_i32_0 = arith.constant 0 : i32
    return %arg0, %c0_i32 : i32, i32
  }
  func.func @transform_2(%arg0: i32) -> (i32, i32) {
    %c0_i32 = arith.constant 0 : i32
    %c0_i32_0 = arith.constant 0 : i32
    return %arg0, %c0_i32 : i32, i32
  }
  func.func @transform_3(%arg0: i32) -> (i32, i32) {
    %c0_i32 = arith.constant 0 : i32
    %c0_i32_0 = arith.constant 0 : i32
    return %arg0, %c0_i32 : i32, i32
  }
  func.func @transform_4(%arg0: i32) -> (i32, i32) {
    %c0_i32 = arith.constant 0 : i32
    %c0_i32_0 = arith.constant 0 : i32
    return %arg0, %c0_i32 : i32, i32
  }
}

module attributes {stable_mosaic.version = 14 : i64} {
  func.func @_gmm_body(%arg0: i32, %arg1: memref<40xi32, #tpu.memory_space<smem>>, %arg2: memref<256x512xi32, #tpu.memory_space<vmem>>, %arg3: memref<1x1024x1024xf32, #tpu.memory_space<vmem>>, %arg4: memref<1x1x1024xf32, #tpu.memory_space<vmem>>, %arg5: memref<256x512xi32, #tpu.memory_space<vmem>>) attributes {dimension_semantics = [#tpu.dimension_semantics<arbitrary>], iteration_bounds = array<i64: 40>, scalar_prefetch = 1 : i64, scratch_operands = 0 : i64, tpu.core_type = #tpu.core_type<tc>, window_params = [{transform_indices = @transform_0, window_bounds = array<i64: 256, 512>}, {transform_indices = @transform_1, window_bounds = array<i64: 1, 1024, 1024>}, {transform_indices = @transform_2, window_bounds = array<i64: 1, 1, 1024>}, {transform_indices = @transform_3, window_bounds = array<i64: 256, 512>}]} {
    %get3A = arith.constant 0 : index
    %get3A_0 = arith.constant 0 : index
    %get3A_1 = vector.load %arg2[%get3A, %get3A_0] : memref<256x512xi32, #tpu.memory_space<vmem>>, vector<256x512xi32>
    %shift_left3A = arith.constant 16 : i32
    %shift_left3A_2 = vector.broadcast %shift_left3A : i32 to vector<256x512xi32>
    %shift_left3A_3 = arith.shli %get3A_1, %shift_left3A_2 : vector<256x512xi32>
    %bitcast_convert_type3A = tpu.bitcast %shift_left3A_3 : vector<256x512xi32> -> vector<256x512xf32>
    %and3A = arith.constant -65536 : i32
    %and3A_4 = vector.broadcast %and3A : i32 to vector<256x512xi32>
    %and3A_5 = arith.andi %get3A_1, %and3A_4 : vector<256x512xi32>
    %bitcast_convert_type3A_6 = tpu.bitcast %and3A_5 : vector<256x512xi32> -> vector<256x512xf32>
    %get3A_7 = arith.constant 0 : index
    %get3A_8 = arith.constant 0 : index
    %get3A_9 = arith.constant 0 : index
    %get3A_10 = vector.load %arg3[%get3A_7, %get3A_8, %get3A_9] : memref<1x1024x1024xf32, #tpu.memory_space<vmem>>, vector<1x1024x1024xf32>
    %get3A_11 = vector.shape_cast %get3A_10 : vector<1x1024x1024xf32> to vector<1024x1024xf32>
    %convert_element_type3A = arith.truncf %bitcast_convert_type3A : vector<256x512xf32> to vector<256x512xbf16>
    %slice3A = vector.extract_strided_slice %get3A_11 {offsets = [0, 0], sizes = [1024, 512], strides = [1, 1]} : vector<1024x1024xf32> to vector<1024x512xf32>
    %convert_element_type3A_12 = arith.truncf %slice3A : vector<1024x512xf32> to vector<1024x512xbf16>
    %dot_general3A = arith.constant dense<0.000000e+00> : vector<256x1024xf32>
    %dot_general3A_13 = tpu.matmul %convert_element_type3A, %convert_element_type3A_12, %dot_general3A {dimension_numbers = #tpu.dot_dimension_numbers<[1], [1], [0], [0], [0, 0, 1, 0], [], []>, transpose_lhs_hint = false} : vector<256x512xbf16>, vector<1024x512xbf16>, vector<256x1024xf32> -> vector<256x1024xf32>
    %convert_element_type3A_14 = arith.truncf %bitcast_convert_type3A_6 : vector<256x512xf32> to vector<256x512xbf16>
    %slice3A_15 = vector.extract_strided_slice %get3A_11 {offsets = [0, 512], sizes = [1024, 512], strides = [1, 1]} : vector<1024x1024xf32> to vector<1024x512xf32>
    %convert_element_type3A_16 = arith.truncf %slice3A_15 : vector<1024x512xf32> to vector<1024x512xbf16>
    %dot_general3A_17 = arith.constant dense<0.000000e+00> : vector<256x1024xf32>
    %dot_general3A_18 = tpu.matmul %convert_element_type3A_14, %convert_element_type3A_16, %dot_general3A_17 {dimension_numbers = #tpu.dot_dimension_numbers<[1], [1], [0], [0], [0, 0, 1, 0], [], []>, transpose_lhs_hint = false} : vector<256x512xbf16>, vector<1024x512xbf16>, vector<256x1024xf32> -> vector<256x1024xf32>
    %add3A = arith.addf %dot_general3A_13, %dot_general3A_18 : vector<256x1024xf32>
    %get3A_19 = arith.constant 0 : index
    %get3A_20 = arith.constant 0 : index
    %get3A_21 = arith.constant 0 : index
    %get3A_22 = vector.load %arg4[%get3A_19, %get3A_20, %get3A_21] : memref<1x1x1024xf32, #tpu.memory_space<vmem>>, vector<1x1x1024xf32>
    %get3A_23 = vector.shape_cast %get3A_22 : vector<1x1x1024xf32> to vector<1024xf32>
    %broadcast_in_dim3A = vector.shape_cast %get3A_23 : vector<1024xf32> to vector<1x1024xf32>
    %add3A_24 = vector.broadcast %broadcast_in_dim3A : vector<1x1024xf32> to vector<256x1024xf32>
    %add3A_25 = arith.addf %add3A, %add3A_24 : vector<256x1024xf32>
    %mul3A = arith.constant 5.000000e-01 : f32
    %mul3A_26 = vector.broadcast %mul3A : f32 to vector<256x1024xf32>
    %mul3A_27 = arith.mulf %mul3A_26, %add3A_25 : vector<256x1024xf32>
    %mul3A_28 = arith.constant 0.707106769 : f32
    %mul3A_29 = vector.broadcast %mul3A_28 : f32 to vector<256x1024xf32>
    %mul3A_30 = arith.mulf %add3A_25, %mul3A_29 : vector<256x1024xf32>
    %erf3A = math.erf %mul3A_30 : vector<256x1024xf32>
    %add3A_31 = arith.constant 1.000000e+00 : f32
    %add3A_32 = vector.broadcast %add3A_31 : f32 to vector<256x1024xf32>
    %add3A_33 = arith.addf %add3A_32, %erf3A : vector<256x1024xf32>
    %mul3A_34 = arith.mulf %mul3A_27, %add3A_33 : vector<256x1024xf32>
    %slice3A_35 = vector.extract_strided_slice %mul3A_34 {offsets = [0, 0], sizes = [256, 512], strides = [1, 1]} : vector<256x1024xf32> to vector<256x512xf32>
    %slice3A_36 = vector.extract_strided_slice %mul3A_34 {offsets = [0, 512], sizes = [256, 512], strides = [1, 1]} : vector<256x1024xf32> to vector<256x512xf32>
    %convert_element_type3A_37 = arith.truncf %slice3A_35 : vector<256x512xf32> to vector<256x512xbf16>
    %convert_element_type3A_38 = arith.extf %convert_element_type3A_37 : vector<256x512xbf16> to vector<256x512xf32>
    %bitcast_convert_type3A_39 = tpu.bitcast %convert_element_type3A_38 : vector<256x512xf32> -> vector<256x512xi32>
    %convert_element_type3A_40 = arith.truncf %slice3A_36 : vector<256x512xf32> to vector<256x512xbf16>
    %convert_element_type3A_41 = arith.extf %convert_element_type3A_40 : vector<256x512xbf16> to vector<256x512xf32>
    %bitcast_convert_type3A_42 = tpu.bitcast %convert_element_type3A_41 : vector<256x512xf32> -> vector<256x512xi32>
    %shift_right_logical3A = arith.constant 16 : i32
    %shift_right_logical3A_43 = vector.broadcast %shift_right_logical3A : i32 to vector<256x512xi32>
    %shift_right_logical3A_44 = arith.shrui %bitcast_convert_type3A_39, %shift_right_logical3A_43 : vector<256x512xi32>
    %and3A_45 = arith.constant -65536 : i32
    %and3A_46 = vector.broadcast %and3A_45 : i32 to vector<256x512xi32>
    %and3A_47 = arith.andi %bitcast_convert_type3A_42, %and3A_46 : vector<256x512xi32>
    %or3A = arith.ori %shift_right_logical3A_44, %and3A_47 : vector<256x512xi32>
    %swap3A = arith.constant 0 : index
    %swap3A_48 = arith.constant 0 : index
    %swap3A_49 = vector.load %arg5[%swap3A, %swap3A_48] : memref<256x512xi32, #tpu.memory_space<vmem>>, vector<256x512xi32>
    tpu.vector_store %arg5[%swap3A, %swap3A_48], %or3A {strides = array<i32>} : memref<256x512xi32, #tpu.memory_space<vmem>>, vector<256x512xi32>,
    return
  }
  func.func @transform_0(%arg0: i32, %arg1: memref<40xi32, #tpu.memory_space<smem>>) -> (i32, i32) {
    %c0_i32 = arith.constant 0 : i32
    %c0_i32_0 = arith.constant 0 : i32
    return %arg0, %c0_i32 : i32, i32
  }
  func.func @transform_1(%arg0: i32, %arg1: memref<40xi32, #tpu.memory_space<smem>>) -> (i32, i32, i32) {
    %get3A = arith.index_cast %arg0 : i32 to index
    %get3A_0 = memref.load %arg1[%get3A] : memref<40xi32, #tpu.memory_space<smem>>
    %c0_i32 = arith.constant 0 : i32
    %c0_i32_1 = arith.constant 0 : i32
    %c0_i32_2 = arith.constant 0 : i32
    return %get3A_0, %c0_i32, %c0_i32_1 : i32, i32, i32
  }
  func.func @transform_2(%arg0: i32, %arg1: memref<40xi32, #tpu.memory_space<smem>>) -> (i32, i32, i32) {
    %get3A = arith.index_cast %arg0 : i32 to index
    %get3A_0 = memref.load %arg1[%get3A] : memref<40xi32, #tpu.memory_space<smem>>
    %c0_i32 = arith.constant 0 : i32
    %c0_i32_1 = arith.constant 0 : i32
    %c0_i32_2 = arith.constant 0 : i32
    return %get3A_0, %c0_i32, %c0_i32_1 : i32, i32, i32
  }
  func.func @transform_3(%arg0: i32, %arg1: memref<40xi32, #tpu.memory_space<smem>>) -> (i32, i32) {
    %c0_i32 = arith.constant 0 : i32
    %c0_i32_0 = arith.constant 0 : i32
    return %arg0, %c0_i32 : i32, i32
  }
}

module attributes {stable_mosaic.version = 14 : i64} {
  func.func @_router_body(%arg0: i32, %arg1: memref<512x1024xf32, #tpu.memory_space<vmem>>, %arg2: memref<8x1024xf32, #tpu.memory_space<vmem>>, %arg3: memref<1x8xf32, #tpu.memory_space<vmem>>, %arg4: memref<512x512xi32, #tpu.memory_space<vmem>>, %arg5: memref<512x1xf32, #tpu.memory_space<vmem>>, %arg6: memref<512x1xf32, #tpu.memory_space<vmem>>, %arg7: memref<64x128xi32, #tpu.memory_space<vmem>>, %arg8: memref<1x128xi32, #tpu.memory_space<vmem>>, %arg9: memref<64x128xi32, #tpu.memory_space<vmem>>) attributes {dimension_semantics = [#tpu.dimension_semantics<arbitrary>], iteration_bounds = array<i64: 8>, scalar_prefetch = 0 : i64, scratch_operands = 1 : i64, tpu.core_type = #tpu.core_type<tc>, window_params = [{transform_indices = @transform_0, window_bounds = array<i64: 512, 1024>}, {pipeline_mode = #tpu.pipeline_mode<synchronous>, transform_indices = @transform_1, window_bounds = array<i64: 8, 1024>}, {pipeline_mode = #tpu.pipeline_mode<synchronous>, transform_indices = @transform_2, window_bounds = array<i64: 1, 8>}, {transform_indices = @transform_3, window_bounds = array<i64: 512, 512>}, {transform_indices = @transform_4, window_bounds = array<i64: 512, 1>}, {transform_indices = @transform_5, window_bounds = array<i64: 512, 1>}, {pipeline_mode = #tpu.pipeline_mode<synchronous>, transform_indices = @transform_6, window_bounds = array<i64: 64, 128>}, {pipeline_mode = #tpu.pipeline_mode<synchronous>, transform_indices = @transform_7, window_bounds = array<i64: 1, 128>}]} {
    %get3A = arith.constant 0 : index
    %get3A_0 = arith.constant 0 : index
    %get3A_1 = vector.load %arg1[%get3A, %get3A_0] : memref<512x1024xf32, #tpu.memory_space<vmem>>, vector<512x1024xf32>
    %convert_element_type3A = arith.truncf %get3A_1 : vector<512x1024xf32> to vector<512x1024xbf16>
    %get3A_2 = arith.constant 0 : index
    %get3A_3 = arith.constant 0 : index
    %get3A_4 = vector.load %arg2[%get3A_2, %get3A_3] : memref<8x1024xf32, #tpu.memory_space<vmem>>, vector<8x1024xf32>
    %convert_element_type3A_5 = arith.truncf %get3A_4 : vector<8x1024xf32> to vector<8x1024xbf16>
    %dot_general3A = arith.constant dense<0.000000e+00> : vector<512x8xf32>
    %dot_general3A_6 = tpu.matmul %convert_element_type3A, %convert_element_type3A_5, %dot_general3A {dimension_numbers = #tpu.dot_dimension_numbers<[1], [1], [0], [0], [0, 0, 1, 0], [], []>, transpose_lhs_hint = false} : vector<512x1024xbf16>, vector<8x1024xbf16>, vector<512x8xf32> -> vector<512x8xf32>
    %get3A_7 = arith.constant 0 : index
    %get3A_8 = arith.constant 0 : index
    %get3A_9 = vector.load %arg3[%get3A_7, %get3A_8] : memref<1x8xf32, #tpu.memory_space<vmem>>, vector<1x8xf32>
    %add3A = vector.broadcast %get3A_9 : vector<1x8xf32> to vector<512x8xf32>
    %add3A_10 = arith.addf %dot_general3A_6, %add3A : vector<512x8xf32>
    %reduce_max3A = arith.constant dense<0xFF800000> : vector<512xf32>
    %reduce_max3A_11 = vector.multi_reduction <maximumf>, %add3A_10, %reduce_max3A [1] : vector<512x8xf32> to vector<512xf32>
    %broadcast_in_dim3A = vector.shape_cast %reduce_max3A_11 : vector<512xf32> to vector<512x1xf32>
    %sub3A = vector.broadcast %broadcast_in_dim3A : vector<512x1xf32> to vector<512x8xf32>
    %sub3A_12 = arith.subf %add3A_10, %sub3A : vector<512x8xf32>
    %exp3A = math.exp %sub3A_12 : vector<512x8xf32>
    %reduce_sum3A = arith.constant dense<0.000000e+00> : vector<512xf32>
    %reduce_sum3A_13 = vector.multi_reduction <add>, %exp3A, %reduce_sum3A [1] : vector<512x8xf32> to vector<512xf32>
    %broadcast_in_dim3A_14 = vector.shape_cast %reduce_sum3A_13 : vector<512xf32> to vector<512x1xf32>
    %div3A = vector.broadcast %broadcast_in_dim3A_14 : vector<512x1xf32> to vector<512x8xf32>
    %div3A_15 = arith.divf %exp3A, %div3A : vector<512x8xf32>
    %iota3A = tpu.iota {dimensions = array<i32: 1>} : vector<512x8xi32>
    %reduce_max3A_16 = arith.constant dense<0xFF800000> : vector<512xf32>
    %reduce_max3A_17 = vector.multi_reduction <maximumf>, %div3A_15, %reduce_max3A_16 [1] : vector<512x8xf32> to vector<512xf32>
    %broadcast_in_dim3A_18 = vector.shape_cast %reduce_max3A_17 : vector<512xf32> to vector<512x1xf32>
    %argmax3A = tpu.reduce_index %div3A_15 {axis = 1 : i32, kind = #tpu.reduction_kind<arg_max>} : vector<512x8xf32> -> vector<512xi32>
    %broadcast_in_dim3A_19 = vector.shape_cast %argmax3A : vector<512xi32> to vector<512x1xi32>
    %eq3A = vector.broadcast %broadcast_in_dim3A_19 : vector<512x1xi32> to vector<512x8xi32>
    %eq3A_20 = arith.cmpi eq, %iota3A, %eq3A : vector<512x8xi32>
    %jit3A = arith.constant -1.000000e+00 : f32
    %broadcast_in_dim3A_21 = vector.broadcast %jit3A : f32 to vector<512x8xf32>
    %select_n3A = arith.select %eq3A_20, %broadcast_in_dim3A_21, %div3A_15 : vector<512x8xi1>, vector<512x8xf32>
    %reduce_max3A_22 = arith.constant dense<0xFF800000> : vector<512xf32>
    %reduce_max3A_23 = vector.multi_reduction <maximumf>, %select_n3A, %reduce_max3A_22 [1] : vector<512x8xf32> to vector<512xf32>
    %broadcast_in_dim3A_24 = vector.shape_cast %reduce_max3A_23 : vector<512xf32> to vector<512x1xf32>
    %argmax3A_25 = tpu.reduce_index %select_n3A {axis = 1 : i32, kind = #tpu.reduction_kind<arg_max>} : vector<512x8xf32> -> vector<512xi32>
    %broadcast_in_dim3A_26 = vector.shape_cast %argmax3A_25 : vector<512xi32> to vector<512x1xi32>
    %add3A_27 = arith.addf %broadcast_in_dim3A_18, %broadcast_in_dim3A_24 : vector<512x1xf32>
    %reshape3A = vector.shape_cast %broadcast_in_dim3A_19 : vector<512x1xi32> to vector<4x128xi32>
    %mul3A = arith.constant 4 : i32
    %mul3A_28 = arith.muli %arg0, %mul3A : i32
    %swap3A = arith.index_cast %mul3A_28 : i32 to index
    %swap3A_29 = arith.constant 0 : index
    %swap3A_30 = vector.load %arg9[%swap3A, %swap3A_29] : memref<64x128xi32, #tpu.memory_space<vmem>>, vector<4x128xi32>
    tpu.vector_store %arg9[%swap3A, %swap3A_29], %reshape3A {strides = array<i32>} : memref<64x128xi32, #tpu.memory_space<vmem>>, vector<4x128xi32>,
    %reshape3A_31 = vector.shape_cast %broadcast_in_dim3A_26 : vector<512x1xi32> to vector<4x128xi32>
    %mul3A_32 = arith.constant 4 : i32
    %mul3A_33 = arith.muli %arg0, %mul3A_32 : i32
    %add3A_34 = arith.constant 32 : i32
    %add3A_35 = arith.addi %add3A_34, %mul3A_33 : i32
    %swap3A_36 = arith.index_cast %add3A_35 : i32 to index
    %swap3A_37 = arith.constant 0 : index
    %swap3A_38 = vector.load %arg9[%swap3A_36, %swap3A_37] : memref<64x128xi32, #tpu.memory_space<vmem>>, vector<4x128xi32>
    tpu.vector_store %arg9[%swap3A_36, %swap3A_37], %reshape3A_31 {strides = array<i32>} : memref<64x128xi32, #tpu.memory_space<vmem>>, vector<4x128xi32>,
    %div3A_39 = arith.divf %broadcast_in_dim3A_18, %add3A_27 : vector<512x1xf32>
    %swap3A_40 = arith.constant 0 : index
    %swap3A_41 = arith.constant 0 : index
    %swap3A_42 = vector.load %arg5[%swap3A_40, %swap3A_41] : memref<512x1xf32, #tpu.memory_space<vmem>>, vector<512x1xf32>
    tpu.vector_store %arg5[%swap3A_40, %swap3A_41], %div3A_39 {strides = array<i32>} : memref<512x1xf32, #tpu.memory_space<vmem>>, vector<512x1xf32>,
    %div3A_43 = arith.divf %broadcast_in_dim3A_24, %add3A_27 : vector<512x1xf32>
    %swap3A_44 = arith.constant 0 : index
    %swap3A_45 = arith.constant 0 : index
    %swap3A_46 = vector.load %arg6[%swap3A_44, %swap3A_45] : memref<512x1xf32, #tpu.memory_space<vmem>>, vector<512x1xf32>
    tpu.vector_store %arg6[%swap3A_44, %swap3A_45], %div3A_43 {strides = array<i32>} : memref<512x1xf32, #tpu.memory_space<vmem>>, vector<512x1xf32>,
    %get3A_47 = arith.constant 0 : index
    %get3A_48 = arith.constant 0 : index
    %get3A_49 = vector.load %arg1[%get3A_47, %get3A_48] : memref<512x1024xf32, #tpu.memory_space<vmem>>, vector<512x512xf32>
    %get3A_50 = arith.constant 0 : index
    %get3A_51 = arith.constant 512 : index
    %get3A_52 = vector.load %arg1[%get3A_50, %get3A_51] : memref<512x1024xf32, #tpu.memory_space<vmem>>, vector<512x512xf32>
    %convert_element_type3A_53 = arith.truncf %get3A_49 : vector<512x512xf32> to vector<512x512xbf16>
    %convert_element_type3A_54 = arith.extf %convert_element_type3A_53 : vector<512x512xbf16> to vector<512x512xf32>
    %bitcast_convert_type3A = tpu.bitcast %convert_element_type3A_54 : vector<512x512xf32> -> vector<512x512xi32>
    %convert_element_type3A_55 = arith.truncf %get3A_52 : vector<512x512xf32> to vector<512x512xbf16>
    %convert_element_type3A_56 = arith.extf %convert_element_type3A_55 : vector<512x512xbf16> to vector<512x512xf32>
    %bitcast_convert_type3A_57 = tpu.bitcast %convert_element_type3A_56 : vector<512x512xf32> -> vector<512x512xi32>
    %shift_right_logical3A = arith.constant 16 : i32
    %shift_right_logical3A_58 = vector.broadcast %shift_right_logical3A : i32 to vector<512x512xi32>
    %shift_right_logical3A_59 = arith.shrui %bitcast_convert_type3A, %shift_right_logical3A_58 : vector<512x512xi32>
    %and3A = arith.constant -65536 : i32
    %and3A_60 = vector.broadcast %and3A : i32 to vector<512x512xi32>
    %and3A_61 = arith.andi %bitcast_convert_type3A_57, %and3A_60 : vector<512x512xi32>
    %or3A = arith.ori %shift_right_logical3A_59, %and3A_61 : vector<512x512xi32>
    %swap3A_62 = arith.constant 0 : index
    %swap3A_63 = arith.constant 0 : index
    %swap3A_64 = vector.load %arg4[%swap3A_62, %swap3A_63] : memref<512x512xi32, #tpu.memory_space<vmem>>, vector<512x512xi32>
    tpu.vector_store %arg4[%swap3A_62, %swap3A_63], %or3A {strides = array<i32>} : memref<512x512xi32, #tpu.memory_space<vmem>>, vector<512x512xi32>,
    %eq3A_65 = arith.constant 7 : i32
    %eq3A_66 = arith.cmpi eq, %arg0, %eq3A_65 : i32
    %convert_element_type3A_67 = arith.extui %eq3A_66 : i1 to i32
    %cond3A = arith.constant 0 : i32
    %cond3A_68 = arith.cmpi ne, %convert_element_type3A_67, %cond3A : i32
    scf.if %cond3A_68 {
      %get3A_69 = arith.constant 0 : index
      %get3A_70 = arith.constant 0 : index
      %get3A_71 = vector.load %arg9[%get3A_69, %get3A_70] : memref<64x128xi32, #tpu.memory_space<vmem>>, vector<64x128xi32>
      %broadcast_in_dim3A_72 = arith.constant 0 : i32
      %broadcast_in_dim3A_73 = vector.broadcast %broadcast_in_dim3A_72 : i32 to vector<64x128xi32>
      %broadcast_in_dim3A_74 = arith.constant 0 : i32
      %broadcast_in_dim3A_75 = vector.broadcast %broadcast_in_dim3A_74 : i32 to vector<1x128xi32>
      %iota3A_76 = tpu.iota {dimensions = array<i32: 1>} : vector<1x128xi32>
      %eq3A_77 = arith.constant 0 : i32
      %eq3A_78 = vector.broadcast %eq3A_77 : i32 to vector<64x128xi32>
      %eq3A_79 = arith.cmpi eq, %get3A_71, %eq3A_78 : vector<64x128xi32>
      %convert_element_type3A_80 = arith.extui %eq3A_79 : vector<64x128xi1> to vector<64x128xi32>
      %broadcast_in_dim3A_81 = arith.constant 0 : i32
      %broadcast_in_dim3A_82 = vector.broadcast %broadcast_in_dim3A_81 : i32 to vector<64x1xi32>
      %slice3A = vector.extract_strided_slice %convert_element_type3A_80 {offsets = [0, 0], sizes = [64, 127], strides = [1, 1]} : vector<64x128xi32> to vector<64x127xi32>
      %concatenate3A = tpu.concatenate %broadcast_in_dim3A_82, %slice3A in 1 : vector<64x1xi32>, vector<64x127xi32> -> vector<64x128xi32>
      %add3A_83 = arith.addi %convert_element_type3A_80, %concatenate3A : vector<64x128xi32>
      %broadcast_in_dim3A_84 = arith.constant 0 : i32
      %broadcast_in_dim3A_85 = vector.broadcast %broadcast_in_dim3A_84 : i32 to vector<64x2xi32>
      %slice3A_86 = vector.extract_strided_slice %add3A_83 {offsets = [0, 0], sizes = [64, 126], strides = [1, 1]} : vector<64x128xi32> to vector<64x126xi32>
      %concatenate3A_87 = tpu.concatenate %broadcast_in_dim3A_85, %slice3A_86 in 1 : vector<64x2xi32>, vector<64x126xi32> -> vector<64x128xi32>
      %add3A_88 = arith.addi %add3A_83, %concatenate3A_87 : vector<64x128xi32>
      %broadcast_in_dim3A_89 = arith.constant 0 : i32
      %broadcast_in_dim3A_90 = vector.broadcast %broadcast_in_dim3A_89 : i32 to vector<64x4xi32>
      %slice3A_91 = vector.extract_strided_slice %add3A_88 {offsets = [0, 0], sizes = [64, 124], strides = [1, 1]} : vector<64x128xi32> to vector<64x124xi32>
      %concatenate3A_92 = tpu.concatenate %broadcast_in_dim3A_90, %slice3A_91 in 1 : vector<64x4xi32>, vector<64x124xi32> -> vector<64x128xi32>
      %add3A_93 = arith.addi %add3A_88, %concatenate3A_92 : vector<64x128xi32>
      %broadcast_in_dim3A_94 = arith.constant 0 : i32
      %broadcast_in_dim3A_95 = vector.broadcast %broadcast_in_dim3A_94 : i32 to vector<64x8xi32>
      %slice3A_96 = vector.extract_strided_slice %add3A_93 {offsets = [0, 0], sizes = [64, 120], strides = [1, 1]} : vector<64x128xi32> to vector<64x120xi32>
      %concatenate3A_97 = tpu.concatenate %broadcast_in_dim3A_95, %slice3A_96 in 1 : vector<64x8xi32>, vector<64x120xi32> -> vector<64x128xi32>
      %add3A_98 = arith.addi %add3A_93, %concatenate3A_97 : vector<64x128xi32>
      %broadcast_in_dim3A_99 = arith.constant 0 : i32
      %broadcast_in_dim3A_100 = vector.broadcast %broadcast_in_dim3A_99 : i32 to vector<64x16xi32>
      %slice3A_101 = vector.extract_strided_slice %add3A_98 {offsets = [0, 0], sizes = [64, 112], strides = [1, 1]} : vector<64x128xi32> to vector<64x112xi32>
      %concatenate3A_102 = tpu.concatenate %broadcast_in_dim3A_100, %slice3A_101 in 1 : vector<64x16xi32>, vector<64x112xi32> -> vector<64x128xi32>
      %add3A_103 = arith.addi %add3A_98, %concatenate3A_102 : vector<64x128xi32>
      %broadcast_in_dim3A_104 = arith.constant 0 : i32
      %broadcast_in_dim3A_105 = vector.broadcast %broadcast_in_dim3A_104 : i32 to vector<64x32xi32>
      %slice3A_106 = vector.extract_strided_slice %add3A_103 {offsets = [0, 0], sizes = [64, 96], strides = [1, 1]} : vector<64x128xi32> to vector<64x96xi32>
      %concatenate3A_107 = tpu.concatenate %broadcast_in_dim3A_105, %slice3A_106 in 1 : vector<64x32xi32>, vector<64x96xi32> -> vector<64x128xi32>
      %add3A_108 = arith.addi %add3A_103, %concatenate3A_107 : vector<64x128xi32>
      %broadcast_in_dim3A_109 = arith.constant 0 : i32
      %broadcast_in_dim3A_110 = vector.broadcast %broadcast_in_dim3A_109 : i32 to vector<64x64xi32>
      %slice3A_111 = vector.extract_strided_slice %add3A_108 {offsets = [0, 0], sizes = [64, 64], strides = [1, 1]} : vector<64x128xi32> to vector<64x64xi32>
      %concatenate3A_112 = tpu.concatenate %broadcast_in_dim3A_110, %slice3A_111 in 1 : vector<64x64xi32>, vector<64x64xi32> -> vector<64x128xi32>
      %add3A_113 = arith.addi %add3A_108, %concatenate3A_112 : vector<64x128xi32>
      %slice3A_114 = vector.extract_strided_slice %add3A_113 {offsets = [0, 127], sizes = [64, 1], strides = [1, 1]} : vector<64x128xi32> to vector<64x1xi32>
      %broadcast_in_dim3A_115 = arith.constant 0 : i32
      %broadcast_in_dim3A_116 = vector.broadcast %broadcast_in_dim3A_115 : i32 to vector<1x1xi32>
      %slice3A_117 = vector.extract_strided_slice %slice3A_114 {offsets = [0, 0], sizes = [63, 1], strides = [1, 1]} : vector<64x1xi32> to vector<63x1xi32>
      %concatenate3A_118 = tpu.concatenate %broadcast_in_dim3A_116, %slice3A_117 in 0 : vector<1x1xi32>, vector<63x1xi32> -> vector<64x1xi32>
      %add3A_119 = arith.addi %slice3A_114, %concatenate3A_118 : vector<64x1xi32>
      %broadcast_in_dim3A_120 = arith.constant 0 : i32
      %broadcast_in_dim3A_121 = vector.broadcast %broadcast_in_dim3A_120 : i32 to vector<2x1xi32>
      %slice3A_122 = vector.extract_strided_slice %add3A_119 {offsets = [0, 0], sizes = [62, 1], strides = [1, 1]} : vector<64x1xi32> to vector<62x1xi32>
      %concatenate3A_123 = tpu.concatenate %broadcast_in_dim3A_121, %slice3A_122 in 0 : vector<2x1xi32>, vector<62x1xi32> -> vector<64x1xi32>
      %add3A_124 = arith.addi %add3A_119, %concatenate3A_123 : vector<64x1xi32>
      %broadcast_in_dim3A_125 = arith.constant 0 : i32
      %broadcast_in_dim3A_126 = vector.broadcast %broadcast_in_dim3A_125 : i32 to vector<4x1xi32>
      %slice3A_127 = vector.extract_strided_slice %add3A_124 {offsets = [0, 0], sizes = [60, 1], strides = [1, 1]} : vector<64x1xi32> to vector<60x1xi32>
      %concatenate3A_128 = tpu.concatenate %broadcast_in_dim3A_126, %slice3A_127 in 0 : vector<4x1xi32>, vector<60x1xi32> -> vector<64x1xi32>
      %add3A_129 = arith.addi %add3A_124, %concatenate3A_128 : vector<64x1xi32>
      %broadcast_in_dim3A_130 = arith.constant 0 : i32
      %broadcast_in_dim3A_131 = vector.broadcast %broadcast_in_dim3A_130 : i32 to vector<8x1xi32>
      %slice3A_132 = vector.extract_strided_slice %add3A_129 {offsets = [0, 0], sizes = [56, 1], strides = [1, 1]} : vector<64x1xi32> to vector<56x1xi32>
      %concatenate3A_133 = tpu.concatenate %broadcast_in_dim3A_131, %slice3A_132 in 0 : vector<8x1xi32>, vector<56x1xi32> -> vector<64x1xi32>
      %add3A_134 = arith.addi %add3A_129, %concatenate3A_133 : vector<64x1xi32>
      %broadcast_in_dim3A_135 = arith.constant 0 : i32
      %broadcast_in_dim3A_136 = vector.broadcast %broadcast_in_dim3A_135 : i32 to vector<16x1xi32>
      %slice3A_137 = vector.extract_strided_slice %add3A_134 {offsets = [0, 0], sizes = [48, 1], strides = [1, 1]} : vector<64x1xi32> to vector<48x1xi32>
      %concatenate3A_138 = tpu.concatenate %broadcast_in_dim3A_136, %slice3A_137 in 0 : vector<16x1xi32>, vector<48x1xi32> -> vector<64x1xi32>
      %add3A_139 = arith.addi %add3A_134, %concatenate3A_138 : vector<64x1xi32>
      %broadcast_in_dim3A_140 = arith.constant 0 : i32
      %broadcast_in_dim3A_141 = vector.broadcast %broadcast_in_dim3A_140 : i32 to vector<32x1xi32>
      %slice3A_142 = vector.extract_strided_slice %add3A_139 {offsets = [0, 0], sizes = [32, 1], strides = [1, 1]} : vector<64x1xi32> to vector<32x1xi32>
      %concatenate3A_143 = tpu.concatenate %broadcast_in_dim3A_141, %slice3A_142 in 0 : vector<32x1xi32>, vector<32x1xi32> -> vector<64x1xi32>
      %add3A_144 = arith.addi %add3A_139, %concatenate3A_143 : vector<64x1xi32>
      %sub3A_145 = arith.subi %add3A_144, %slice3A_114 : vector<64x1xi32>
      %add3A_146 = vector.broadcast %sub3A_145 : vector<64x1xi32> to vector<64x128xi32>
      %add3A_147 = arith.addi %add3A_113, %add3A_146 : vector<64x128xi32>
      %reduce_sum3A_148 = vector.shape_cast %convert_element_type3A_80 : vector<64x128xi32> to vector<1x64x128xi32>
      %reduce_sum3A_149 = arith.constant dense<0> : vector<1xi32>
      %reduce_sum3A_150 = vector.multi_reduction <add>, %reduce_sum3A_148, %reduce_sum3A_149 [1, 2] : vector<1x64x128xi32> to vector<1xi32>
      %reduce_sum3A_151 = vector.shape_cast %reduce_sum3A_150 : vector<1xi32> to vector<1x1x1xi32>
      %reduce_sum3A_152 = vector.extract %reduce_sum3A_151[0, 0, 0] : i32 from vector<1x1x1xi32>
      %ge3A = arith.constant 0 : i32
      %ge3A_153 = vector.broadcast %ge3A : i32 to vector<1x128xi32>
      %ge3A_154 = arith.cmpi sge, %iota3A_76, %ge3A_153 : vector<1x128xi32>
      %convert_element_type3A_155 = arith.extui %ge3A_154 : vector<1x128xi1> to vector<1x128xi32>
      %add3A_156 = arith.addi %broadcast_in_dim3A_75, %convert_element_type3A_155 : vector<1x128xi32>
      %sub3A_157 = arith.constant 1 : i32
      %sub3A_158 = vector.broadcast %sub3A_157 : i32 to vector<64x128xi32>
      %sub3A_159 = arith.subi %add3A_147, %sub3A_158 : vector<64x128xi32>
      %add3A_160 = arith.constant 0 : i32
      %add3A_161 = vector.broadcast %add3A_160 : i32 to vector<64x128xi32>
      %add3A_162 = arith.addi %sub3A_159, %add3A_161 : vector<64x128xi32>
      %mul3A_163 = arith.muli %convert_element_type3A_80, %add3A_162 : vector<64x128xi32>
      %add3A_164 = arith.addi %broadcast_in_dim3A_73, %mul3A_163 : vector<64x128xi32>
      %add3A_165 = arith.constant 255 : i32
      %add3A_166 = arith.addi %reduce_sum3A_152, %add3A_165 : i32
      %jit3A_167 = arith.constant 256 : i32
      %div3A_168 = arith.divsi %add3A_166, %jit3A_167 : i32
      %sign3A = arith.constant 0 : i32
      %sign3A_169 = arith.cmpi sgt, %add3A_166, %sign3A : i32
      %sign3A_170 = arith.extui %sign3A_169 : i1 to i32
      %sign3A_171 = arith.constant 0 : i32
      %sign3A_172 = arith.cmpi slt, %add3A_166, %sign3A_171 : i32
      %sign3A_173 = arith.extui %sign3A_172 : i1 to i32
      %sign3A_174 = arith.subi %sign3A_170, %sign3A_173 : i32
      %sign3A_175 = arith.constant 0 : i32
      %sign3A_176 = arith.cmpi sgt, %jit3A_167, %sign3A_175 : i32
      %sign3A_177 = arith.extui %sign3A_176 : i1 to i32
      %sign3A_178 = arith.constant 0 : i32
      %sign3A_179 = arith.cmpi slt, %jit3A_167, %sign3A_178 : i32
      %sign3A_180 = arith.extui %sign3A_179 : i1 to i32
      %sign3A_181 = arith.subi %sign3A_177, %sign3A_180 : i32
      %ne3A = arith.cmpi ne, %sign3A_174, %sign3A_181 : i32
      %rem3A = arith.remsi %add3A_166, %jit3A_167 : i32
      %ne3A_182 = arith.constant 0 : i32
      %ne3A_183 = arith.cmpi ne, %rem3A, %ne3A_182 : i32
      %and3A_184 = arith.andi %ne3A, %ne3A_183 : i1
      %sub3A_185 = arith.constant 1 : i32
      %sub3A_186 = arith.subi %div3A_168, %sub3A_185 : i32
      %select_n3A_187 = arith.select %and3A_184, %sub3A_186, %div3A_168 : i32
      %add3A_188 = arith.constant 0 : i32
      %add3A_189 = arith.addi %add3A_188, %select_n3A_187 : i32
      %mul3A_190 = arith.constant 256 : i32
      %mul3A_191 = arith.muli %select_n3A_187, %mul3A_190 : i32
      %add3A_192 = arith.constant 0 : i32
      %add3A_193 = arith.addi %add3A_192, %mul3A_191 : i32
      %eq3A_194 = arith.constant 1 : i32
      %eq3A_195 = vector.broadcast %eq3A_194 : i32 to vector<64x128xi32>
      %eq3A_196 = arith.cmpi eq, %get3A_71, %eq3A_195 : vector<64x128xi32>
      %convert_element_type3A_197 = arith.extui %eq3A_196 : vector<64x128xi1> to vector<64x128xi32>
      %broadcast_in_dim3A_198 = arith.constant 0 : i32
      %broadcast_in_dim3A_199 = vector.broadcast %broadcast_in_dim3A_198 : i32 to vector<64x1xi32>
      %slice3A_200 = vector.extract_strided_slice %convert_element_type3A_197 {offsets = [0, 0], sizes = [64, 127], strides = [1, 1]} : vector<64x128xi32> to vector<64x127xi32>
      %concatenate3A_201 = tpu.concatenate %broadcast_in_dim3A_199, %slice3A_200 in 1 : vector<64x1xi32>, vector<64x127xi32> -> vector<64x128xi32>
      %add3A_202 = arith.addi %convert_element_type3A_197, %concatenate3A_201 : vector<64x128xi32>
      %broadcast_in_dim3A_203 = arith.constant 0 : i32
      %broadcast_in_dim3A_204 = vector.broadcast %broadcast_in_dim3A_203 : i32 to vector<64x2xi32>
      %slice3A_205 = vector.extract_strided_slice %add3A_202 {offsets = [0, 0], sizes = [64, 126], strides = [1, 1]} : vector<64x128xi32> to vector<64x126xi32>
      %concatenate3A_206 = tpu.concatenate %broadcast_in_dim3A_204, %slice3A_205 in 1 : vector<64x2xi32>, vector<64x126xi32> -> vector<64x128xi32>
      %add3A_207 = arith.addi %add3A_202, %concatenate3A_206 : vector<64x128xi32>
      %broadcast_in_dim3A_208 = arith.constant 0 : i32
      %broadcast_in_dim3A_209 = vector.broadcast %broadcast_in_dim3A_208 : i32 to vector<64x4xi32>
      %slice3A_210 = vector.extract_strided_slice %add3A_207 {offsets = [0, 0], sizes = [64, 124], strides = [1, 1]} : vector<64x128xi32> to vector<64x124xi32>
      %concatenate3A_211 = tpu.concatenate %broadcast_in_dim3A_209, %slice3A_210 in 1 : vector<64x4xi32>, vector<64x124xi32> -> vector<64x128xi32>
      %add3A_212 = arith.addi %add3A_207, %concatenate3A_211 : vector<64x128xi32>
      %broadcast_in_dim3A_213 = arith.constant 0 : i32
      %broadcast_in_dim3A_214 = vector.broadcast %broadcast_in_dim3A_213 : i32 to vector<64x8xi32>
      %slice3A_215 = vector.extract_strided_slice %add3A_212 {offsets = [0, 0], sizes = [64, 120], strides = [1, 1]} : vector<64x128xi32> to vector<64x120xi32>
      %concatenate3A_216 = tpu.concatenate %broadcast_in_dim3A_214, %slice3A_215 in 1 : vector<64x8xi32>, vector<64x120xi32> -> vector<64x128xi32>
      %add3A_217 = arith.addi %add3A_212, %concatenate3A_216 : vector<64x128xi32>
      %broadcast_in_dim3A_218 = arith.constant 0 : i32
      %broadcast_in_dim3A_219 = vector.broadcast %broadcast_in_dim3A_218 : i32 to vector<64x16xi32>
      %slice3A_220 = vector.extract_strided_slice %add3A_217 {offsets = [0, 0], sizes = [64, 112], strides = [1, 1]} : vector<64x128xi32> to vector<64x112xi32>
      %concatenate3A_221 = tpu.concatenate %broadcast_in_dim3A_219, %slice3A_220 in 1 : vector<64x16xi32>, vector<64x112xi32> -> vector<64x128xi32>
      %add3A_222 = arith.addi %add3A_217, %concatenate3A_221 : vector<64x128xi32>
      %broadcast_in_dim3A_223 = arith.constant 0 : i32
      %broadcast_in_dim3A_224 = vector.broadcast %broadcast_in_dim3A_223 : i32 to vector<64x32xi32>
      %slice3A_225 = vector.extract_strided_slice %add3A_222 {offsets = [0, 0], sizes = [64, 96], strides = [1, 1]} : vector<64x128xi32> to vector<64x96xi32>
      %concatenate3A_226 = tpu.concatenate %broadcast_in_dim3A_224, %slice3A_225 in 1 : vector<64x32xi32>, vector<64x96xi32> -> vector<64x128xi32>
      %add3A_227 = arith.addi %add3A_222, %concatenate3A_226 : vector<64x128xi32>
      %broadcast_in_dim3A_228 = arith.constant 0 : i32
      %broadcast_in_dim3A_229 = vector.broadcast %broadcast_in_dim3A_228 : i32 to vector<64x64xi32>
      %slice3A_230 = vector.extract_strided_slice %add3A_227 {offsets = [0, 0], sizes = [64, 64], strides = [1, 1]} : vector<64x128xi32> to vector<64x64xi32>
      %concatenate3A_231 = tpu.concatenate %broadcast_in_dim3A_229, %slice3A_230 in 1 : vector<64x64xi32>, vector<64x64xi32> -> vector<64x128xi32>
      %add3A_232 = arith.addi %add3A_227, %concatenate3A_231 : vector<64x128xi32>
      %slice3A_233 = vector.extract_strided_slice %add3A_232 {offsets = [0, 127], sizes = [64, 1], strides = [1, 1]} : vector<64x128xi32> to vector<64x1xi32>
      %broadcast_in_dim3A_234 = arith.constant 0 : i32
      %broadcast_in_dim3A_235 = vector.broadcast %broadcast_in_dim3A_234 : i32 to vector<1x1xi32>
      %slice3A_236 = vector.extract_strided_slice %slice3A_233 {offsets = [0, 0], sizes = [63, 1], strides = [1, 1]} : vector<64x1xi32> to vector<63x1xi32>
      %concatenate3A_237 = tpu.concatenate %broadcast_in_dim3A_235, %slice3A_236 in 0 : vector<1x1xi32>, vector<63x1xi32> -> vector<64x1xi32>
      %add3A_238 = arith.addi %slice3A_233, %concatenate3A_237 : vector<64x1xi32>
      %broadcast_in_dim3A_239 = arith.constant 0 : i32
      %broadcast_in_dim3A_240 = vector.broadcast %broadcast_in_dim3A_239 : i32 to vector<2x1xi32>
      %slice3A_241 = vector.extract_strided_slice %add3A_238 {offsets = [0, 0], sizes = [62, 1], strides = [1, 1]} : vector<64x1xi32> to vector<62x1xi32>
      %concatenate3A_242 = tpu.concatenate %broadcast_in_dim3A_240, %slice3A_241 in 0 : vector<2x1xi32>, vector<62x1xi32> -> vector<64x1xi32>
      %add3A_243 = arith.addi %add3A_238, %concatenate3A_242 : vector<64x1xi32>
      %broadcast_in_dim3A_244 = arith.constant 0 : i32
      %broadcast_in_dim3A_245 = vector.broadcast %broadcast_in_dim3A_244 : i32 to vector<4x1xi32>
      %slice3A_246 = vector.extract_strided_slice %add3A_243 {offsets = [0, 0], sizes = [60, 1], strides = [1, 1]} : vector<64x1xi32> to vector<60x1xi32>
      %concatenate3A_247 = tpu.concatenate %broadcast_in_dim3A_245, %slice3A_246 in 0 : vector<4x1xi32>, vector<60x1xi32> -> vector<64x1xi32>
      %add3A_248 = arith.addi %add3A_243, %concatenate3A_247 : vector<64x1xi32>
      %broadcast_in_dim3A_249 = arith.constant 0 : i32
      %broadcast_in_dim3A_250 = vector.broadcast %broadcast_in_dim3A_249 : i32 to vector<8x1xi32>
      %slice3A_251 = vector.extract_strided_slice %add3A_248 {offsets = [0, 0], sizes = [56, 1], strides = [1, 1]} : vector<64x1xi32> to vector<56x1xi32>
      %concatenate3A_252 = tpu.concatenate %broadcast_in_dim3A_250, %slice3A_251 in 0 : vector<8x1xi32>, vector<56x1xi32> -> vector<64x1xi32>
      %add3A_253 = arith.addi %add3A_248, %concatenate3A_252 : vector<64x1xi32>
      %broadcast_in_dim3A_254 = arith.constant 0 : i32
      %broadcast_in_dim3A_255 = vector.broadcast %broadcast_in_dim3A_254 : i32 to vector<16x1xi32>
      %slice3A_256 = vector.extract_strided_slice %add3A_253 {offsets = [0, 0], sizes = [48, 1], strides = [1, 1]} : vector<64x1xi32> to vector<48x1xi32>
      %concatenate3A_257 = tpu.concatenate %broadcast_in_dim3A_255, %slice3A_256 in 0 : vector<16x1xi32>, vector<48x1xi32> -> vector<64x1xi32>
      %add3A_258 = arith.addi %add3A_253, %concatenate3A_257 : vector<64x1xi32>
      %broadcast_in_dim3A_259 = arith.constant 0 : i32
      %broadcast_in_dim3A_260 = vector.broadcast %broadcast_in_dim3A_259 : i32 to vector<32x1xi32>
      %slice3A_261 = vector.extract_strided_slice %add3A_258 {offsets = [0, 0], sizes = [32, 1], strides = [1, 1]} : vector<64x1xi32> to vector<32x1xi32>
      %concatenate3A_262 = tpu.concatenate %broadcast_in_dim3A_260, %slice3A_261 in 0 : vector<32x1xi32>, vector<32x1xi32> -> vector<64x1xi32>
      %add3A_263 = arith.addi %add3A_258, %concatenate3A_262 : vector<64x1xi32>
      %sub3A_264 = arith.subi %add3A_263, %slice3A_233 : vector<64x1xi32>
      %add3A_265 = vector.broadcast %sub3A_264 : vector<64x1xi32> to vector<64x128xi32>
      %add3A_266 = arith.addi %add3A_232, %add3A_265 : vector<64x128xi32>
      %reduce_sum3A_267 = vector.shape_cast %convert_element_type3A_197 : vector<64x128xi32> to vector<1x64x128xi32>
      %reduce_sum3A_268 = arith.constant dense<0> : vector<1xi32>
      %reduce_sum3A_269 = vector.multi_reduction <add>, %reduce_sum3A_267, %reduce_sum3A_268 [1, 2] : vector<1x64x128xi32> to vector<1xi32>
      %reduce_sum3A_270 = vector.shape_cast %reduce_sum3A_269 : vector<1xi32> to vector<1x1x1xi32>
      %reduce_sum3A_271 = vector.extract %reduce_sum3A_270[0, 0, 0] : i32 from vector<1x1x1xi32>
      %ge3A_272 = vector.broadcast %add3A_189 : i32 to vector<1x128xi32>
      %ge3A_273 = arith.cmpi sge, %iota3A_76, %ge3A_272 : vector<1x128xi32>
      %convert_element_type3A_274 = arith.extui %ge3A_273 : vector<1x128xi1> to vector<1x128xi32>
      %add3A_275 = arith.addi %add3A_156, %convert_element_type3A_274 : vector<1x128xi32>
      %sub3A_276 = arith.constant 1 : i32
      %sub3A_277 = vector.broadcast %sub3A_276 : i32 to vector<64x128xi32>
      %sub3A_278 = arith.subi %add3A_266, %sub3A_277 : vector<64x128xi32>
      %add3A_279 = vector.broadcast %add3A_193 : i32 to vector<64x128xi32>
      %add3A_280 = arith.addi %sub3A_278, %add3A_279 : vector<64x128xi32>
      %mul3A_281 = arith.muli %convert_element_type3A_197, %add3A_280 : vector<64x128xi32>
      %add3A_282 = arith.addi %add3A_164, %mul3A_281 : vector<64x128xi32>
      %add3A_283 = arith.constant 255 : i32
      %add3A_284 = arith.addi %reduce_sum3A_271, %add3A_283 : i32
      %jit3A_285 = arith.constant 256 : i32
      %div3A_286 = arith.divsi %add3A_284, %jit3A_285 : i32
      %sign3A_287 = arith.constant 0 : i32
      %sign3A_288 = arith.cmpi sgt, %add3A_284, %sign3A_287 : i32
      %sign3A_289 = arith.extui %sign3A_288 : i1 to i32
      %sign3A_290 = arith.constant 0 : i32
      %sign3A_291 = arith.cmpi slt, %add3A_284, %sign3A_290 : i32
      %sign3A_292 = arith.extui %sign3A_291 : i1 to i32
      %sign3A_293 = arith.subi %sign3A_289, %sign3A_292 : i32
      %sign3A_294 = arith.constant 0 : i32
      %sign3A_295 = arith.cmpi sgt, %jit3A_285, %sign3A_294 : i32
      %sign3A_296 = arith.extui %sign3A_295 : i1 to i32
      %sign3A_297 = arith.constant 0 : i32
      %sign3A_298 = arith.cmpi slt, %jit3A_285, %sign3A_297 : i32
      %sign3A_299 = arith.extui %sign3A_298 : i1 to i32
      %sign3A_300 = arith.subi %sign3A_296, %sign3A_299 : i32
      %ne3A_301 = arith.cmpi ne, %sign3A_293, %sign3A_300 : i32
      %rem3A_302 = arith.remsi %add3A_284, %jit3A_285 : i32
      %ne3A_303 = arith.constant 0 : i32
      %ne3A_304 = arith.cmpi ne, %rem3A_302, %ne3A_303 : i32
      %and3A_305 = arith.andi %ne3A_301, %ne3A_304 : i1
      %sub3A_306 = arith.constant 1 : i32
      %sub3A_307 = arith.subi %div3A_286, %sub3A_306 : i32
      %select_n3A_308 = arith.select %and3A_305, %sub3A_307, %div3A_286 : i32
      %add3A_309 = arith.addi %add3A_189, %select_n3A_308 : i32
      %mul3A_310 = arith.constant 256 : i32
      %mul3A_311 = arith.muli %select_n3A_308, %mul3A_310 : i32
      %add3A_312 = arith.addi %add3A_193, %mul3A_311 : i32
      %eq3A_313 = arith.constant 2 : i32
      %eq3A_314 = vector.broadcast %eq3A_313 : i32 to vector<64x128xi32>
      %eq3A_315 = arith.cmpi eq, %get3A_71, %eq3A_314 : vector<64x128xi32>
      %convert_element_type3A_316 = arith.extui %eq3A_315 : vector<64x128xi1> to vector<64x128xi32>
      %broadcast_in_dim3A_317 = arith.constant 0 : i32
      %broadcast_in_dim3A_318 = vector.broadcast %broadcast_in_dim3A_317 : i32 to vector<64x1xi32>
      %slice3A_319 = vector.extract_strided_slice %convert_element_type3A_316 {offsets = [0, 0], sizes = [64, 127], strides = [1, 1]} : vector<64x128xi32> to vector<64x127xi32>
      %concatenate3A_320 = tpu.concatenate %broadcast_in_dim3A_318, %slice3A_319 in 1 : vector<64x1xi32>, vector<64x127xi32> -> vector<64x128xi32>
      %add3A_321 = arith.addi %convert_element_type3A_316, %concatenate3A_320 : vector<64x128xi32>
      %broadcast_in_dim3A_322 = arith.constant 0 : i32
      %broadcast_in_dim3A_323 = vector.broadcast %broadcast_in_dim3A_322 : i32 to vector<64x2xi32>
      %slice3A_324 = vector.extract_strided_slice %add3A_321 {offsets = [0, 0], sizes = [64, 126], strides = [1, 1]} : vector<64x128xi32> to vector<64x126xi32>
      %concatenate3A_325 = tpu.concatenate %broadcast_in_dim3A_323, %slice3A_324 in 1 : vector<64x2xi32>, vector<64x126xi32> -> vector<64x128xi32>
      %add3A_326 = arith.addi %add3A_321, %concatenate3A_325 : vector<64x128xi32>
      %broadcast_in_dim3A_327 = arith.constant 0 : i32
      %broadcast_in_dim3A_328 = vector.broadcast %broadcast_in_dim3A_327 : i32 to vector<64x4xi32>
      %slice3A_329 = vector.extract_strided_slice %add3A_326 {offsets = [0, 0], sizes = [64, 124], strides = [1, 1]} : vector<64x128xi32> to vector<64x124xi32>
      %concatenate3A_330 = tpu.concatenate %broadcast_in_dim3A_328, %slice3A_329 in 1 : vector<64x4xi32>, vector<64x124xi32> -> vector<64x128xi32>
      %add3A_331 = arith.addi %add3A_326, %concatenate3A_330 : vector<64x128xi32>
      %broadcast_in_dim3A_332 = arith.constant 0 : i32
      %broadcast_in_dim3A_333 = vector.broadcast %broadcast_in_dim3A_332 : i32 to vector<64x8xi32>
      %slice3A_334 = vector.extract_strided_slice %add3A_331 {offsets = [0, 0], sizes = [64, 120], strides = [1, 1]} : vector<64x128xi32> to vector<64x120xi32>
      %concatenate3A_335 = tpu.concatenate %broadcast_in_dim3A_333, %slice3A_334 in 1 : vector<64x8xi32>, vector<64x120xi32> -> vector<64x128xi32>
      %add3A_336 = arith.addi %add3A_331, %concatenate3A_335 : vector<64x128xi32>
      %broadcast_in_dim3A_337 = arith.constant 0 : i32
      %broadcast_in_dim3A_338 = vector.broadcast %broadcast_in_dim3A_337 : i32 to vector<64x16xi32>
      %slice3A_339 = vector.extract_strided_slice %add3A_336 {offsets = [0, 0], sizes = [64, 112], strides = [1, 1]} : vector<64x128xi32> to vector<64x112xi32>
      %concatenate3A_340 = tpu.concatenate %broadcast_in_dim3A_338, %slice3A_339 in 1 : vector<64x16xi32>, vector<64x112xi32> -> vector<64x128xi32>
      %add3A_341 = arith.addi %add3A_336, %concatenate3A_340 : vector<64x128xi32>
      %broadcast_in_dim3A_342 = arith.constant 0 : i32
      %broadcast_in_dim3A_343 = vector.broadcast %broadcast_in_dim3A_342 : i32 to vector<64x32xi32>
      %slice3A_344 = vector.extract_strided_slice %add3A_341 {offsets = [0, 0], sizes = [64, 96], strides = [1, 1]} : vector<64x128xi32> to vector<64x96xi32>
      %concatenate3A_345 = tpu.concatenate %broadcast_in_dim3A_343, %slice3A_344 in 1 : vector<64x32xi32>, vector<64x96xi32> -> vector<64x128xi32>
      %add3A_346 = arith.addi %add3A_341, %concatenate3A_345 : vector<64x128xi32>
      %broadcast_in_dim3A_347 = arith.constant 0 : i32
      %broadcast_in_dim3A_348 = vector.broadcast %broadcast_in_dim3A_347 : i32 to vector<64x64xi32>
      %slice3A_349 = vector.extract_strided_slice %add3A_346 {offsets = [0, 0], sizes = [64, 64], strides = [1, 1]} : vector<64x128xi32> to vector<64x64xi32>
      %concatenate3A_350 = tpu.concatenate %broadcast_in_dim3A_348, %slice3A_349 in 1 : vector<64x64xi32>, vector<64x64xi32> -> vector<64x128xi32>
      %add3A_351 = arith.addi %add3A_346, %concatenate3A_350 : vector<64x128xi32>
      %slice3A_352 = vector.extract_strided_slice %add3A_351 {offsets = [0, 127], sizes = [64, 1], strides = [1, 1]} : vector<64x128xi32> to vector<64x1xi32>
      %broadcast_in_dim3A_353 = arith.constant 0 : i32
      %broadcast_in_dim3A_354 = vector.broadcast %broadcast_in_dim3A_353 : i32 to vector<1x1xi32>
      %slice3A_355 = vector.extract_strided_slice %slice3A_352 {offsets = [0, 0], sizes = [63, 1], strides = [1, 1]} : vector<64x1xi32> to vector<63x1xi32>
      %concatenate3A_356 = tpu.concatenate %broadcast_in_dim3A_354, %slice3A_355 in 0 : vector<1x1xi32>, vector<63x1xi32> -> vector<64x1xi32>
      %add3A_357 = arith.addi %slice3A_352, %concatenate3A_356 : vector<64x1xi32>
      %broadcast_in_dim3A_358 = arith.constant 0 : i32
      %broadcast_in_dim3A_359 = vector.broadcast %broadcast_in_dim3A_358 : i32 to vector<2x1xi32>
      %slice3A_360 = vector.extract_strided_slice %add3A_357 {offsets = [0, 0], sizes = [62, 1], strides = [1, 1]} : vector<64x1xi32> to vector<62x1xi32>
      %concatenate3A_361 = tpu.concatenate %broadcast_in_dim3A_359, %slice3A_360 in 0 : vector<2x1xi32>, vector<62x1xi32> -> vector<64x1xi32>
      %add3A_362 = arith.addi %add3A_357, %concatenate3A_361 : vector<64x1xi32>
      %broadcast_in_dim3A_363 = arith.constant 0 : i32
      %broadcast_in_dim3A_364 = vector.broadcast %broadcast_in_dim3A_363 : i32 to vector<4x1xi32>
      %slice3A_365 = vector.extract_strided_slice %add3A_362 {offsets = [0, 0], sizes = [60, 1], strides = [1, 1]} : vector<64x1xi32> to vector<60x1xi32>
      %concatenate3A_366 = tpu.concatenate %broadcast_in_dim3A_364, %slice3A_365 in 0 : vector<4x1xi32>, vector<60x1xi32> -> vector<64x1xi32>
      %add3A_367 = arith.addi %add3A_362, %concatenate3A_366 : vector<64x1xi32>
      %broadcast_in_dim3A_368 = arith.constant 0 : i32
      %broadcast_in_dim3A_369 = vector.broadcast %broadcast_in_dim3A_368 : i32 to vector<8x1xi32>
      %slice3A_370 = vector.extract_strided_slice %add3A_367 {offsets = [0, 0], sizes = [56, 1], strides = [1, 1]} : vector<64x1xi32> to vector<56x1xi32>
      %concatenate3A_371 = tpu.concatenate %broadcast_in_dim3A_369, %slice3A_370 in 0 : vector<8x1xi32>, vector<56x1xi32> -> vector<64x1xi32>
      %add3A_372 = arith.addi %add3A_367, %concatenate3A_371 : vector<64x1xi32>
      %broadcast_in_dim3A_373 = arith.constant 0 : i32
      %broadcast_in_dim3A_374 = vector.broadcast %broadcast_in_dim3A_373 : i32 to vector<16x1xi32>
      %slice3A_375 = vector.extract_strided_slice %add3A_372 {offsets = [0, 0], sizes = [48, 1], strides = [1, 1]} : vector<64x1xi32> to vector<48x1xi32>
      %concatenate3A_376 = tpu.concatenate %broadcast_in_dim3A_374, %slice3A_375 in 0 : vector<16x1xi32>, vector<48x1xi32> -> vector<64x1xi32>
      %add3A_377 = arith.addi %add3A_372, %concatenate3A_376 : vector<64x1xi32>
      %broadcast_in_dim3A_378 = arith.constant 0 : i32
      %broadcast_in_dim3A_379 = vector.broadcast %broadcast_in_dim3A_378 : i32 to vector<32x1xi32>
      %slice3A_380 = vector.extract_strided_slice %add3A_377 {offsets = [0, 0], sizes = [32, 1], strides = [1, 1]} : vector<64x1xi32> to vector<32x1xi32>
      %concatenate3A_381 = tpu.concatenate %broadcast_in_dim3A_379, %slice3A_380 in 0 : vector<32x1xi32>, vector<32x1xi32> -> vector<64x1xi32>
      %add3A_382 = arith.addi %add3A_377, %concatenate3A_381 : vector<64x1xi32>
      %sub3A_383 = arith.subi %add3A_382, %slice3A_352 : vector<64x1xi32>
      %add3A_384 = vector.broadcast %sub3A_383 : vector<64x1xi32> to vector<64x128xi32>
      %add3A_385 = arith.addi %add3A_351, %add3A_384 : vector<64x128xi32>
      %reduce_sum3A_386 = vector.shape_cast %convert_element_type3A_316 : vector<64x128xi32> to vector<1x64x128xi32>
      %reduce_sum3A_387 = arith.constant dense<0> : vector<1xi32>
      %reduce_sum3A_388 = vector.multi_reduction <add>, %reduce_sum3A_386, %reduce_sum3A_387 [1, 2] : vector<1x64x128xi32> to vector<1xi32>
      %reduce_sum3A_389 = vector.shape_cast %reduce_sum3A_388 : vector<1xi32> to vector<1x1x1xi32>
      %reduce_sum3A_390 = vector.extract %reduce_sum3A_389[0, 0, 0] : i32 from vector<1x1x1xi32>
      %ge3A_391 = vector.broadcast %add3A_309 : i32 to vector<1x128xi32>
      %ge3A_392 = arith.cmpi sge, %iota3A_76, %ge3A_391 : vector<1x128xi32>
      %convert_element_type3A_393 = arith.extui %ge3A_392 : vector<1x128xi1> to vector<1x128xi32>
      %add3A_394 = arith.addi %add3A_275, %convert_element_type3A_393 : vector<1x128xi32>
      %sub3A_395 = arith.constant 1 : i32
      %sub3A_396 = vector.broadcast %sub3A_395 : i32 to vector<64x128xi32>
      %sub3A_397 = arith.subi %add3A_385, %sub3A_396 : vector<64x128xi32>
      %add3A_398 = vector.broadcast %add3A_312 : i32 to vector<64x128xi32>
      %add3A_399 = arith.addi %sub3A_397, %add3A_398 : vector<64x128xi32>
      %mul3A_400 = arith.muli %convert_element_type3A_316, %add3A_399 : vector<64x128xi32>
      %add3A_401 = arith.addi %add3A_282, %mul3A_400 : vector<64x128xi32>
      %add3A_402 = arith.constant 255 : i32
      %add3A_403 = arith.addi %reduce_sum3A_390, %add3A_402 : i32
      %jit3A_404 = arith.constant 256 : i32
      %div3A_405 = arith.divsi %add3A_403, %jit3A_404 : i32
      %sign3A_406 = arith.constant 0 : i32
      %sign3A_407 = arith.cmpi sgt, %add3A_403, %sign3A_406 : i32
      %sign3A_408 = arith.extui %sign3A_407 : i1 to i32
      %sign3A_409 = arith.constant 0 : i32
      %sign3A_410 = arith.cmpi slt, %add3A_403, %sign3A_409 : i32
      %sign3A_411 = arith.extui %sign3A_410 : i1 to i32
      %sign3A_412 = arith.subi %sign3A_408, %sign3A_411 : i32
      %sign3A_413 = arith.constant 0 : i32
      %sign3A_414 = arith.cmpi sgt, %jit3A_404, %sign3A_413 : i32
      %sign3A_415 = arith.extui %sign3A_414 : i1 to i32
      %sign3A_416 = arith.constant 0 : i32
      %sign3A_417 = arith.cmpi slt, %jit3A_404, %sign3A_416 : i32
      %sign3A_418 = arith.extui %sign3A_417 : i1 to i32
      %sign3A_419 = arith.subi %sign3A_415, %sign3A_418 : i32
      %ne3A_420 = arith.cmpi ne, %sign3A_412, %sign3A_419 : i32
      %rem3A_421 = arith.remsi %add3A_403, %jit3A_404 : i32
      %ne3A_422 = arith.constant 0 : i32
      %ne3A_423 = arith.cmpi ne, %rem3A_421, %ne3A_422 : i32
      %and3A_424 = arith.andi %ne3A_420, %ne3A_423 : i1
      %sub3A_425 = arith.constant 1 : i32
      %sub3A_426 = arith.subi %div3A_405, %sub3A_425 : i32
      %select_n3A_427 = arith.select %and3A_424, %sub3A_426, %div3A_405 : i32
      %add3A_428 = arith.addi %add3A_309, %select_n3A_427 : i32
      %mul3A_429 = arith.constant 256 : i32
      %mul3A_430 = arith.muli %select_n3A_427, %mul3A_429 : i32
      %add3A_431 = arith.addi %add3A_312, %mul3A_430 : i32
      %eq3A_432 = arith.constant 3 : i32
      %eq3A_433 = vector.broadcast %eq3A_432 : i32 to vector<64x128xi32>
      %eq3A_434 = arith.cmpi eq, %get3A_71, %eq3A_433 : vector<64x128xi32>
      %convert_element_type3A_435 = arith.extui %eq3A_434 : vector<64x128xi1> to vector<64x128xi32>
      %broadcast_in_dim3A_436 = arith.constant 0 : i32
      %broadcast_in_dim3A_437 = vector.broadcast %broadcast_in_dim3A_436 : i32 to vector<64x1xi32>
      %slice3A_438 = vector.extract_strided_slice %convert_element_type3A_435 {offsets = [0, 0], sizes = [64, 127], strides = [1, 1]} : vector<64x128xi32> to vector<64x127xi32>
      %concatenate3A_439 = tpu.concatenate %broadcast_in_dim3A_437, %slice3A_438 in 1 : vector<64x1xi32>, vector<64x127xi32> -> vector<64x128xi32>
      %add3A_440 = arith.addi %convert_element_type3A_435, %concatenate3A_439 : vector<64x128xi32>
      %broadcast_in_dim3A_441 = arith.constant 0 : i32
      %broadcast_in_dim3A_442 = vector.broadcast %broadcast_in_dim3A_441 : i32 to vector<64x2xi32>
      %slice3A_443 = vector.extract_strided_slice %add3A_440 {offsets = [0, 0], sizes = [64, 126], strides = [1, 1]} : vector<64x128xi32> to vector<64x126xi32>
      %concatenate3A_444 = tpu.concatenate %broadcast_in_dim3A_442, %slice3A_443 in 1 : vector<64x2xi32>, vector<64x126xi32> -> vector<64x128xi32>
      %add3A_445 = arith.addi %add3A_440, %concatenate3A_444 : vector<64x128xi32>
      %broadcast_in_dim3A_446 = arith.constant 0 : i32
      %broadcast_in_dim3A_447 = vector.broadcast %broadcast_in_dim3A_446 : i32 to vector<64x4xi32>
      %slice3A_448 = vector.extract_strided_slice %add3A_445 {offsets = [0, 0], sizes = [64, 124], strides = [1, 1]} : vector<64x128xi32> to vector<64x124xi32>
      %concatenate3A_449 = tpu.concatenate %broadcast_in_dim3A_447, %slice3A_448 in 1 : vector<64x4xi32>, vector<64x124xi32> -> vector<64x128xi32>
      %add3A_450 = arith.addi %add3A_445, %concatenate3A_449 : vector<64x128xi32>
      %broadcast_in_dim3A_451 = arith.constant 0 : i32
      %broadcast_in_dim3A_452 = vector.broadcast %broadcast_in_dim3A_451 : i32 to vector<64x8xi32>
      %slice3A_453 = vector.extract_strided_slice %add3A_450 {offsets = [0, 0], sizes = [64, 120], strides = [1, 1]} : vector<64x128xi32> to vector<64x120xi32>
      %concatenate3A_454 = tpu.concatenate %broadcast_in_dim3A_452, %slice3A_453 in 1 : vector<64x8xi32>, vector<64x120xi32> -> vector<64x128xi32>
      %add3A_455 = arith.addi %add3A_450, %concatenate3A_454 : vector<64x128xi32>
      %broadcast_in_dim3A_456 = arith.constant 0 : i32
      %broadcast_in_dim3A_457 = vector.broadcast %broadcast_in_dim3A_456 : i32 to vector<64x16xi32>
      %slice3A_458 = vector.extract_strided_slice %add3A_455 {offsets = [0, 0], sizes = [64, 112], strides = [1, 1]} : vector<64x128xi32> to vector<64x112xi32>
      %concatenate3A_459 = tpu.concatenate %broadcast_in_dim3A_457, %slice3A_458 in 1 : vector<64x16xi32>, vector<64x112xi32> -> vector<64x128xi32>
      %add3A_460 = arith.addi %add3A_455, %concatenate3A_459 : vector<64x128xi32>
      %broadcast_in_dim3A_461 = arith.constant 0 : i32
      %broadcast_in_dim3A_462 = vector.broadcast %broadcast_in_dim3A_461 : i32 to vector<64x32xi32>
      %slice3A_463 = vector.extract_strided_slice %add3A_460 {offsets = [0, 0], sizes = [64, 96], strides = [1, 1]} : vector<64x128xi32> to vector<64x96xi32>
      %concatenate3A_464 = tpu.concatenate %broadcast_in_dim3A_462, %slice3A_463 in 1 : vector<64x32xi32>, vector<64x96xi32> -> vector<64x128xi32>
      %add3A_465 = arith.addi %add3A_460, %concatenate3A_464 : vector<64x128xi32>
      %broadcast_in_dim3A_466 = arith.constant 0 : i32
      %broadcast_in_dim3A_467 = vector.broadcast %broadcast_in_dim3A_466 : i32 to vector<64x64xi32>
      %slice3A_468 = vector.extract_strided_slice %add3A_465 {offsets = [0, 0], sizes = [64, 64], strides = [1, 1]} : vector<64x128xi32> to vector<64x64xi32>
      %concatenate3A_469 = tpu.concatenate %broadcast_in_dim3A_467, %slice3A_468 in 1 : vector<64x64xi32>, vector<64x64xi32> -> vector<64x128xi32>
      %add3A_470 = arith.addi %add3A_465, %concatenate3A_469 : vector<64x128xi32>
      %slice3A_471 = vector.extract_strided_slice %add3A_470 {offsets = [0, 127], sizes = [64, 1], strides = [1, 1]} : vector<64x128xi32> to vector<64x1xi32>
      %broadcast_in_dim3A_472 = arith.constant 0 : i32
      %broadcast_in_dim3A_473 = vector.broadcast %broadcast_in_dim3A_472 : i32 to vector<1x1xi32>
      %slice3A_474 = vector.extract_strided_slice %slice3A_471 {offsets = [0, 0], sizes = [63, 1], strides = [1, 1]} : vector<64x1xi32> to vector<63x1xi32>
      %concatenate3A_475 = tpu.concatenate %broadcast_in_dim3A_473, %slice3A_474 in 0 : vector<1x1xi32>, vector<63x1xi32> -> vector<64x1xi32>
      %add3A_476 = arith.addi %slice3A_471, %concatenate3A_475 : vector<64x1xi32>
      %broadcast_in_dim3A_477 = arith.constant 0 : i32
      %broadcast_in_dim3A_478 = vector.broadcast %broadcast_in_dim3A_477 : i32 to vector<2x1xi32>
      %slice3A_479 = vector.extract_strided_slice %add3A_476 {offsets = [0, 0], sizes = [62, 1], strides = [1, 1]} : vector<64x1xi32> to vector<62x1xi32>
      %concatenate3A_480 = tpu.concatenate %broadcast_in_dim3A_478, %slice3A_479 in 0 : vector<2x1xi32>, vector<62x1xi32> -> vector<64x1xi32>
      %add3A_481 = arith.addi %add3A_476, %concatenate3A_480 : vector<64x1xi32>
      %broadcast_in_dim3A_482 = arith.constant 0 : i32
      %broadcast_in_dim3A_483 = vector.broadcast %broadcast_in_dim3A_482 : i32 to vector<4x1xi32>
      %slice3A_484 = vector.extract_strided_slice %add3A_481 {offsets = [0, 0], sizes = [60, 1], strides = [1, 1]} : vector<64x1xi32> to vector<60x1xi32>
      %concatenate3A_485 = tpu.concatenate %broadcast_in_dim3A_483, %slice3A_484 in 0 : vector<4x1xi32>, vector<60x1xi32> -> vector<64x1xi32>
      %add3A_486 = arith.addi %add3A_481, %concatenate3A_485 : vector<64x1xi32>
      %broadcast_in_dim3A_487 = arith.constant 0 : i32
      %broadcast_in_dim3A_488 = vector.broadcast %broadcast_in_dim3A_487 : i32 to vector<8x1xi32>
      %slice3A_489 = vector.extract_strided_slice %add3A_486 {offsets = [0, 0], sizes = [56, 1], strides = [1, 1]} : vector<64x1xi32> to vector<56x1xi32>
      %concatenate3A_490 = tpu.concatenate %broadcast_in_dim3A_488, %slice3A_489 in 0 : vector<8x1xi32>, vector<56x1xi32> -> vector<64x1xi32>
      %add3A_491 = arith.addi %add3A_486, %concatenate3A_490 : vector<64x1xi32>
      %broadcast_in_dim3A_492 = arith.constant 0 : i32
      %broadcast_in_dim3A_493 = vector.broadcast %broadcast_in_dim3A_492 : i32 to vector<16x1xi32>
      %slice3A_494 = vector.extract_strided_slice %add3A_491 {offsets = [0, 0], sizes = [48, 1], strides = [1, 1]} : vector<64x1xi32> to vector<48x1xi32>
      %concatenate3A_495 = tpu.concatenate %broadcast_in_dim3A_493, %slice3A_494 in 0 : vector<16x1xi32>, vector<48x1xi32> -> vector<64x1xi32>
      %add3A_496 = arith.addi %add3A_491, %concatenate3A_495 : vector<64x1xi32>
      %broadcast_in_dim3A_497 = arith.constant 0 : i32
      %broadcast_in_dim3A_498 = vector.broadcast %broadcast_in_dim3A_497 : i32 to vector<32x1xi32>
      %slice3A_499 = vector.extract_strided_slice %add3A_496 {offsets = [0, 0], sizes = [32, 1], strides = [1, 1]} : vector<64x1xi32> to vector<32x1xi32>
      %concatenate3A_500 = tpu.concatenate %broadcast_in_dim3A_498, %slice3A_499 in 0 : vector<32x1xi32>, vector<32x1xi32> -> vector<64x1xi32>
      %add3A_501 = arith.addi %add3A_496, %concatenate3A_500 : vector<64x1xi32>
      %sub3A_502 = arith.subi %add3A_501, %slice3A_471 : vector<64x1xi32>
      %add3A_503 = vector.broadcast %sub3A_502 : vector<64x1xi32> to vector<64x128xi32>
      %add3A_504 = arith.addi %add3A_470, %add3A_503 : vector<64x128xi32>
      %reduce_sum3A_505 = vector.shape_cast %convert_element_type3A_435 : vector<64x128xi32> to vector<1x64x128xi32>
      %reduce_sum3A_506 = arith.constant dense<0> : vector<1xi32>
      %reduce_sum3A_507 = vector.multi_reduction <add>, %reduce_sum3A_505, %reduce_sum3A_506 [1, 2] : vector<1x64x128xi32> to vector<1xi32>
      %reduce_sum3A_508 = vector.shape_cast %reduce_sum3A_507 : vector<1xi32> to vector<1x1x1xi32>
      %reduce_sum3A_509 = vector.extract %reduce_sum3A_508[0, 0, 0] : i32 from vector<1x1x1xi32>
      %ge3A_510 = vector.broadcast %add3A_428 : i32 to vector<1x128xi32>
      %ge3A_511 = arith.cmpi sge, %iota3A_76, %ge3A_510 : vector<1x128xi32>
      %convert_element_type3A_512 = arith.extui %ge3A_511 : vector<1x128xi1> to vector<1x128xi32>
      %add3A_513 = arith.addi %add3A_394, %convert_element_type3A_512 : vector<1x128xi32>
      %sub3A_514 = arith.constant 1 : i32
      %sub3A_515 = vector.broadcast %sub3A_514 : i32 to vector<64x128xi32>
      %sub3A_516 = arith.subi %add3A_504, %sub3A_515 : vector<64x128xi32>
      %add3A_517 = vector.broadcast %add3A_431 : i32 to vector<64x128xi32>
      %add3A_518 = arith.addi %sub3A_516, %add3A_517 : vector<64x128xi32>
      %mul3A_519 = arith.muli %convert_element_type3A_435, %add3A_518 : vector<64x128xi32>
      %add3A_520 = arith.addi %add3A_401, %mul3A_519 : vector<64x128xi32>
      %add3A_521 = arith.constant 255 : i32
      %add3A_522 = arith.addi %reduce_sum3A_509, %add3A_521 : i32
      %jit3A_523 = arith.constant 256 : i32
      %div3A_524 = arith.divsi %add3A_522, %jit3A_523 : i32
      %sign3A_525 = arith.constant 0 : i32
      %sign3A_526 = arith.cmpi sgt, %add3A_522, %sign3A_525 : i32
      %sign3A_527 = arith.extui %sign3A_526 : i1 to i32
      %sign3A_528 = arith.constant 0 : i32
      %sign3A_529 = arith.cmpi slt, %add3A_522, %sign3A_528 : i32
      %sign3A_530 = arith.extui %sign3A_529 : i1 to i32
      %sign3A_531 = arith.subi %sign3A_527, %sign3A_530 : i32
      %sign3A_532 = arith.constant 0 : i32
      %sign3A_533 = arith.cmpi sgt, %jit3A_523, %sign3A_532 : i32
      %sign3A_534 = arith.extui %sign3A_533 : i1 to i32
      %sign3A_535 = arith.constant 0 : i32
      %sign3A_536 = arith.cmpi slt, %jit3A_523, %sign3A_535 : i32
      %sign3A_537 = arith.extui %sign3A_536 : i1 to i32
      %sign3A_538 = arith.subi %sign3A_534, %sign3A_537 : i32
      %ne3A_539 = arith.cmpi ne, %sign3A_531, %sign3A_538 : i32
      %rem3A_540 = arith.remsi %add3A_522, %jit3A_523 : i32
      %ne3A_541 = arith.constant 0 : i32
      %ne3A_542 = arith.cmpi ne, %rem3A_540, %ne3A_541 : i32
      %and3A_543 = arith.andi %ne3A_539, %ne3A_542 : i1
      %sub3A_544 = arith.constant 1 : i32
      %sub3A_545 = arith.subi %div3A_524, %sub3A_544 : i32
      %select_n3A_546 = arith.select %and3A_543, %sub3A_545, %div3A_524 : i32
      %add3A_547 = arith.addi %add3A_428, %select_n3A_546 : i32
      %mul3A_548 = arith.constant 256 : i32
      %mul3A_549 = arith.muli %select_n3A_546, %mul3A_548 : i32
      %add3A_550 = arith.addi %add3A_431, %mul3A_549 : i32
      %eq3A_551 = arith.constant 4 : i32
      %eq3A_552 = vector.broadcast %eq3A_551 : i32 to vector<64x128xi32>
      %eq3A_553 = arith.cmpi eq, %get3A_71, %eq3A_552 : vector<64x128xi32>
      %convert_element_type3A_554 = arith.extui %eq3A_553 : vector<64x128xi1> to vector<64x128xi32>
      %broadcast_in_dim3A_555 = arith.constant 0 : i32
      %broadcast_in_dim3A_556 = vector.broadcast %broadcast_in_dim3A_555 : i32 to vector<64x1xi32>
      %slice3A_557 = vector.extract_strided_slice %convert_element_type3A_554 {offsets = [0, 0], sizes = [64, 127], strides = [1, 1]} : vector<64x128xi32> to vector<64x127xi32>
      %concatenate3A_558 = tpu.concatenate %broadcast_in_dim3A_556, %slice3A_557 in 1 : vector<64x1xi32>, vector<64x127xi32> -> vector<64x128xi32>
      %add3A_559 = arith.addi %convert_element_type3A_554, %concatenate3A_558 : vector<64x128xi32>
      %broadcast_in_dim3A_560 = arith.constant 0 : i32
      %broadcast_in_dim3A_561 = vector.broadcast %broadcast_in_dim3A_560 : i32 to vector<64x2xi32>
      %slice3A_562 = vector.extract_strided_slice %add3A_559 {offsets = [0, 0], sizes = [64, 126], strides = [1, 1]} : vector<64x128xi32> to vector<64x126xi32>
      %concatenate3A_563 = tpu.concatenate %broadcast_in_dim3A_561, %slice3A_562 in 1 : vector<64x2xi32>, vector<64x126xi32> -> vector<64x128xi32>
      %add3A_564 = arith.addi %add3A_559, %concatenate3A_563 : vector<64x128xi32>
      %broadcast_in_dim3A_565 = arith.constant 0 : i32
      %broadcast_in_dim3A_566 = vector.broadcast %broadcast_in_dim3A_565 : i32 to vector<64x4xi32>
      %slice3A_567 = vector.extract_strided_slice %add3A_564 {offsets = [0, 0], sizes = [64, 124], strides = [1, 1]} : vector<64x128xi32> to vector<64x124xi32>
      %concatenate3A_568 = tpu.concatenate %broadcast_in_dim3A_566, %slice3A_567 in 1 : vector<64x4xi32>, vector<64x124xi32> -> vector<64x128xi32>
      %add3A_569 = arith.addi %add3A_564, %concatenate3A_568 : vector<64x128xi32>
      %broadcast_in_dim3A_570 = arith.constant 0 : i32
      %broadcast_in_dim3A_571 = vector.broadcast %broadcast_in_dim3A_570 : i32 to vector<64x8xi32>
      %slice3A_572 = vector.extract_strided_slice %add3A_569 {offsets = [0, 0], sizes = [64, 120], strides = [1, 1]} : vector<64x128xi32> to vector<64x120xi32>
      %concatenate3A_573 = tpu.concatenate %broadcast_in_dim3A_571, %slice3A_572 in 1 : vector<64x8xi32>, vector<64x120xi32> -> vector<64x128xi32>
      %add3A_574 = arith.addi %add3A_569, %concatenate3A_573 : vector<64x128xi32>
      %broadcast_in_dim3A_575 = arith.constant 0 : i32
      %broadcast_in_dim3A_576 = vector.broadcast %broadcast_in_dim3A_575 : i32 to vector<64x16xi32>
      %slice3A_577 = vector.extract_strided_slice %add3A_574 {offsets = [0, 0], sizes = [64, 112], strides = [1, 1]} : vector<64x128xi32> to vector<64x112xi32>
      %concatenate3A_578 = tpu.concatenate %broadcast_in_dim3A_576, %slice3A_577 in 1 : vector<64x16xi32>, vector<64x112xi32> -> vector<64x128xi32>
      %add3A_579 = arith.addi %add3A_574, %concatenate3A_578 : vector<64x128xi32>
      %broadcast_in_dim3A_580 = arith.constant 0 : i32
      %broadcast_in_dim3A_581 = vector.broadcast %broadcast_in_dim3A_580 : i32 to vector<64x32xi32>
      %slice3A_582 = vector.extract_strided_slice %add3A_579 {offsets = [0, 0], sizes = [64, 96], strides = [1, 1]} : vector<64x128xi32> to vector<64x96xi32>
      %concatenate3A_583 = tpu.concatenate %broadcast_in_dim3A_581, %slice3A_582 in 1 : vector<64x32xi32>, vector<64x96xi32> -> vector<64x128xi32>
      %add3A_584 = arith.addi %add3A_579, %concatenate3A_583 : vector<64x128xi32>
      %broadcast_in_dim3A_585 = arith.constant 0 : i32
      %broadcast_in_dim3A_586 = vector.broadcast %broadcast_in_dim3A_585 : i32 to vector<64x64xi32>
      %slice3A_587 = vector.extract_strided_slice %add3A_584 {offsets = [0, 0], sizes = [64, 64], strides = [1, 1]} : vector<64x128xi32> to vector<64x64xi32>
      %concatenate3A_588 = tpu.concatenate %broadcast_in_dim3A_586, %slice3A_587 in 1 : vector<64x64xi32>, vector<64x64xi32> -> vector<64x128xi32>
      %add3A_589 = arith.addi %add3A_584, %concatenate3A_588 : vector<64x128xi32>
      %slice3A_590 = vector.extract_strided_slice %add3A_589 {offsets = [0, 127], sizes = [64, 1], strides = [1, 1]} : vector<64x128xi32> to vector<64x1xi32>
      %broadcast_in_dim3A_591 = arith.constant 0 : i32
      %broadcast_in_dim3A_592 = vector.broadcast %broadcast_in_dim3A_591 : i32 to vector<1x1xi32>
      %slice3A_593 = vector.extract_strided_slice %slice3A_590 {offsets = [0, 0], sizes = [63, 1], strides = [1, 1]} : vector<64x1xi32> to vector<63x1xi32>
      %concatenate3A_594 = tpu.concatenate %broadcast_in_dim3A_592, %slice3A_593 in 0 : vector<1x1xi32>, vector<63x1xi32> -> vector<64x1xi32>
      %add3A_595 = arith.addi %slice3A_590, %concatenate3A_594 : vector<64x1xi32>
      %broadcast_in_dim3A_596 = arith.constant 0 : i32
      %broadcast_in_dim3A_597 = vector.broadcast %broadcast_in_dim3A_596 : i32 to vector<2x1xi32>
      %slice3A_598 = vector.extract_strided_slice %add3A_595 {offsets = [0, 0], sizes = [62, 1], strides = [1, 1]} : vector<64x1xi32> to vector<62x1xi32>
      %concatenate3A_599 = tpu.concatenate %broadcast_in_dim3A_597, %slice3A_598 in 0 : vector<2x1xi32>, vector<62x1xi32> -> vector<64x1xi32>
      %add3A_600 = arith.addi %add3A_595, %concatenate3A_599 : vector<64x1xi32>
      %broadcast_in_dim3A_601 = arith.constant 0 : i32
      %broadcast_in_dim3A_602 = vector.broadcast %broadcast_in_dim3A_601 : i32 to vector<4x1xi32>
      %slice3A_603 = vector.extract_strided_slice %add3A_600 {offsets = [0, 0], sizes = [60, 1], strides = [1, 1]} : vector<64x1xi32> to vector<60x1xi32>
      %concatenate3A_604 = tpu.concatenate %broadcast_in_dim3A_602, %slice3A_603 in 0 : vector<4x1xi32>, vector<60x1xi32> -> vector<64x1xi32>
      %add3A_605 = arith.addi %add3A_600, %concatenate3A_604 : vector<64x1xi32>
      %broadcast_in_dim3A_606 = arith.constant 0 : i32
      %broadcast_in_dim3A_607 = vector.broadcast %broadcast_in_dim3A_606 : i32 to vector<8x1xi32>
      %slice3A_608 = vector.extract_strided_slice %add3A_605 {offsets = [0, 0], sizes = [56, 1], strides = [1, 1]} : vector<64x1xi32> to vector<56x1xi32>
      %concatenate3A_609 = tpu.concatenate %broadcast_in_dim3A_607, %slice3A_608 in 0 : vector<8x1xi32>, vector<56x1xi32> -> vector<64x1xi32>
      %add3A_610 = arith.addi %add3A_605, %concatenate3A_609 : vector<64x1xi32>
      %broadcast_in_dim3A_611 = arith.constant 0 : i32
      %broadcast_in_dim3A_612 = vector.broadcast %broadcast_in_dim3A_611 : i32 to vector<16x1xi32>
      %slice3A_613 = vector.extract_strided_slice %add3A_610 {offsets = [0, 0], sizes = [48, 1], strides = [1, 1]} : vector<64x1xi32> to vector<48x1xi32>
      %concatenate3A_614 = tpu.concatenate %broadcast_in_dim3A_612, %slice3A_613 in 0 : vector<16x1xi32>, vector<48x1xi32> -> vector<64x1xi32>
      %add3A_615 = arith.addi %add3A_610, %concatenate3A_614 : vector<64x1xi32>
      %broadcast_in_dim3A_616 = arith.constant 0 : i32
      %broadcast_in_dim3A_617 = vector.broadcast %broadcast_in_dim3A_616 : i32 to vector<32x1xi32>
      %slice3A_618 = vector.extract_strided_slice %add3A_615 {offsets = [0, 0], sizes = [32, 1], strides = [1, 1]} : vector<64x1xi32> to vector<32x1xi32>
      %concatenate3A_619 = tpu.concatenate %broadcast_in_dim3A_617, %slice3A_618 in 0 : vector<32x1xi32>, vector<32x1xi32> -> vector<64x1xi32>
      %add3A_620 = arith.addi %add3A_615, %concatenate3A_619 : vector<64x1xi32>
      %sub3A_621 = arith.subi %add3A_620, %slice3A_590 : vector<64x1xi32>
      %add3A_622 = vector.broadcast %sub3A_621 : vector<64x1xi32> to vector<64x128xi32>
      %add3A_623 = arith.addi %add3A_589, %add3A_622 : vector<64x128xi32>
      %reduce_sum3A_624 = vector.shape_cast %convert_element_type3A_554 : vector<64x128xi32> to vector<1x64x128xi32>
      %reduce_sum3A_625 = arith.constant dense<0> : vector<1xi32>
      %reduce_sum3A_626 = vector.multi_reduction <add>, %reduce_sum3A_624, %reduce_sum3A_625 [1, 2] : vector<1x64x128xi32> to vector<1xi32>
      %reduce_sum3A_627 = vector.shape_cast %reduce_sum3A_626 : vector<1xi32> to vector<1x1x1xi32>
      %reduce_sum3A_628 = vector.extract %reduce_sum3A_627[0, 0, 0] : i32 from vector<1x1x1xi32>
      %ge3A_629 = vector.broadcast %add3A_547 : i32 to vector<1x128xi32>
      %ge3A_630 = arith.cmpi sge, %iota3A_76, %ge3A_629 : vector<1x128xi32>
      %convert_element_type3A_631 = arith.extui %ge3A_630 : vector<1x128xi1> to vector<1x128xi32>
      %add3A_632 = arith.addi %add3A_513, %convert_element_type3A_631 : vector<1x128xi32>
      %sub3A_633 = arith.constant 1 : i32
      %sub3A_634 = vector.broadcast %sub3A_633 : i32 to vector<64x128xi32>
      %sub3A_635 = arith.subi %add3A_623, %sub3A_634 : vector<64x128xi32>
      %add3A_636 = vector.broadcast %add3A_550 : i32 to vector<64x128xi32>
      %add3A_637 = arith.addi %sub3A_635, %add3A_636 : vector<64x128xi32>
      %mul3A_638 = arith.muli %convert_element_type3A_554, %add3A_637 : vector<64x128xi32>
      %add3A_639 = arith.addi %add3A_520, %mul3A_638 : vector<64x128xi32>
      %add3A_640 = arith.constant 255 : i32
      %add3A_641 = arith.addi %reduce_sum3A_628, %add3A_640 : i32
      %jit3A_642 = arith.constant 256 : i32
      %div3A_643 = arith.divsi %add3A_641, %jit3A_642 : i32
      %sign3A_644 = arith.constant 0 : i32
      %sign3A_645 = arith.cmpi sgt, %add3A_641, %sign3A_644 : i32
      %sign3A_646 = arith.extui %sign3A_645 : i1 to i32
      %sign3A_647 = arith.constant 0 : i32
      %sign3A_648 = arith.cmpi slt, %add3A_641, %sign3A_647 : i32
      %sign3A_649 = arith.extui %sign3A_648 : i1 to i32
      %sign3A_650 = arith.subi %sign3A_646, %sign3A_649 : i32
      %sign3A_651 = arith.constant 0 : i32
      %sign3A_652 = arith.cmpi sgt, %jit3A_642, %sign3A_651 : i32
      %sign3A_653 = arith.extui %sign3A_652 : i1 to i32
      %sign3A_654 = arith.constant 0 : i32
      %sign3A_655 = arith.cmpi slt, %jit3A_642, %sign3A_654 : i32
      %sign3A_656 = arith.extui %sign3A_655 : i1 to i32
      %sign3A_657 = arith.subi %sign3A_653, %sign3A_656 : i32
      %ne3A_658 = arith.cmpi ne, %sign3A_650, %sign3A_657 : i32
      %rem3A_659 = arith.remsi %add3A_641, %jit3A_642 : i32
      %ne3A_660 = arith.constant 0 : i32
      %ne3A_661 = arith.cmpi ne, %rem3A_659, %ne3A_660 : i32
      %and3A_662 = arith.andi %ne3A_658, %ne3A_661 : i1
      %sub3A_663 = arith.constant 1 : i32
      %sub3A_664 = arith.subi %div3A_643, %sub3A_663 : i32
      %select_n3A_665 = arith.select %and3A_662, %sub3A_664, %div3A_643 : i32
      %add3A_666 = arith.addi %add3A_547, %select_n3A_665 : i32
      %mul3A_667 = arith.constant 256 : i32
      %mul3A_668 = arith.muli %select_n3A_665, %mul3A_667 : i32
      %add3A_669 = arith.addi %add3A_550, %mul3A_668 : i32
      %eq3A_670 = arith.constant 5 : i32
      %eq3A_671 = vector.broadcast %eq3A_670 : i32 to vector<64x128xi32>
      %eq3A_672 = arith.cmpi eq, %get3A_71, %eq3A_671 : vector<64x128xi32>
      %convert_element_type3A_673 = arith.extui %eq3A_672 : vector<64x128xi1> to vector<64x128xi32>
      %broadcast_in_dim3A_674 = arith.constant 0 : i32
      %broadcast_in_dim3A_675 = vector.broadcast %broadcast_in_dim3A_674 : i32 to vector<64x1xi32>
      %slice3A_676 = vector.extract_strided_slice %convert_element_type3A_673 {offsets = [0, 0], sizes = [64, 127], strides = [1, 1]} : vector<64x128xi32> to vector<64x127xi32>
      %concatenate3A_677 = tpu.concatenate %broadcast_in_dim3A_675, %slice3A_676 in 1 : vector<64x1xi32>, vector<64x127xi32> -> vector<64x128xi32>
      %add3A_678 = arith.addi %convert_element_type3A_673, %concatenate3A_677 : vector<64x128xi32>
      %broadcast_in_dim3A_679 = arith.constant 0 : i32
      %broadcast_in_dim3A_680 = vector.broadcast %broadcast_in_dim3A_679 : i32 to vector<64x2xi32>
      %slice3A_681 = vector.extract_strided_slice %add3A_678 {offsets = [0, 0], sizes = [64, 126], strides = [1, 1]} : vector<64x128xi32> to vector<64x126xi32>
      %concatenate3A_682 = tpu.concatenate %broadcast_in_dim3A_680, %slice3A_681 in 1 : vector<64x2xi32>, vector<64x126xi32> -> vector<64x128xi32>
      %add3A_683 = arith.addi %add3A_678, %concatenate3A_682 : vector<64x128xi32>
      %broadcast_in_dim3A_684 = arith.constant 0 : i32
      %broadcast_in_dim3A_685 = vector.broadcast %broadcast_in_dim3A_684 : i32 to vector<64x4xi32>
      %slice3A_686 = vector.extract_strided_slice %add3A_683 {offsets = [0, 0], sizes = [64, 124], strides = [1, 1]} : vector<64x128xi32> to vector<64x124xi32>
      %concatenate3A_687 = tpu.concatenate %broadcast_in_dim3A_685, %slice3A_686 in 1 : vector<64x4xi32>, vector<64x124xi32> -> vector<64x128xi32>
      %add3A_688 = arith.addi %add3A_683, %concatenate3A_687 : vector<64x128xi32>
      %broadcast_in_dim3A_689 = arith.constant 0 : i32
      %broadcast_in_dim3A_690 = vector.broadcast %broadcast_in_dim3A_689 : i32 to vector<64x8xi32>
      %slice3A_691 = vector.extract_strided_slice %add3A_688 {offsets = [0, 0], sizes = [64, 120], strides = [1, 1]} : vector<64x128xi32> to vector<64x120xi32>
      %concatenate3A_692 = tpu.concatenate %broadcast_in_dim3A_690, %slice3A_691 in 1 : vector<64x8xi32>, vector<64x120xi32> -> vector<64x128xi32>
      %add3A_693 = arith.addi %add3A_688, %concatenate3A_692 : vector<64x128xi32>
      %broadcast_in_dim3A_694 = arith.constant 0 : i32
      %broadcast_in_dim3A_695 = vector.broadcast %broadcast_in_dim3A_694 : i32 to vector<64x16xi32>
      %slice3A_696 = vector.extract_strided_slice %add3A_693 {offsets = [0, 0], sizes = [64, 112], strides = [1, 1]} : vector<64x128xi32> to vector<64x112xi32>
      %concatenate3A_697 = tpu.concatenate %broadcast_in_dim3A_695, %slice3A_696 in 1 : vector<64x16xi32>, vector<64x112xi32> -> vector<64x128xi32>
      %add3A_698 = arith.addi %add3A_693, %concatenate3A_697 : vector<64x128xi32>
      %broadcast_in_dim3A_699 = arith.constant 0 : i32
      %broadcast_in_dim3A_700 = vector.broadcast %broadcast_in_dim3A_699 : i32 to vector<64x32xi32>
      %slice3A_701 = vector.extract_strided_slice %add3A_698 {offsets = [0, 0], sizes = [64, 96], strides = [1, 1]} : vector<64x128xi32> to vector<64x96xi32>
      %concatenate3A_702 = tpu.concatenate %broadcast_in_dim3A_700, %slice3A_701 in 1 : vector<64x32xi32>, vector<64x96xi32> -> vector<64x128xi32>
      %add3A_703 = arith.addi %add3A_698, %concatenate3A_702 : vector<64x128xi32>
      %broadcast_in_dim3A_704 = arith.constant 0 : i32
      %broadcast_in_dim3A_705 = vector.broadcast %broadcast_in_dim3A_704 : i32 to vector<64x64xi32>
      %slice3A_706 = vector.extract_strided_slice %add3A_703 {offsets = [0, 0], sizes = [64, 64], strides = [1, 1]} : vector<64x128xi32> to vector<64x64xi32>
      %concatenate3A_707 = tpu.concatenate %broadcast_in_dim3A_705, %slice3A_706 in 1 : vector<64x64xi32>, vector<64x64xi32> -> vector<64x128xi32>
      %add3A_708 = arith.addi %add3A_703, %concatenate3A_707 : vector<64x128xi32>
      %slice3A_709 = vector.extract_strided_slice %add3A_708 {offsets = [0, 127], sizes = [64, 1], strides = [1, 1]} : vector<64x128xi32> to vector<64x1xi32>
      %broadcast_in_dim3A_710 = arith.constant 0 : i32
      %broadcast_in_dim3A_711 = vector.broadcast %broadcast_in_dim3A_710 : i32 to vector<1x1xi32>
      %slice3A_712 = vector.extract_strided_slice %slice3A_709 {offsets = [0, 0], sizes = [63, 1], strides = [1, 1]} : vector<64x1xi32> to vector<63x1xi32>
      %concatenate3A_713 = tpu.concatenate %broadcast_in_dim3A_711, %slice3A_712 in 0 : vector<1x1xi32>, vector<63x1xi32> -> vector<64x1xi32>
      %add3A_714 = arith.addi %slice3A_709, %concatenate3A_713 : vector<64x1xi32>
      %broadcast_in_dim3A_715 = arith.constant 0 : i32
      %broadcast_in_dim3A_716 = vector.broadcast %broadcast_in_dim3A_715 : i32 to vector<2x1xi32>
      %slice3A_717 = vector.extract_strided_slice %add3A_714 {offsets = [0, 0], sizes = [62, 1], strides = [1, 1]} : vector<64x1xi32> to vector<62x1xi32>
      %concatenate3A_718 = tpu.concatenate %broadcast_in_dim3A_716, %slice3A_717 in 0 : vector<2x1xi32>, vector<62x1xi32> -> vector<64x1xi32>
      %add3A_719 = arith.addi %add3A_714, %concatenate3A_718 : vector<64x1xi32>
      %broadcast_in_dim3A_720 = arith.constant 0 : i32
      %broadcast_in_dim3A_721 = vector.broadcast %broadcast_in_dim3A_720 : i32 to vector<4x1xi32>
      %slice3A_722 = vector.extract_strided_slice %add3A_719 {offsets = [0, 0], sizes = [60, 1], strides = [1, 1]} : vector<64x1xi32> to vector<60x1xi32>
      %concatenate3A_723 = tpu.concatenate %broadcast_in_dim3A_721, %slice3A_722 in 0 : vector<4x1xi32>, vector<60x1xi32> -> vector<64x1xi32>
      %add3A_724 = arith.addi %add3A_719, %concatenate3A_723 : vector<64x1xi32>
      %broadcast_in_dim3A_725 = arith.constant 0 : i32
      %broadcast_in_dim3A_726 = vector.broadcast %broadcast_in_dim3A_725 : i32 to vector<8x1xi32>
      %slice3A_727 = vector.extract_strided_slice %add3A_724 {offsets = [0, 0], sizes = [56, 1], strides = [1, 1]} : vector<64x1xi32> to vector<56x1xi32>
      %concatenate3A_728 = tpu.concatenate %broadcast_in_dim3A_726, %slice3A_727 in 0 : vector<8x1xi32>, vector<56x1xi32> -> vector<64x1xi32>
      %add3A_729 = arith.addi %add3A_724, %concatenate3A_728 : vector<64x1xi32>
      %broadcast_in_dim3A_730 = arith.constant 0 : i32
      %broadcast_in_dim3A_731 = vector.broadcast %broadcast_in_dim3A_730 : i32 to vector<16x1xi32>
      %slice3A_732 = vector.extract_strided_slice %add3A_729 {offsets = [0, 0], sizes = [48, 1], strides = [1, 1]} : vector<64x1xi32> to vector<48x1xi32>
      %concatenate3A_733 = tpu.concatenate %broadcast_in_dim3A_731, %slice3A_732 in 0 : vector<16x1xi32>, vector<48x1xi32> -> vector<64x1xi32>
      %add3A_734 = arith.addi %add3A_729, %concatenate3A_733 : vector<64x1xi32>
      %broadcast_in_dim3A_735 = arith.constant 0 : i32
      %broadcast_in_dim3A_736 = vector.broadcast %broadcast_in_dim3A_735 : i32 to vector<32x1xi32>
      %slice3A_737 = vector.extract_strided_slice %add3A_734 {offsets = [0, 0], sizes = [32, 1], strides = [1, 1]} : vector<64x1xi32> to vector<32x1xi32>
      %concatenate3A_738 = tpu.concatenate %broadcast_in_dim3A_736, %slice3A_737 in 0 : vector<32x1xi32>, vector<32x1xi32> -> vector<64x1xi32>
      %add3A_739 = arith.addi %add3A_734, %concatenate3A_738 : vector<64x1xi32>
      %sub3A_740 = arith.subi %add3A_739, %slice3A_709 : vector<64x1xi32>
      %add3A_741 = vector.broadcast %sub3A_740 : vector<64x1xi32> to vector<64x128xi32>
      %add3A_742 = arith.addi %add3A_708, %add3A_741 : vector<64x128xi32>
      %reduce_sum3A_743 = vector.shape_cast %convert_element_type3A_673 : vector<64x128xi32> to vector<1x64x128xi32>
      %reduce_sum3A_744 = arith.constant dense<0> : vector<1xi32>
      %reduce_sum3A_745 = vector.multi_reduction <add>, %reduce_sum3A_743, %reduce_sum3A_744 [1, 2] : vector<1x64x128xi32> to vector<1xi32>
      %reduce_sum3A_746 = vector.shape_cast %reduce_sum3A_745 : vector<1xi32> to vector<1x1x1xi32>
      %reduce_sum3A_747 = vector.extract %reduce_sum3A_746[0, 0, 0] : i32 from vector<1x1x1xi32>
      %ge3A_748 = vector.broadcast %add3A_666 : i32 to vector<1x128xi32>
      %ge3A_749 = arith.cmpi sge, %iota3A_76, %ge3A_748 : vector<1x128xi32>
      %convert_element_type3A_750 = arith.extui %ge3A_749 : vector<1x128xi1> to vector<1x128xi32>
      %add3A_751 = arith.addi %add3A_632, %convert_element_type3A_750 : vector<1x128xi32>
      %sub3A_752 = arith.constant 1 : i32
      %sub3A_753 = vector.broadcast %sub3A_752 : i32 to vector<64x128xi32>
      %sub3A_754 = arith.subi %add3A_742, %sub3A_753 : vector<64x128xi32>
      %add3A_755 = vector.broadcast %add3A_669 : i32 to vector<64x128xi32>
      %add3A_756 = arith.addi %sub3A_754, %add3A_755 : vector<64x128xi32>
      %mul3A_757 = arith.muli %convert_element_type3A_673, %add3A_756 : vector<64x128xi32>
      %add3A_758 = arith.addi %add3A_639, %mul3A_757 : vector<64x128xi32>
      %add3A_759 = arith.constant 255 : i32
      %add3A_760 = arith.addi %reduce_sum3A_747, %add3A_759 : i32
      %jit3A_761 = arith.constant 256 : i32
      %div3A_762 = arith.divsi %add3A_760, %jit3A_761 : i32
      %sign3A_763 = arith.constant 0 : i32
      %sign3A_764 = arith.cmpi sgt, %add3A_760, %sign3A_763 : i32
      %sign3A_765 = arith.extui %sign3A_764 : i1 to i32
      %sign3A_766 = arith.constant 0 : i32
      %sign3A_767 = arith.cmpi slt, %add3A_760, %sign3A_766 : i32
      %sign3A_768 = arith.extui %sign3A_767 : i1 to i32
      %sign3A_769 = arith.subi %sign3A_765, %sign3A_768 : i32
      %sign3A_770 = arith.constant 0 : i32
      %sign3A_771 = arith.cmpi sgt, %jit3A_761, %sign3A_770 : i32
      %sign3A_772 = arith.extui %sign3A_771 : i1 to i32
      %sign3A_773 = arith.constant 0 : i32
      %sign3A_774 = arith.cmpi slt, %jit3A_761, %sign3A_773 : i32
      %sign3A_775 = arith.extui %sign3A_774 : i1 to i32
      %sign3A_776 = arith.subi %sign3A_772, %sign3A_775 : i32
      %ne3A_777 = arith.cmpi ne, %sign3A_769, %sign3A_776 : i32
      %rem3A_778 = arith.remsi %add3A_760, %jit3A_761 : i32
      %ne3A_779 = arith.constant 0 : i32
      %ne3A_780 = arith.cmpi ne, %rem3A_778, %ne3A_779 : i32
      %and3A_781 = arith.andi %ne3A_777, %ne3A_780 : i1
      %sub3A_782 = arith.constant 1 : i32
      %sub3A_783 = arith.subi %div3A_762, %sub3A_782 : i32
      %select_n3A_784 = arith.select %and3A_781, %sub3A_783, %div3A_762 : i32
      %add3A_785 = arith.addi %add3A_666, %select_n3A_784 : i32
      %mul3A_786 = arith.constant 256 : i32
      %mul3A_787 = arith.muli %select_n3A_784, %mul3A_786 : i32
      %add3A_788 = arith.addi %add3A_669, %mul3A_787 : i32
      %eq3A_789 = arith.constant 6 : i32
      %eq3A_790 = vector.broadcast %eq3A_789 : i32 to vector<64x128xi32>
      %eq3A_791 = arith.cmpi eq, %get3A_71, %eq3A_790 : vector<64x128xi32>
      %convert_element_type3A_792 = arith.extui %eq3A_791 : vector<64x128xi1> to vector<64x128xi32>
      %broadcast_in_dim3A_793 = arith.constant 0 : i32
      %broadcast_in_dim3A_794 = vector.broadcast %broadcast_in_dim3A_793 : i32 to vector<64x1xi32>
      %slice3A_795 = vector.extract_strided_slice %convert_element_type3A_792 {offsets = [0, 0], sizes = [64, 127], strides = [1, 1]} : vector<64x128xi32> to vector<64x127xi32>
      %concatenate3A_796 = tpu.concatenate %broadcast_in_dim3A_794, %slice3A_795 in 1 : vector<64x1xi32>, vector<64x127xi32> -> vector<64x128xi32>
      %add3A_797 = arith.addi %convert_element_type3A_792, %concatenate3A_796 : vector<64x128xi32>
      %broadcast_in_dim3A_798 = arith.constant 0 : i32
      %broadcast_in_dim3A_799 = vector.broadcast %broadcast_in_dim3A_798 : i32 to vector<64x2xi32>
      %slice3A_800 = vector.extract_strided_slice %add3A_797 {offsets = [0, 0], sizes = [64, 126], strides = [1, 1]} : vector<64x128xi32> to vector<64x126xi32>
      %concatenate3A_801 = tpu.concatenate %broadcast_in_dim3A_799, %slice3A_800 in 1 : vector<64x2xi32>, vector<64x126xi32> -> vector<64x128xi32>
      %add3A_802 = arith.addi %add3A_797, %concatenate3A_801 : vector<64x128xi32>
      %broadcast_in_dim3A_803 = arith.constant 0 : i32
      %broadcast_in_dim3A_804 = vector.broadcast %broadcast_in_dim3A_803 : i32 to vector<64x4xi32>
      %slice3A_805 = vector.extract_strided_slice %add3A_802 {offsets = [0, 0], sizes = [64, 124], strides = [1, 1]} : vector<64x128xi32> to vector<64x124xi32>
      %concatenate3A_806 = tpu.concatenate %broadcast_in_dim3A_804, %slice3A_805 in 1 : vector<64x4xi32>, vector<64x124xi32> -> vector<64x128xi32>
      %add3A_807 = arith.addi %add3A_802, %concatenate3A_806 : vector<64x128xi32>
      %broadcast_in_dim3A_808 = arith.constant 0 : i32
      %broadcast_in_dim3A_809 = vector.broadcast %broadcast_in_dim3A_808 : i32 to vector<64x8xi32>
      %slice3A_810 = vector.extract_strided_slice %add3A_807 {offsets = [0, 0], sizes = [64, 120], strides = [1, 1]} : vector<64x128xi32> to vector<64x120xi32>
      %concatenate3A_811 = tpu.concatenate %broadcast_in_dim3A_809, %slice3A_810 in 1 : vector<64x8xi32>, vector<64x120xi32> -> vector<64x128xi32>
      %add3A_812 = arith.addi %add3A_807, %concatenate3A_811 : vector<64x128xi32>
      %broadcast_in_dim3A_813 = arith.constant 0 : i32
      %broadcast_in_dim3A_814 = vector.broadcast %broadcast_in_dim3A_813 : i32 to vector<64x16xi32>
      %slice3A_815 = vector.extract_strided_slice %add3A_812 {offsets = [0, 0], sizes = [64, 112], strides = [1, 1]} : vector<64x128xi32> to vector<64x112xi32>
      %concatenate3A_816 = tpu.concatenate %broadcast_in_dim3A_814, %slice3A_815 in 1 : vector<64x16xi32>, vector<64x112xi32> -> vector<64x128xi32>
      %add3A_817 = arith.addi %add3A_812, %concatenate3A_816 : vector<64x128xi32>
      %broadcast_in_dim3A_818 = arith.constant 0 : i32
      %broadcast_in_dim3A_819 = vector.broadcast %broadcast_in_dim3A_818 : i32 to vector<64x32xi32>
      %slice3A_820 = vector.extract_strided_slice %add3A_817 {offsets = [0, 0], sizes = [64, 96], strides = [1, 1]} : vector<64x128xi32> to vector<64x96xi32>
      %concatenate3A_821 = tpu.concatenate %broadcast_in_dim3A_819, %slice3A_820 in 1 : vector<64x32xi32>, vector<64x96xi32> -> vector<64x128xi32>
      %add3A_822 = arith.addi %add3A_817, %concatenate3A_821 : vector<64x128xi32>
      %broadcast_in_dim3A_823 = arith.constant 0 : i32
      %broadcast_in_dim3A_824 = vector.broadcast %broadcast_in_dim3A_823 : i32 to vector<64x64xi32>
      %slice3A_825 = vector.extract_strided_slice %add3A_822 {offsets = [0, 0], sizes = [64, 64], strides = [1, 1]} : vector<64x128xi32> to vector<64x64xi32>
      %concatenate3A_826 = tpu.concatenate %broadcast_in_dim3A_824, %slice3A_825 in 1 : vector<64x64xi32>, vector<64x64xi32> -> vector<64x128xi32>
      %add3A_827 = arith.addi %add3A_822, %concatenate3A_826 : vector<64x128xi32>
      %slice3A_828 = vector.extract_strided_slice %add3A_827 {offsets = [0, 127], sizes = [64, 1], strides = [1, 1]} : vector<64x128xi32> to vector<64x1xi32>
      %broadcast_in_dim3A_829 = arith.constant 0 : i32
      %broadcast_in_dim3A_830 = vector.broadcast %broadcast_in_dim3A_829 : i32 to vector<1x1xi32>
      %slice3A_831 = vector.extract_strided_slice %slice3A_828 {offsets = [0, 0], sizes = [63, 1], strides = [1, 1]} : vector<64x1xi32> to vector<63x1xi32>
      %concatenate3A_832 = tpu.concatenate %broadcast_in_dim3A_830, %slice3A_831 in 0 : vector<1x1xi32>, vector<63x1xi32> -> vector<64x1xi32>
      %add3A_833 = arith.addi %slice3A_828, %concatenate3A_832 : vector<64x1xi32>
      %broadcast_in_dim3A_834 = arith.constant 0 : i32
      %broadcast_in_dim3A_835 = vector.broadcast %broadcast_in_dim3A_834 : i32 to vector<2x1xi32>
      %slice3A_836 = vector.extract_strided_slice %add3A_833 {offsets = [0, 0], sizes = [62, 1], strides = [1, 1]} : vector<64x1xi32> to vector<62x1xi32>
      %concatenate3A_837 = tpu.concatenate %broadcast_in_dim3A_835, %slice3A_836 in 0 : vector<2x1xi32>, vector<62x1xi32> -> vector<64x1xi32>
      %add3A_838 = arith.addi %add3A_833, %concatenate3A_837 : vector<64x1xi32>
      %broadcast_in_dim3A_839 = arith.constant 0 : i32
      %broadcast_in_dim3A_840 = vector.broadcast %broadcast_in_dim3A_839 : i32 to vector<4x1xi32>
      %slice3A_841 = vector.extract_strided_slice %add3A_838 {offsets = [0, 0], sizes = [60, 1], strides = [1, 1]} : vector<64x1xi32> to vector<60x1xi32>
      %concatenate3A_842 = tpu.concatenate %broadcast_in_dim3A_840, %slice3A_841 in 0 : vector<4x1xi32>, vector<60x1xi32> -> vector<64x1xi32>
      %add3A_843 = arith.addi %add3A_838, %concatenate3A_842 : vector<64x1xi32>
      %broadcast_in_dim3A_844 = arith.constant 0 : i32
      %broadcast_in_dim3A_845 = vector.broadcast %broadcast_in_dim3A_844 : i32 to vector<8x1xi32>
      %slice3A_846 = vector.extract_strided_slice %add3A_843 {offsets = [0, 0], sizes = [56, 1], strides = [1, 1]} : vector<64x1xi32> to vector<56x1xi32>
      %concatenate3A_847 = tpu.concatenate %broadcast_in_dim3A_845, %slice3A_846 in 0 : vector<8x1xi32>, vector<56x1xi32> -> vector<64x1xi32>
      %add3A_848 = arith.addi %add3A_843, %concatenate3A_847 : vector<64x1xi32>
      %broadcast_in_dim3A_849 = arith.constant 0 : i32
      %broadcast_in_dim3A_850 = vector.broadcast %broadcast_in_dim3A_849 : i32 to vector<16x1xi32>
      %slice3A_851 = vector.extract_strided_slice %add3A_848 {offsets = [0, 0], sizes = [48, 1], strides = [1, 1]} : vector<64x1xi32> to vector<48x1xi32>
      %concatenate3A_852 = tpu.concatenate %broadcast_in_dim3A_850, %slice3A_851 in 0 : vector<16x1xi32>, vector<48x1xi32> -> vector<64x1xi32>
      %add3A_853 = arith.addi %add3A_848, %concatenate3A_852 : vector<64x1xi32>
      %broadcast_in_dim3A_854 = arith.constant 0 : i32
      %broadcast_in_dim3A_855 = vector.broadcast %broadcast_in_dim3A_854 : i32 to vector<32x1xi32>
      %slice3A_856 = vector.extract_strided_slice %add3A_853 {offsets = [0, 0], sizes = [32, 1], strides = [1, 1]} : vector<64x1xi32> to vector<32x1xi32>
      %concatenate3A_857 = tpu.concatenate %broadcast_in_dim3A_855, %slice3A_856 in 0 : vector<32x1xi32>, vector<32x1xi32> -> vector<64x1xi32>
      %add3A_858 = arith.addi %add3A_853, %concatenate3A_857 : vector<64x1xi32>
      %sub3A_859 = arith.subi %add3A_858, %slice3A_828 : vector<64x1xi32>
      %add3A_860 = vector.broadcast %sub3A_859 : vector<64x1xi32> to vector<64x128xi32>
      %add3A_861 = arith.addi %add3A_827, %add3A_860 : vector<64x128xi32>
      %reduce_sum3A_862 = vector.shape_cast %convert_element_type3A_792 : vector<64x128xi32> to vector<1x64x128xi32>
      %reduce_sum3A_863 = arith.constant dense<0> : vector<1xi32>
      %reduce_sum3A_864 = vector.multi_reduction <add>, %reduce_sum3A_862, %reduce_sum3A_863 [1, 2] : vector<1x64x128xi32> to vector<1xi32>
      %reduce_sum3A_865 = vector.shape_cast %reduce_sum3A_864 : vector<1xi32> to vector<1x1x1xi32>
      %reduce_sum3A_866 = vector.extract %reduce_sum3A_865[0, 0, 0] : i32 from vector<1x1x1xi32>
      %ge3A_867 = vector.broadcast %add3A_785 : i32 to vector<1x128xi32>
      %ge3A_868 = arith.cmpi sge, %iota3A_76, %ge3A_867 : vector<1x128xi32>
      %convert_element_type3A_869 = arith.extui %ge3A_868 : vector<1x128xi1> to vector<1x128xi32>
      %add3A_870 = arith.addi %add3A_751, %convert_element_type3A_869 : vector<1x128xi32>
      %sub3A_871 = arith.constant 1 : i32
      %sub3A_872 = vector.broadcast %sub3A_871 : i32 to vector<64x128xi32>
      %sub3A_873 = arith.subi %add3A_861, %sub3A_872 : vector<64x128xi32>
      %add3A_874 = vector.broadcast %add3A_788 : i32 to vector<64x128xi32>
      %add3A_875 = arith.addi %sub3A_873, %add3A_874 : vector<64x128xi32>
      %mul3A_876 = arith.muli %convert_element_type3A_792, %add3A_875 : vector<64x128xi32>
      %add3A_877 = arith.addi %add3A_758, %mul3A_876 : vector<64x128xi32>
      %add3A_878 = arith.constant 255 : i32
      %add3A_879 = arith.addi %reduce_sum3A_866, %add3A_878 : i32
      %jit3A_880 = arith.constant 256 : i32
      %div3A_881 = arith.divsi %add3A_879, %jit3A_880 : i32
      %sign3A_882 = arith.constant 0 : i32
      %sign3A_883 = arith.cmpi sgt, %add3A_879, %sign3A_882 : i32
      %sign3A_884 = arith.extui %sign3A_883 : i1 to i32
      %sign3A_885 = arith.constant 0 : i32
      %sign3A_886 = arith.cmpi slt, %add3A_879, %sign3A_885 : i32
      %sign3A_887 = arith.extui %sign3A_886 : i1 to i32
      %sign3A_888 = arith.subi %sign3A_884, %sign3A_887 : i32
      %sign3A_889 = arith.constant 0 : i32
      %sign3A_890 = arith.cmpi sgt, %jit3A_880, %sign3A_889 : i32
      %sign3A_891 = arith.extui %sign3A_890 : i1 to i32
      %sign3A_892 = arith.constant 0 : i32
      %sign3A_893 = arith.cmpi slt, %jit3A_880, %sign3A_892 : i32
      %sign3A_894 = arith.extui %sign3A_893 : i1 to i32
      %sign3A_895 = arith.subi %sign3A_891, %sign3A_894 : i32
      %ne3A_896 = arith.cmpi ne, %sign3A_888, %sign3A_895 : i32
      %rem3A_897 = arith.remsi %add3A_879, %jit3A_880 : i32
      %ne3A_898 = arith.constant 0 : i32
      %ne3A_899 = arith.cmpi ne, %rem3A_897, %ne3A_898 : i32
      %and3A_900 = arith.andi %ne3A_896, %ne3A_899 : i1
      %sub3A_901 = arith.constant 1 : i32
      %sub3A_902 = arith.subi %div3A_881, %sub3A_901 : i32
      %select_n3A_903 = arith.select %and3A_900, %sub3A_902, %div3A_881 : i32
      %add3A_904 = arith.addi %add3A_785, %select_n3A_903 : i32
      %mul3A_905 = arith.constant 256 : i32
      %mul3A_906 = arith.muli %select_n3A_903, %mul3A_905 : i32
      %add3A_907 = arith.addi %add3A_788, %mul3A_906 : i32
      %eq3A_908 = arith.constant 7 : i32
      %eq3A_909 = vector.broadcast %eq3A_908 : i32 to vector<64x128xi32>
      %eq3A_910 = arith.cmpi eq, %get3A_71, %eq3A_909 : vector<64x128xi32>
      %convert_element_type3A_911 = arith.extui %eq3A_910 : vector<64x128xi1> to vector<64x128xi32>
      %broadcast_in_dim3A_912 = arith.constant 0 : i32
      %broadcast_in_dim3A_913 = vector.broadcast %broadcast_in_dim3A_912 : i32 to vector<64x1xi32>
      %slice3A_914 = vector.extract_strided_slice %convert_element_type3A_911 {offsets = [0, 0], sizes = [64, 127], strides = [1, 1]} : vector<64x128xi32> to vector<64x127xi32>
      %concatenate3A_915 = tpu.concatenate %broadcast_in_dim3A_913, %slice3A_914 in 1 : vector<64x1xi32>, vector<64x127xi32> -> vector<64x128xi32>
      %add3A_916 = arith.addi %convert_element_type3A_911, %concatenate3A_915 : vector<64x128xi32>
      %broadcast_in_dim3A_917 = arith.constant 0 : i32
      %broadcast_in_dim3A_918 = vector.broadcast %broadcast_in_dim3A_917 : i32 to vector<64x2xi32>
      %slice3A_919 = vector.extract_strided_slice %add3A_916 {offsets = [0, 0], sizes = [64, 126], strides = [1, 1]} : vector<64x128xi32> to vector<64x126xi32>
      %concatenate3A_920 = tpu.concatenate %broadcast_in_dim3A_918, %slice3A_919 in 1 : vector<64x2xi32>, vector<64x126xi32> -> vector<64x128xi32>
      %add3A_921 = arith.addi %add3A_916, %concatenate3A_920 : vector<64x128xi32>
      %broadcast_in_dim3A_922 = arith.constant 0 : i32
      %broadcast_in_dim3A_923 = vector.broadcast %broadcast_in_dim3A_922 : i32 to vector<64x4xi32>
      %slice3A_924 = vector.extract_strided_slice %add3A_921 {offsets = [0, 0], sizes = [64, 124], strides = [1, 1]} : vector<64x128xi32> to vector<64x124xi32>
      %concatenate3A_925 = tpu.concatenate %broadcast_in_dim3A_923, %slice3A_924 in 1 : vector<64x4xi32>, vector<64x124xi32> -> vector<64x128xi32>
      %add3A_926 = arith.addi %add3A_921, %concatenate3A_925 : vector<64x128xi32>
      %broadcast_in_dim3A_927 = arith.constant 0 : i32
      %broadcast_in_dim3A_928 = vector.broadcast %broadcast_in_dim3A_927 : i32 to vector<64x8xi32>
      %slice3A_929 = vector.extract_strided_slice %add3A_926 {offsets = [0, 0], sizes = [64, 120], strides = [1, 1]} : vector<64x128xi32> to vector<64x120xi32>
      %concatenate3A_930 = tpu.concatenate %broadcast_in_dim3A_928, %slice3A_929 in 1 : vector<64x8xi32>, vector<64x120xi32> -> vector<64x128xi32>
      %add3A_931 = arith.addi %add3A_926, %concatenate3A_930 : vector<64x128xi32>
      %broadcast_in_dim3A_932 = arith.constant 0 : i32
      %broadcast_in_dim3A_933 = vector.broadcast %broadcast_in_dim3A_932 : i32 to vector<64x16xi32>
      %slice3A_934 = vector.extract_strided_slice %add3A_931 {offsets = [0, 0], sizes = [64, 112], strides = [1, 1]} : vector<64x128xi32> to vector<64x112xi32>
      %concatenate3A_935 = tpu.concatenate %broadcast_in_dim3A_933, %slice3A_934 in 1 : vector<64x16xi32>, vector<64x112xi32> -> vector<64x128xi32>
      %add3A_936 = arith.addi %add3A_931, %concatenate3A_935 : vector<64x128xi32>
      %broadcast_in_dim3A_937 = arith.constant 0 : i32
      %broadcast_in_dim3A_938 = vector.broadcast %broadcast_in_dim3A_937 : i32 to vector<64x32xi32>
      %slice3A_939 = vector.extract_strided_slice %add3A_936 {offsets = [0, 0], sizes = [64, 96], strides = [1, 1]} : vector<64x128xi32> to vector<64x96xi32>
      %concatenate3A_940 = tpu.concatenate %broadcast_in_dim3A_938, %slice3A_939 in 1 : vector<64x32xi32>, vector<64x96xi32> -> vector<64x128xi32>
      %add3A_941 = arith.addi %add3A_936, %concatenate3A_940 : vector<64x128xi32>
      %broadcast_in_dim3A_942 = arith.constant 0 : i32
      %broadcast_in_dim3A_943 = vector.broadcast %broadcast_in_dim3A_942 : i32 to vector<64x64xi32>
      %slice3A_944 = vector.extract_strided_slice %add3A_941 {offsets = [0, 0], sizes = [64, 64], strides = [1, 1]} : vector<64x128xi32> to vector<64x64xi32>
      %concatenate3A_945 = tpu.concatenate %broadcast_in_dim3A_943, %slice3A_944 in 1 : vector<64x64xi32>, vector<64x64xi32> -> vector<64x128xi32>
      %add3A_946 = arith.addi %add3A_941, %concatenate3A_945 : vector<64x128xi32>
      %slice3A_947 = vector.extract_strided_slice %add3A_946 {offsets = [0, 127], sizes = [64, 1], strides = [1, 1]} : vector<64x128xi32> to vector<64x1xi32>
      %broadcast_in_dim3A_948 = arith.constant 0 : i32
      %broadcast_in_dim3A_949 = vector.broadcast %broadcast_in_dim3A_948 : i32 to vector<1x1xi32>
      %slice3A_950 = vector.extract_strided_slice %slice3A_947 {offsets = [0, 0], sizes = [63, 1], strides = [1, 1]} : vector<64x1xi32> to vector<63x1xi32>
      %concatenate3A_951 = tpu.concatenate %broadcast_in_dim3A_949, %slice3A_950 in 0 : vector<1x1xi32>, vector<63x1xi32> -> vector<64x1xi32>
      %add3A_952 = arith.addi %slice3A_947, %concatenate3A_951 : vector<64x1xi32>
      %broadcast_in_dim3A_953 = arith.constant 0 : i32
      %broadcast_in_dim3A_954 = vector.broadcast %broadcast_in_dim3A_953 : i32 to vector<2x1xi32>
      %slice3A_955 = vector.extract_strided_slice %add3A_952 {offsets = [0, 0], sizes = [62, 1], strides = [1, 1]} : vector<64x1xi32> to vector<62x1xi32>
      %concatenate3A_956 = tpu.concatenate %broadcast_in_dim3A_954, %slice3A_955 in 0 : vector<2x1xi32>, vector<62x1xi32> -> vector<64x1xi32>
      %add3A_957 = arith.addi %add3A_952, %concatenate3A_956 : vector<64x1xi32>
      %broadcast_in_dim3A_958 = arith.constant 0 : i32
      %broadcast_in_dim3A_959 = vector.broadcast %broadcast_in_dim3A_958 : i32 to vector<4x1xi32>
      %slice3A_960 = vector.extract_strided_slice %add3A_957 {offsets = [0, 0], sizes = [60, 1], strides = [1, 1]} : vector<64x1xi32> to vector<60x1xi32>
      %concatenate3A_961 = tpu.concatenate %broadcast_in_dim3A_959, %slice3A_960 in 0 : vector<4x1xi32>, vector<60x1xi32> -> vector<64x1xi32>
      %add3A_962 = arith.addi %add3A_957, %concatenate3A_961 : vector<64x1xi32>
      %broadcast_in_dim3A_963 = arith.constant 0 : i32
      %broadcast_in_dim3A_964 = vector.broadcast %broadcast_in_dim3A_963 : i32 to vector<8x1xi32>
      %slice3A_965 = vector.extract_strided_slice %add3A_962 {offsets = [0, 0], sizes = [56, 1], strides = [1, 1]} : vector<64x1xi32> to vector<56x1xi32>
      %concatenate3A_966 = tpu.concatenate %broadcast_in_dim3A_964, %slice3A_965 in 0 : vector<8x1xi32>, vector<56x1xi32> -> vector<64x1xi32>
      %add3A_967 = arith.addi %add3A_962, %concatenate3A_966 : vector<64x1xi32>
      %broadcast_in_dim3A_968 = arith.constant 0 : i32
      %broadcast_in_dim3A_969 = vector.broadcast %broadcast_in_dim3A_968 : i32 to vector<16x1xi32>
      %slice3A_970 = vector.extract_strided_slice %add3A_967 {offsets = [0, 0], sizes = [48, 1], strides = [1, 1]} : vector<64x1xi32> to vector<48x1xi32>
      %concatenate3A_971 = tpu.concatenate %broadcast_in_dim3A_969, %slice3A_970 in 0 : vector<16x1xi32>, vector<48x1xi32> -> vector<64x1xi32>
      %add3A_972 = arith.addi %add3A_967, %concatenate3A_971 : vector<64x1xi32>
      %broadcast_in_dim3A_973 = arith.constant 0 : i32
      %broadcast_in_dim3A_974 = vector.broadcast %broadcast_in_dim3A_973 : i32 to vector<32x1xi32>
      %slice3A_975 = vector.extract_strided_slice %add3A_972 {offsets = [0, 0], sizes = [32, 1], strides = [1, 1]} : vector<64x1xi32> to vector<32x1xi32>
      %concatenate3A_976 = tpu.concatenate %broadcast_in_dim3A_974, %slice3A_975 in 0 : vector<32x1xi32>, vector<32x1xi32> -> vector<64x1xi32>
      %add3A_977 = arith.addi %add3A_972, %concatenate3A_976 : vector<64x1xi32>
      %sub3A_978 = arith.subi %add3A_977, %slice3A_947 : vector<64x1xi32>
      %add3A_979 = vector.broadcast %sub3A_978 : vector<64x1xi32> to vector<64x128xi32>
      %add3A_980 = arith.addi %add3A_946, %add3A_979 : vector<64x128xi32>
      %ge3A_981 = vector.broadcast %add3A_904 : i32 to vector<1x128xi32>
      %ge3A_982 = arith.cmpi sge, %iota3A_76, %ge3A_981 : vector<1x128xi32>
      %convert_element_type3A_983 = arith.extui %ge3A_982 : vector<1x128xi1> to vector<1x128xi32>
      %add3A_984 = arith.addi %add3A_870, %convert_element_type3A_983 : vector<1x128xi32>
      %sub3A_985 = arith.constant 1 : i32
      %sub3A_986 = vector.broadcast %sub3A_985 : i32 to vector<64x128xi32>
      %sub3A_987 = arith.subi %add3A_980, %sub3A_986 : vector<64x128xi32>
      %add3A_988 = vector.broadcast %add3A_907 : i32 to vector<64x128xi32>
      %add3A_989 = arith.addi %sub3A_987, %add3A_988 : vector<64x128xi32>
      %mul3A_990 = arith.muli %convert_element_type3A_911, %add3A_989 : vector<64x128xi32>
      %add3A_991 = arith.addi %add3A_877, %mul3A_990 : vector<64x128xi32>
      %swap3A_992 = arith.constant 0 : index
      %swap3A_993 = arith.constant 0 : index
      %swap3A_994 = vector.load %arg7[%swap3A_992, %swap3A_993] : memref<64x128xi32, #tpu.memory_space<vmem>>, vector<64x128xi32>
      tpu.vector_store %arg7[%swap3A_992, %swap3A_993], %add3A_991 {strides = array<i32>} : memref<64x128xi32, #tpu.memory_space<vmem>>, vector<64x128xi32>,
      %sub3A_995 = arith.constant 1 : i32
      %sub3A_996 = vector.broadcast %sub3A_995 : i32 to vector<1x128xi32>
      %sub3A_997 = arith.subi %add3A_984, %sub3A_996 : vector<1x128xi32>
      %min3A = arith.constant 7 : i32
      %min3A_998 = vector.broadcast %min3A : i32 to vector<1x128xi32>
      %min3A_999 = arith.minsi %sub3A_997, %min3A_998 : vector<1x128xi32>
      %swap3A_1000 = arith.constant 0 : index
      %swap3A_1001 = arith.constant 0 : index
      %swap3A_1002 = vector.load %arg8[%swap3A_1000, %swap3A_1001] : memref<1x128xi32, #tpu.memory_space<vmem>>, vector<1x128xi32>
      tpu.vector_store %arg8[%swap3A_1000, %swap3A_1001], %min3A_999 {strides = array<i32>} : memref<1x128xi32, #tpu.memory_space<vmem>>, vector<1x128xi32>,
    } else {
    }
    return
  }
  func.func @transform_0(%arg0: i32) -> (i32, i32) {
    %c0_i32 = arith.constant 0 : i32
    %c0_i32_0 = arith.constant 0 : i32
    return %arg0, %c0_i32 : i32, i32
  }
  func.func @transform_1(%arg0: i32) -> (i32, i32) {
    %c0_i32 = arith.constant 0 : i32
    %c0_i32_0 = arith.constant 0 : i32
    %c0_i32_1 = arith.constant 0 : i32
    return %c0_i32, %c0_i32_0 : i32, i32
  }
  func.func @transform_2(%arg0: i32) -> (i32, i32) {
    %c0_i32 = arith.constant 0 : i32
    %c0_i32_0 = arith.constant 0 : i32
    %c0_i32_1 = arith.constant 0 : i32
    return %c0_i32, %c0_i32_0 : i32, i32
  }
  func.func @transform_3(%arg0: i32) -> (i32, i32) {
    %c0_i32 = arith.constant 0 : i32
    %c0_i32_0 = arith.constant 0 : i32
    return %arg0, %c0_i32 : i32, i32
  }
  func.func @transform_4(%arg0: i32) -> (i32, i32) {
    %c0_i32 = arith.constant 0 : i32
    %c0_i32_0 = arith.constant 0 : i32
    return %arg0, %c0_i32 : i32, i32
  }
  func.func @transform_5(%arg0: i32) -> (i32, i32) {
    %c0_i32 = arith.constant 0 : i32
    %c0_i32_0 = arith.constant 0 : i32
    return %arg0, %c0_i32 : i32, i32
  }
  func.func @transform_6(%arg0: i32) -> (i32, i32) {
    %c0_i32 = arith.constant 0 : i32
    %c0_i32_0 = arith.constant 0 : i32
    %c0_i32_1 = arith.constant 0 : i32
    return %c0_i32, %c0_i32_0 : i32, i32
  }
  func.func @transform_7(%arg0: i32) -> (i32, i32) {
    %c0_i32 = arith.constant 0 : i32
    %c0_i32_0 = arith.constant 0 : i32
    %c0_i32_1 = arith.constant 0 : i32
    return %c0_i32, %c0_i32_0 : i32, i32
  }
}

</mosaic_0001>

<sc_bundles>
// kernel: kernel.10.cloned.1.call-start
scs
__scs_entry_jumppad:
0x0: {  	(pc) =	sbr.rel $0x88, $3  }
0x1: {  	(tag) =	ssettag $0x0;
	lr =	simm.s32 $0x1  }
0x2: {  	[smem:$0x3F9C] =	sst lr;
	_ =	strace $0xD0000000  }
0x3: {  	_ = 	snop  }
0x4: {  	_ = 	snop  }
0x5: {  	_ = 	snop  }
0x6: {  	_ = 	snop  }
0x7: {  	_ = 	snop  }
__scs_overlays_trampoline_lowered:
0x8: {  	[smem:$0x3FAB] =	sst s0  }
0x9: {  	[smem:$0x3FAC] =	sst s1  }
0xa: {  	[smem:$0x3FAD] =	sst s2  }
0xb: {  	[smem:$0x3FAE] =	sst s3  }
0xc: {  	[smem:$0x3FAF] =	sst s4  }
0xd: {  	[smem:$0x3FB0] =	sst s5  }
0xe: {  	[smem:$0x3FB1] =	sst s6  }
0xf: {  	[smem:$0x3FB2] =	sst s7  }
0x10: {  	[smem:$0x3FB3] =	sst s8  }
0x11: {  	[smem:$0x3FB4] =	sst s9;
	s0 =	simm.s32 @!p0 $0x0  }
0x12: {  	s1 =	sld [smem:$0x3F9A];
	s0 =	simm.s32 @p0 $0x1  }
0x13: {  	[smem:$0x3FB5] =	sst s0;
	s0 =	simm.s32 @!p1 $0x0  }
0x14: {  	s2 =	sld [smem:$0x3F99];
	s0 =	simm.s32 @p1 $0x1  }
0x15: {  	[smem:$0x3FB6] =	sst s0;
	s0 =	simm.s32 @!p2 $0x0  }
0x16: {  	s3 =	sld [smem:$0x3FDB];
	s0 =	simm.s32 @p2 $0x1  }
0x17: {  	s4 =	simm.s32 $0x1BF5;
	[smem:$0x3FB8] =	sst s0  }
0x18: {  	s0 =	sld [smem:$0x3F9B];
	_ =	swait.ge [sflag:s4], $0x0  }
0x19: {  	s7 =	sld [smem:$0x3F9C]  }
0x1a: {  	s8 =	sadd.s32 $0xFFFFE003, lr  }
0x1b: {  	s9 =	sadd.s32 $0xFFFFFEF7, lr;
	s5 =	simm.s32 $0xFFFFFFFF;
	p2 =	slt.u32 s8, $0xFFFFF086  }
0x1c: {  	p1 =	slt.u32 s9, $0xF7A;
	s5 =	simm.s32 @!p2 $0x0  }
0x1d: {  	s5 =	simm.s32 @p1 $0x1;
	p0 =	seq.s32 s7, s2  }
0x1e: {  	s7 =	smul.u32 @!p0 $0xF7A, s2;
	p2 =	seq.s32 @!p0 s5, $0x0  }
0x1f: {  	s9 =	smul.u32 $0xF7A, s1;
	s8 =	simm.s32 @!p0 $0x1BF5;
	p2 =	por !p2, p0  }
0x20: {  	[sflag:s8] =	ssyncset.s32 @!p0 $0xFFFFF086;
	s6 =	sadd.s32 @!p0 s3, s7;
	s7 =	simm.s32 @!p0 $0x108  }
0x21: {  	s3 =	sadd.s32 s3, s9;
	s6 =	sadd.s32 @!p0 $0x88, s6;
	s7 =	simm.s32 @p2 $0x1082  }
0x22: {  	[simem:s7], [sflag:s8] =	dma.local @!p0 [hbm:s6], $0xF7A  }
0x23: {  	s9 =	sor.u32 $0xD0000000, s2;
	s6 =	simm.s32 $0x108;
	_ =	swait.ge @!p0 [sflag:s8], $0x0  }
0x24: {  	s3 =	sadd.s32 $0x88, s3;
	s6 =	simm.s32 @!p1 $0x1082;
	[sflag:s4] =	ssyncset.s32 $0xFFFFF086  }
0x25: {  	[simem:s6], [sflag:s4] =	dma.local [hbm:s3], $0xF7A  }
0x26: {  	[smem:$0x3F9C] =	sst s1;
	(tag) =	ssettag s2;
	_ =	strace s9  }
0x27: {  	s1 =	sld [smem:$0x3FAC]  }
0x28: {  	s2 =	sld [smem:$0x3FAD]  }
0x29: {  	s4 =	sld [smem:$0x3FAF]  }
0x2a: {  	p0 =	seq.s32 s5, $0x0;
	s5 =	sld [smem:$0x3FB0]  }
0x2b: {  	s6 =	sld [smem:$0x3FB1]  }
0x2c: {  	s7 =	sld [smem:$0x3FB2]  }
0x2d: {  	s3 =	simm.s32 $0x108;
	s8 =	sld [smem:$0x3FB3]  }
0x2e: {  	s3 =	simm.s32 @!p0 $0x1082;
	s9 =	sld [smem:$0x3FB4]  }
0x2f: {  	lr =	sadd.s32 s0, s3;
	s0 =	sld [smem:$0x3FAB]  }
0x30: {  	s3 =	sld [smem:$0x3FAE]  }
0x31: {  	[smem:$0x3FB7] =	sst s10  }
0x32: {  	s10 =	sld [smem:$0x3FB5];
	_ =	sdelay $0x3  }
0x33: {  	p0 =	seq.s32 s10, $0x1;
	s10 =	sld [smem:$0x3FB7];
	_ =	sdelay $0x3  }
0x34: {  	[smem:$0x3FB7] =	sst s10  }
0x35: {  	s10 =	sld [smem:$0x3FB6];
	_ =	sdelay $0x3  }
0x36: {  	p1 =	seq.s32 s10, $0x1;
	s10 =	sld [smem:$0x3FB7];
	_ =	sdelay $0x3  }
0x37: {  	[smem:$0x3FB7] =	sst s10  }
0x38: {  	s10 =	sld [smem:$0x3FB8]  }
0x39: {  	_ = 	snop;
	(pc) =	sbr.ind lr, $3  }
0x3a: {  	_ = 	snop  }
0x3b: {  	_ = 	snop  }
0x3c: {  	p2 =	seq.s32 s10, $0x1;
	s10 =	sld [smem:$0x3FB7]  }
0x3d: {  	_ =	shalt  }
0x3e: {  	_ =	shalt  }
0x3f: {  	_ =	shalt  }
0x40: {  	_ =	shalt  }
0x41: {  	_ =	shalt  }
0x42: {  	_ =	shalt  }
0x43: {  	_ =	shalt  }
0x44: {  	_ =	shalt  }
0x45: {  	_ =	shalt  }
0x46: {  	_ =	shalt  }
0x47: {  	_ =	shalt  }
0x48: {  	_ =	shalt  }
0x49: {  	_ =	shalt  }
0x4a: {  	_ =	shalt  }
0x4b: {  	_ =	shalt  }
0x4c: {  	_ =	shalt  }
0x4d: {  	_ =	shalt  }
0x4e: {  	_ =	shalt  }
0x4f: {  	_ =	shalt  }
0x50: {  	_ =	shalt  }
0x51: {  	_ =	shalt  }
0x52: {  	_ =	shalt  }
0x53: {  	_ =	shalt  }
0x54: {  	_ =	shalt  }
0x55: {  	_ =	shalt  }
0x56: {  	_ =	shalt  }
0x57: {  	_ =	shalt  }
0x58: {  	_ =	shalt  }
0x59: {  	_ =	shalt  }
0x5a: {  	_ =	shalt  }
0x5b: {  	_ =	shalt  }
0x5c: {  	_ =	shalt  }
0x5d: {  	_ =	shalt  }
0x5e: {  	_ =	shalt  }
0x5f: {  	_ =	shalt  }
0x60: {  	_ =	shalt  }
0x61: {  	_ =	shalt  }
0x62: {  	_ =	shalt  }
0x63: {  	_ =	shalt  }
0x64: {  	_ =	shalt  }
0x65: {  	_ =	shalt  }
0x66: {  	_ =	shalt  }
0x67: {  	_ =	shalt  }
0x68: {  	_ =	shalt  }
0x69: {  	_ =	shalt  }
0x6a: {  	_ =	shalt  }
0x6b: {  	_ =	shalt  }
0x6c: {  	_ =	shalt  }
0x6d: {  	_ =	shalt  }
0x6e: {  	_ =	shalt  }
0x6f: {  	_ =	shalt  }
0x70: {  	_ =	shalt  }
0x71: {  	_ =	shalt  }
0x72: {  	_ =	shalt  }
0x73: {  	_ =	shalt  }
0x74: {  	_ =	shalt  }
0x75: {  	_ =	shalt  }
0x76: {  	_ =	shalt  }
0x77: {  	_ =	shalt  }
0x78: {  	_ =	shalt  }
0x79: {  	_ =	shalt  }
0x7a: {  	_ =	shalt  }
0x7b: {  	_ =	shalt  }
0x7c: {  	_ =	shalt  }
0x7d: {  	_ =	shalt  }
0x7e: {  	_ =	shalt  }
0x7f: {  	_ =	shalt  }
0x80: {  	_ =	shalt  }
0x81: {  	_ =	shalt  }
0x82: {  	_ =	shalt  }
0x83: {  	_ =	shalt  }
0x84: {  	_ =	shalt  }
0x85: {  	_ =	shalt  }
0x86: {  	_ =	shalt  }
0x87: {  	_ =	shalt  }
.Lfunc_end0:
.L_simem_size_0:
called_computation.1_lowered:
.L_overlay_start_0:
0x88: {  	s2 =	sld [smem:$0x3FD9]  }
0x89: {  	s3 =	sld [smem:$0x3FFE];
	_ =	sdelay $0x1  }
0x8a: {  	s1 =	srdreg.scid  }
0x8b: {  	s0 =	sand.u32 $0x1, s1  }
0x8c: {  	s17 =	sshll.u32 s0, $0xA;
	s2 =	sadd.s32 s3, s2  }
0x8d: {  	s2 =	sadd.s32 s2, s17  }
0x8e: {  	[smem:$0x3FC3] =	sst s2  }
0x8f: {  	_ = 	snop  }
0x90: {  	s2 =	sld [smem:$0x3FD0];
	(tm) =	ssettm $0x1  }
0x91: {  	s18 =	sld [smem:$0x3FFB];
	_ =	sdelay $0x3  }
0x92: {  	_ =	strace s18  }
0x93: {  	s3 =	sld [smem:$0x3FFC];
	_ =	sdelay $0x3  }
0x94: {  	_ =	strace s3  }
0x95: {  	s3 =	sld [smem:$0x3FFD];
	_ =	sdelay $0x3  }
0x96: {  	_ =	strace s3  }
0x97: {  	_ =	strace $0x8FFFFFFF  }
0x98: {  	s19 =	sld [smem:$0x3FDB];
	_ =	sdelay $0x1  }
0x99: {  	s4 =	simm.s32 $_scs_section_size  }
0x9a: {  	s5 =	simm.s32 $_size__tile_overlayer_lowered;
	s6 =	simm.s32 $_tile_overlayer_lowered  }
0x9b: {  	s22 =	simm.s32 $0x1BFF;
	s21 =	sshll.u32 s6, $0x1;
	s3 =	sadd.s32 s4, s19  }
0x9c: {  	s7 =	simm.s32 $0x0;
	s20 =	sshll.u32 s5, $0x1;
	s5 =	sadd.s32 s21, s3  }
0x9d: {  	[timem:s7], [sflag:s22] =	dma.local [hbm:s5], s20  }
0x9e: {  	_ =	swait.ge [sflag:s22], s20  }
0x9f: {  	s4 =	ssub.s32 $0x0, s20;
	[sflag:s22] =	ssyncset.done $0x0  }
0xa0: {  	[sflag:s22] =	ssyncadd.s32 s4;
	_ =	sdelay $0x1  }
0xa1: {  	s23 =	simm.s32 $0x1B8B  }
0xa2: {  	_ =	swait.ge [sflag:s23], $0x1  }
0xa3: {  	[sflag:s23] =	ssyncset.done $0x0  }
0xa4: {  	s25 =	simm.s32 $0x1B8E;
	s24 =	sld [smem:$0x3FFE];
	[sflag:s23] =	ssyncadd.s32 $0xFFFFFFFF  }
0xa5: {  	s26 =	simm.s32 $execute0_lowered;
	[smem:$0x3FD2] =	sst s25  }
0xa6: {  	s5 =	sshll.u32 s26, $0x1;
	_ =	strace $0x80000049;
	[dreg:$0x1] =	wrdreg $0xFFFFFFFF  }
0xa7: {  	s28 =	simm.s32 $_size_execute0_lowered;
	s3 =	sadd.s32 s3, s5;
	[dreg:$0x0] =	wrdreg $0x0  }
0xa8: {  	s5 =	sshll.u32 s28, $0x1;
	[dreg:$0x2] =	wrdreg s3  }
0xa9: {  	[dreg:$0x3] =	wrdreg s5  }
0xaa: {  	[dreg:$0x4] =	wrdreg $0xC0  }
0xab: {  	_ =	task [dreg:s7], $0x5FFFF  }
0xac: {  	[dreg:$0x1] =	wrdreg $0xFFFFFFFF  }
0xad: {  	[dreg:$0x0] =	wrdreg $0x60  }
0xae: {  	[dreg:$0x2] =	wrdreg s24  }
0xaf: {  	[dreg:$0x3] =	wrdreg s2  }
0xb0: {  	[dreg:$0x4] =	wrdreg $0x9  }
0xb1: {  	_ =	task.clear_ibuf [dreg:s7], $0x5FFFF;
	_ =	strace $0x90000049  }
0xb2: {  	s29 =	simm.s32 $0x9;
	_ =	strace $0x8000004B  }
0xb3: {  	_ =	swait.ge [sflag:s29], $0x1  }
0xb4: {  	[sflag:s29] =	ssyncadd.s32 $0xFFFFFFFF  }
0xb5: {  	_ =	strace $0x9000004B  }
0xb6: {  	_ =	sfence  }
0xb7: {  	s30 =	sld [smem:$0x0];
	_ =	sdelay $0x2  }
0xb8: {  	s31 =	sshll.u32 s1, $0xD;
	s1 =	sshrl.u32 s1, $0x2  }
0xb9: {  	s3 =	sand.u32 $0x4000, s31;
	s1 =	sadd.s32 s1, s30  }
0xba: {  	s0 =	sor.u32 s3, s0;
	s1 =	sshll.u32 s1, $0x11  }
0xbb: {  	s0 =	sor.u32 s1, s0  }
0xbc: {  	s0 =	sadd.s32 $0x8F2B, s0  }
0xbd: {  	[sflag:s0] =	ssyncadd.remote.s32 $0x1  }
0xbe: {  	_ =	sfence.sel $0xFFFF  }
0xbf: {  	[dreg:$0x0] =	wrdreg $0xFFFFFFFF;
	(pc) =	sbr.abs _section_cstart, $3  }
0xc0: {  	[dreg:$0x1] =	wrdreg $0xFFFFFFFF  }
0xc1: {  	_ =	task.clear_ibuf [dreg:s7], $0x2FFFF;
	_ =	strace $0x9FFFFFFF  }
0xc2: {  	(tm) =	ssettm $0x7FFFFFFF  }
0xc3: {  	_ =	shalt  }
tec
execute0_lowered:
.L_overlay_start_1:
0x0: {  	(tag) =	ssettag $0x1  }
0x1: {  	s0 =	rddreg [dreg:$0x0];
	s1 =	srdreg.scid  }
0x2: {  	s2 =	stileid.u32;
	s4 =	rddreg [dreg:$0x1];
	s26 =	simm.s32 $0x100  }
0x3: {  	s15 =	simm.s32 $0x2;
	s16 =	simm.s32 $0x3;
	s17 =	simm.s32 $0x4  }
0x4: {  	s20 =	simm.s32 $0x1200;
	s28 =	simm.s32 $0x3A00;
	s29 =	simm.s32 $0x4200  }
0x5: {  	s30 =	simm.s32 $0x4A00;
	s31 =	simm.s32 $0x5200;
	s9 =	simm.s32 $0x7200  }
0x6: {  	s10 =	simm.s32 $0x7A00;
	s11 =	simm.s32 $0x8A00;
	s12 =	simm.s32 $0x9200  }
0x7: {  	s13 =	simm.s32 $0x9A00;
	s14 =	simm.s32 $0xA200;
	s1 =	sand.u32 $0x1, s1  }
0x8: {  	s3 =	sshll.u32 s2, $0x1;
	s2 =	simm.s32 $0x0;
	s7 =	sadd.s32 $0xA2400, s0  }
0x9: {  	s5 =	sor.u32 s1, s3;
	[smem:$0x7FF] =	sst s2;
	s1 =	ssub.s32 $0x2, s1  }
0xa: {  	s3 =	sshll.u32 s5, $0x5;
	_ =	strace $0x8000004A;
	s5 =	sshll.u32 s5, $0xD  }
0xb: {  	s23 =	sshrl.u32 s1, $0x1;
	[dreg:$0x9] =	wrdreg s26;
	s26 =	simm.s32 $0x3200  }
0xc: {  	s6 =	sadd.s32 s3, s0;
	s3 =	sadd.s32 $0x2400, s0;
	s21 =	sadd.s32 s4, s5  }
0xd: {  	s22 =	sor.u32 $0x1000, s5;
	s24 =	sadd.s32 s7, s5;
	s1 =	ssub.s32 s1, s23  }
0xe: {  	s23 =	simm.s32 $0xB200;
	s8 =	sadd.s32 $0x1C00, s6;
	[dreg:$0x5] =	wrdreg s21  }
0xf: {  	s6 =	sadd.s32 $0x2000, s6;
	s4 =	sadd.s32 s4, s22;
	[dreg:$0x7] =	wrdreg s24  }
0x10: {  	s25 =	sadd.s32 s7, s22;
	s5 =	smax.u32 s1, $0x1;
	[dreg:$0x3] =	wrdreg s8  }
0x11: {  	s24 =	simm.s32 $0x200;
	s21 =	simm.s32 $0x1A00;
	[dreg:$0x4] =	wrdreg s6  }
0x12: {  	v2 =	vlaneseq.u32;
	s22 =	simm.s32 $0x2200;
	s1 =	simm.s32 $0x5A00;
	[dreg:$0x6] =	wrdreg s4  }
0x13: {  	vm0 =	vmmov $0xffff;
	v1 =	vshrl.u32 v2, $0x3;
	s7 =	simm.s32 $0x6200;
	s4 =	sadd.s32 $0x2500, s0;
	[dreg:$0x8] =	wrdreg s25  }
0x14: {  	v0 =	vand.u32 $0x7, v2;
	v2 =	vor.u32 $0x8, v2;
	v1 =	vmul.u32 $0x8, v1;
	s25 =	simm.s32 $0x2A00;
	s8 =	simm.s32 $0x6A00;
	s6 =	simm.s32 $0x8200  }
.LBB2_1:
0x15: {  	s18 =	rddreg [dreg:$0x3];
	s0 =	simm.s32 $0x5  }
0x16: {  	[tilespmem:s2], [sflag:$0x5] =	stream.linear.gather [hbm4b:s18+s2], $0x100, $0x38;
	[tilespmem:$0x10200] =	vst v63  }
0x17: {  	_ =	swait.ge [sflag:s0], $0x100  }
0x18: {  	s18 =	rddreg [dreg:$0x4];
	[sflag:s0] =	ssyncset.done $0x0  }
0x19: {  	s19 =	rddreg [dreg:$0x9];
	[sflag:s0] =	ssyncadd.s32 $0xFFFFFF00  }
0x1a: {  	[tilespmem:s19], [sflag:$0x5] =	stream.linear.gather [hbm4b:s18+s2], $0x100, $0x38;
	[tilespmem:$0x10200] =	vst v63  }
0x1b: {  	_ =	swait.ge [sflag:s0], $0x100  }
0x1c: {  	[sflag:s0] =	ssyncset.done $0x0  }
0x1d: {  	[sflag:s0] =	ssyncadd.s32 $0xFFFFFF00  }
0x1e: {  	v3 =	vld [tilespmem:$0x0];
	_ =	sdelay $0x4  }
0x1f: {  	v4 =	vshll.u32 v3, $0x2  }
0x20: {  	v3 =	vand.u32 $0x7, v3;
	v4 =	vand.u32 $0xFFFFFFE0, v4  }
0x21: {  	v3 =	vor.u32 v3, v4  }
0x22: {  	v4 =	vperm.xlane v3, v0;
	_ =	sdelay $0x1  }
0x23: {  	v4 =	vadd.s32 v1, v4;
	_ =	sdelay $0x1  }
0x24: {  	v3 =	vperm.xlane v3, v2;
	_ =	sdelay $0x1  }
0x25: {  	v3 =	vadd.s32 v1, v3  }
0x26: {  	[tilespmem:s24], [sflag:$0x1] =	stream.indirect_vreg.gather [hbm4b:s3+s2], $0x80, v4, vm0, $0xb8;
	[tilespmem:$0x10200] =	vst v63  }
0x27: {  	s19 =	simm.s32 $0xA00  }
0x28: {  	[tilespmem:s19], [sflag:$0x1] =	stream.indirect_vreg.gather [hbm4b:s4+s2], $0x80, v4, vm0, $0xb8;
	[tilespmem:$0x10200] =	vst v63  }
0x29: {  	_ = 	snop  }
0x2a: {  	[tilespmem:s20], [sflag:$0x1] =	stream.indirect_vreg.gather [hbm4b:s3+s2], $0x80, v3, vm0, $0xb8;
	[tilespmem:$0x10200] =	vst v63  }
0x2b: {  	_ = 	snop  }
0x2c: {  	[tilespmem:s21], [sflag:$0x1] =	stream.indirect_vreg.gather [hbm4b:s4+s2], $0x80, v3, vm0, $0xb8;
	[tilespmem:$0x10200] =	vst v63  }
0x2d: {  	v3 =	vld [tilespmem:$0x10];
	_ =	sdelay $0x4  }
0x2e: {  	v49 =	vshll.u32 v3, $0x2  }
0x2f: {  	v3 =	vand.u32 $0x7, v3;
	v4 =	vand.u32 $0xFFFFFFE0, v49  }
0x30: {  	v3 =	vor.u32 v3, v4  }
0x31: {  	v4 =	vperm.xlane v3, v0;
	_ =	sdelay $0x1  }
0x32: {  	v4 =	vadd.s32 v1, v4;
	_ =	sdelay $0x1  }
0x33: {  	v3 =	vperm.xlane v3, v2;
	_ =	sdelay $0x1  }
0x34: {  	v3 =	vadd.s32 v1, v3  }
0x35: {  	[tilespmem:s22], [sflag:$0x1] =	stream.indirect_vreg.gather [hbm4b:s3+s2], $0x80, v4, vm0, $0xb8;
	[tilespmem:$0x10200] =	vst v63  }
0x36: {  	_ = 	snop  }
0x37: {  	[tilespmem:s25], [sflag:$0x1] =	stream.indirect_vreg.gather [hbm4b:s4+s2], $0x80, v4, vm0, $0xb8;
	[tilespmem:$0x10200] =	vst v63  }
0x38: {  	_ = 	snop  }
0x39: {  	[tilespmem:s26], [sflag:$0x1] =	stream.indirect_vreg.gather [hbm4b:s3+s2], $0x80, v3, vm0, $0xb8;
	[tilespmem:$0x10200] =	vst v63  }
0x3a: {  	_ = 	snop  }
0x3b: {  	[tilespmem:s28], [sflag:$0x1] =	stream.indirect_vreg.gather [hbm4b:s4+s2], $0x80, v3, vm0, $0xb8;
	[tilespmem:$0x10200] =	vst v63  }
0x3c: {  	v3 =	vld [tilespmem:$0x20];
	_ =	sdelay $0x4  }
0x3d: {  	v50 =	vshll.u32 v3, $0x2  }
0x3e: {  	v3 =	vand.u32 $0x7, v3;
	v4 =	vand.u32 $0xFFFFFFE0, v50  }
0x3f: {  	v3 =	vor.u32 v3, v4  }
0x40: {  	v4 =	vperm.xlane v3, v0;
	_ =	sdelay $0x1  }
0x41: {  	v4 =	vadd.s32 v1, v4;
	_ =	sdelay $0x1  }
0x42: {  	v3 =	vperm.xlane v3, v2;
	_ =	sdelay $0x1  }
0x43: {  	v3 =	vadd.s32 v1, v3  }
0x44: {  	[tilespmem:s29], [sflag:$0x1] =	stream.indirect_vreg.gather [hbm4b:s3+s2], $0x80, v4, vm0, $0xb8;
	[tilespmem:$0x10200] =	vst v63  }
0x45: {  	_ = 	snop  }
0x46: {  	[tilespmem:s30], [sflag:$0x1] =	stream.indirect_vreg.gather [hbm4b:s4+s2], $0x80, v4, vm0, $0xb8;
	[tilespmem:$0x10200] =	vst v63  }
0x47: {  	_ = 	snop  }
0x48: {  	[tilespmem:s31], [sflag:$0x1] =	stream.indirect_vreg.gather [hbm4b:s3+s2], $0x80, v3, vm0, $0xb8;
	[tilespmem:$0x10200] =	vst v63  }
0x49: {  	_ = 	snop  }
0x4a: {  	[tilespmem:s1], [sflag:$0x1] =	stream.indirect_vreg.gather [hbm4b:s4+s2], $0x80, v3, vm0, $0xb8;
	[tilespmem:$0x10200] =	vst v63  }
0x4b: {  	v3 =	vld [tilespmem:$0x30];
	_ =	sdelay $0x4  }
0x4c: {  	v51 =	vshll.u32 v3, $0x2  }
0x4d: {  	v3 =	vand.u32 $0x7, v3;
	v4 =	vand.u32 $0xFFFFFFE0, v51  }
0x4e: {  	v3 =	vor.u32 v3, v4  }
0x4f: {  	v4 =	vperm.xlane v3, v0;
	_ =	sdelay $0x1  }
0x50: {  	v4 =	vadd.s32 v1, v4;
	_ =	sdelay $0x1  }
0x51: {  	v3 =	vperm.xlane v3, v2;
	_ =	sdelay $0x1  }
0x52: {  	v3 =	vadd.s32 v1, v3  }
0x53: {  	[tilespmem:s7], [sflag:$0x1] =	stream.indirect_vreg.gather [hbm4b:s3+s2], $0x80, v4, vm0, $0xb8;
	[tilespmem:$0x10200] =	vst v63  }
0x54: {  	_ = 	snop  }
0x55: {  	[tilespmem:s8], [sflag:$0x1] =	stream.indirect_vreg.gather [hbm4b:s4+s2], $0x80, v4, vm0, $0xb8;
	[tilespmem:$0x10200] =	vst v63  }
0x56: {  	_ = 	snop  }
0x57: {  	[tilespmem:s9], [sflag:$0x1] =	stream.indirect_vreg.gather [hbm4b:s3+s2], $0x80, v3, vm0, $0xb8;
	[tilespmem:$0x10200] =	vst v63  }
0x58: {  	s0 =	simm.s32 $0x1  }
0x59: {  	[tilespmem:s10], [sflag:$0x1] =	stream.indirect_vreg.gather [hbm4b:s4+s2], $0x80, v3, vm0, $0xb8;
	[tilespmem:$0x10200] =	vst v63  }
0x5a: {  	_ =	swait.ge [sflag:s0], $0x8000  }
0x5b: {  	[sflag:s0] =	ssyncset.done $0x0  }
0x5c: {  	s18 =	rddreg [dreg:$0x5];
	[sflag:s0] =	ssyncadd.s32 $0xFFFF8000  }
0x5d: {  	[hbm4b:s18+s2] =	stream.linear.scatter [tilespmem:s24], [sflag:$0x3], $0x8000, $0x38;
	[tilespmem:$0x10200] =	vst v63  }
0x5e: {  	v3 =	vld [tilespmem:$0x80];
	_ =	sdelay $0x4  }
0x5f: {  	v52 =	vshll.u32 v3, $0x2  }
0x60: {  	v3 =	vand.u32 $0x7, v3;
	v4 =	vand.u32 $0xFFFFFFE0, v52  }
0x61: {  	v3 =	vor.u32 v3, v4  }
0x62: {  	v4 =	vperm.xlane v3, v0;
	_ =	sdelay $0x1  }
0x63: {  	v4 =	vadd.s32 v1, v4;
	_ =	sdelay $0x1  }
0x64: {  	v3 =	vperm.xlane v3, v2;
	_ =	sdelay $0x1  }
0x65: {  	v3 =	vadd.s32 v1, v3  }
0x66: {  	[tilespmem:s6], [sflag:$0x2] =	stream.indirect_vreg.gather [hbm4b:s3+s2], $0x80, v4, vm0, $0xb8;
	[tilespmem:$0x10200] =	vst v63  }
0x67: {  	_ = 	snop  }
0x68: {  	[tilespmem:s11], [sflag:$0x2] =	stream.indirect_vreg.gather [hbm4b:s4+s2], $0x80, v4, vm0, $0xb8;
	[tilespmem:$0x10200] =	vst v63  }
0x69: {  	_ = 	snop  }
0x6a: {  	[tilespmem:s12], [sflag:$0x2] =	stream.indirect_vreg.gather [hbm4b:s3+s2], $0x80, v3, vm0, $0xb8;
	[tilespmem:$0x10200] =	vst v63  }
0x6b: {  	_ = 	snop  }
0x6c: {  	[tilespmem:s13], [sflag:$0x2] =	stream.indirect_vreg.gather [hbm4b:s4+s2], $0x80, v3, vm0, $0xb8;
	[tilespmem:$0x10200] =	vst v63  }
0x6d: {  	v3 =	vld [tilespmem:$0x90];
	_ =	sdelay $0x4  }
0x6e: {  	v53 =	vshll.u32 v3, $0x2  }
0x6f: {  	v3 =	vand.u32 $0x7, v3;
	v4 =	vand.u32 $0xFFFFFFE0, v53  }
0x70: {  	v3 =	vor.u32 v3, v4  }
0x71: {  	v4 =	vperm.xlane v3, v0;
	_ =	sdelay $0x1  }
0x72: {  	v4 =	vadd.s32 v1, v4;
	_ =	sdelay $0x1  }
0x73: {  	v3 =	vperm.xlane v3, v2;
	_ =	sdelay $0x1  }
0x74: {  	v3 =	vadd.s32 v1, v3  }
0x75: {  	[tilespmem:s14], [sflag:$0x2] =	stream.indirect_vreg.gather [hbm4b:s3+s2], $0x80, v4, vm0, $0xb8;
	[tilespmem:$0x10200] =	vst v63  }
0x76: {  	s18 =	simm.s32 $0xAA00  }
0x77: {  	[tilespmem:s18], [sflag:$0x2] =	stream.indirect_vreg.gather [hbm4b:s4+s2], $0x80, v4, vm0, $0xb8;
	[tilespmem:$0x10200] =	vst v63  }
0x78: {  	_ = 	snop  }
0x79: {  	[tilespmem:s23], [sflag:$0x2] =	stream.indirect_vreg.gather [hbm4b:s3+s2], $0x80, v3, vm0, $0xb8;
	[tilespmem:$0x10200] =	vst v63  }
0x7a: {  	s18 =	simm.s32 $0xBA00  }
0x7b: {  	[tilespmem:s18], [sflag:$0x2] =	stream.indirect_vreg.gather [hbm4b:s4+s2], $0x80, v3, vm0, $0xb8;
	[tilespmem:$0x10200] =	vst v63  }
0x7c: {  	v3 =	vld [tilespmem:$0xA0];
	_ =	sdelay $0x4  }
0x7d: {  	v54 =	vshll.u32 v3, $0x2  }
0x7e: {  	v3 =	vand.u32 $0x7, v3;
	v4 =	vand.u32 $0xFFFFFFE0, v54  }
0x7f: {  	v3 =	vor.u32 v3, v4  }
0x80: {  	v4 =	vperm.xlane v3, v0;
	_ =	sdelay $0x1  }
0x81: {  	v4 =	vadd.s32 v1, v4;
	_ =	sdelay $0x1  }
0x82: {  	v3 =	vperm.xlane v3, v2;
	_ =	sdelay $0x1  }
0x83: {  	s18 =	simm.s32 $0xC200;
	v3 =	vadd.s32 v1, v3  }
0x84: {  	[tilespmem:s18], [sflag:$0x2] =	stream.indirect_vreg.gather [hbm4b:s3+s2], $0x80, v4, vm0, $0xb8;
	[tilespmem:$0x10200] =	vst v63  }
0x85: {  	s18 =	simm.s32 $0xCA00  }
0x86: {  	[tilespmem:s18], [sflag:$0x2] =	stream.indirect_vreg.gather [hbm4b:s4+s2], $0x80, v4, vm0, $0xb8;
	[tilespmem:$0x10200] =	vst v63  }
0x87: {  	s18 =	simm.s32 $0xD200  }
0x88: {  	[tilespmem:s18], [sflag:$0x2] =	stream.indirect_vreg.gather [hbm4b:s3+s2], $0x80, v3, vm0, $0xb8;
	[tilespmem:$0x10200] =	vst v63  }
0x89: {  	s18 =	simm.s32 $0xDA00  }
0x8a: {  	[tilespmem:s18], [sflag:$0x2] =	stream.indirect_vreg.gather [hbm4b:s4+s2], $0x80, v3, vm0, $0xb8;
	[tilespmem:$0x10200] =	vst v63  }
0x8b: {  	v3 =	vld [tilespmem:$0xB0];
	_ =	sdelay $0x4  }
0x8c: {  	v55 =	vshll.u32 v3, $0x2  }
0x8d: {  	v3 =	vand.u32 $0x7, v3;
	v4 =	vand.u32 $0xFFFFFFE0, v55  }
0x8e: {  	v3 =	vor.u32 v3, v4  }
0x8f: {  	v4 =	vperm.xlane v3, v0;
	_ =	sdelay $0x1  }
0x90: {  	v4 =	vadd.s32 v1, v4;
	_ =	sdelay $0x1  }
0x91: {  	v3 =	vperm.xlane v3, v2;
	_ =	sdelay $0x1  }
0x92: {  	s18 =	simm.s32 $0xE200;
	v3 =	vadd.s32 v1, v3  }
0x93: {  	[tilespmem:s18], [sflag:$0x2] =	stream.indirect_vreg.gather [hbm4b:s3+s2], $0x80, v4, vm0, $0xb8;
	[tilespmem:$0x10200] =	vst v63  }
0x94: {  	s18 =	simm.s32 $0xEA00  }
0x95: {  	[tilespmem:s18], [sflag:$0x2] =	stream.indirect_vreg.gather [hbm4b:s4+s2], $0x80, v4, vm0, $0xb8;
	[tilespmem:$0x10200] =	vst v63  }
0x96: {  	s18 =	simm.s32 $0xF200  }
0x97: {  	[tilespmem:s18], [sflag:$0x2] =	stream.indirect_vreg.gather [hbm4b:s3+s2], $0x80, v3, vm0, $0xb8;
	[tilespmem:$0x10200] =	vst v63  }
0x98: {  	s18 =	simm.s32 $0xFA00  }
0x99: {  	[tilespmem:s18], [sflag:$0x2] =	stream.indirect_vreg.gather [hbm4b:s4+s2], $0x80, v3, vm0, $0xb8;
	[tilespmem:$0x10200] =	vst v63  }
0x9a: {  	_ =	swait.ge [sflag:s15], $0x8000  }
0x9b: {  	[sflag:s15] =	ssyncset.done $0x0  }
0x9c: {  	s18 =	rddreg [dreg:$0x6];
	[sflag:s15] =	ssyncadd.s32 $0xFFFF8000  }
0x9d: {  	[hbm4b:s18+s2] =	stream.linear.scatter [tilespmem:s6], [sflag:$0x4], $0x8000, $0x38;
	[tilespmem:$0x10200] =	vst v63  }
0x9e: {  	_ =	swait.ge [sflag:s16], $0x8000  }
0x9f: {  	[sflag:s16] =	ssyncset.done $0x0  }
0xa0: {  	[sflag:s16] =	ssyncadd.s32 $0xFFFF8000  }
0xa1: {  	v3 =	vld [tilespmem:$0x100];
	_ =	sdelay $0x4  }
0xa2: {  	v56 =	vshll.u32 v3, $0x2  }
0xa3: {  	v3 =	vand.u32 $0x7, v3;
	v4 =	vand.u32 $0xFFFFFFE0, v56  }
0xa4: {  	v3 =	vor.u32 v3, v4  }
0xa5: {  	v4 =	vperm.xlane v3, v0;
	_ =	sdelay $0x1  }
0xa6: {  	v4 =	vadd.s32 v1, v4;
	_ =	sdelay $0x1  }
0xa7: {  	v3 =	vperm.xlane v3, v2;
	_ =	sdelay $0x1  }
0xa8: {  	v3 =	vadd.s32 v1, v3  }
0xa9: {  	[tilespmem:s24], [sflag:$0x1] =	stream.indirect_vreg.gather [hbm4b:s3+s2], $0x80, v4, vm0, $0xb8;
	[tilespmem:$0x10200] =	vst v63  }
0xaa: {  	_ = 	snop  }
0xab: {  	[tilespmem:s19], [sflag:$0x1] =	stream.indirect_vreg.gather [hbm4b:s4+s2], $0x80, v4, vm0, $0xb8;
	[tilespmem:$0x10200] =	vst v63  }
0xac: {  	_ = 	snop  }
0xad: {  	[tilespmem:s20], [sflag:$0x1] =	stream.indirect_vreg.gather [hbm4b:s3+s2], $0x80, v3, vm0, $0xb8;
	[tilespmem:$0x10200] =	vst v63  }
0xae: {  	_ = 	snop  }
0xaf: {  	[tilespmem:s21], [sflag:$0x1] =	stream.indirect_vreg.gather [hbm4b:s4+s2], $0x80, v3, vm0, $0xb8;
	[tilespmem:$0x10200] =	vst v63  }
0xb0: {  	v3 =	vld [tilespmem:$0x110];
	_ =	sdelay $0x4  }
0xb1: {  	v57 =	vshll.u32 v3, $0x2  }
0xb2: {  	v3 =	vand.u32 $0x7, v3;
	v4 =	vand.u32 $0xFFFFFFE0, v57  }
0xb3: {  	v3 =	vor.u32 v3, v4  }
0xb4: {  	v4 =	vperm.xlane v3, v0;
	_ =	sdelay $0x1  }
0xb5: {  	v4 =	vadd.s32 v1, v4;
	_ =	sdelay $0x1  }
0xb6: {  	v3 =	vperm.xlane v3, v2;
	_ =	sdelay $0x1  }
0xb7: {  	v3 =	vadd.s32 v1, v3  }
0xb8: {  	[tilespmem:s22], [sflag:$0x1] =	stream.indirect_vreg.gather [hbm4b:s3+s2], $0x80, v4, vm0, $0xb8;
	[tilespmem:$0x10200] =	vst v63  }
0xb9: {  	_ = 	snop  }
0xba: {  	[tilespmem:s25], [sflag:$0x1] =	stream.indirect_vreg.gather [hbm4b:s4+s2], $0x80, v4, vm0, $0xb8;
	[tilespmem:$0x10200] =	vst v63  }
0xbb: {  	_ = 	snop  }
0xbc: {  	[tilespmem:s26], [sflag:$0x1] =	stream.indirect_vreg.gather [hbm4b:s3+s2], $0x80, v3, vm0, $0xb8;
	[tilespmem:$0x10200] =	vst v63  }
0xbd: {  	_ = 	snop  }
0xbe: {  	[tilespmem:s28], [sflag:$0x1] =	stream.indirect_vreg.gather [hbm4b:s4+s2], $0x80, v3, vm0, $0xb8;
	[tilespmem:$0x10200] =	vst v63  }
0xbf: {  	v3 =	vld [tilespmem:$0x120];
	_ =	sdelay $0x4  }
0xc0: {  	v58 =	vshll.u32 v3, $0x2  }
0xc1: {  	v3 =	vand.u32 $0x7, v3;
	v4 =	vand.u32 $0xFFFFFFE0, v58  }
0xc2: {  	v3 =	vor.u32 v3, v4  }
0xc3: {  	v4 =	vperm.xlane v3, v0;
	_ =	sdelay $0x1  }
0xc4: {  	v4 =	vadd.s32 v1, v4;
	_ =	sdelay $0x1  }
0xc5: {  	v3 =	vperm.xlane v3, v2;
	_ =	sdelay $0x1  }
0xc6: {  	v3 =	vadd.s32 v1, v3  }
0xc7: {  	[tilespmem:s29], [sflag:$0x1] =	stream.indirect_vreg.gather [hbm4b:s3+s2], $0x80, v4, vm0, $0xb8;
	[tilespmem:$0x10200] =	vst v63  }
0xc8: {  	_ = 	snop  }
0xc9: {  	[tilespmem:s30], [sflag:$0x1] =	stream.indirect_vreg.gather [hbm4b:s4+s2], $0x80, v4, vm0, $0xb8;
	[tilespmem:$0x10200] =	vst v63  }
0xca: {  	_ = 	snop  }
0xcb: {  	[tilespmem:s31], [sflag:$0x1] =	stream.indirect_vreg.gather [hbm4b:s3+s2], $0x80, v3, vm0, $0xb8;
	[tilespmem:$0x10200] =	vst v63  }
0xcc: {  	_ = 	snop  }
0xcd: {  	[tilespmem:s1], [sflag:$0x1] =	stream.indirect_vreg.gather [hbm4b:s4+s2], $0x80, v3, vm0, $0xb8;
	[tilespmem:$0x10200] =	vst v63  }
0xce: {  	v3 =	vld [tilespmem:$0x130];
	_ =	sdelay $0x4  }
0xcf: {  	v59 =	vshll.u32 v3, $0x2  }
0xd0: {  	v3 =	vand.u32 $0x7, v3;
	v4 =	vand.u32 $0xFFFFFFE0, v59  }
0xd1: {  	v3 =	vor.u32 v3, v4  }
0xd2: {  	v4 =	vperm.xlane v3, v0;
	_ =	sdelay $0x1  }
0xd3: {  	v4 =	vadd.s32 v1, v4;
	_ =	sdelay $0x1  }
0xd4: {  	v3 =	vperm.xlane v3, v2;
	_ =	sdelay $0x1  }
0xd5: {  	v3 =	vadd.s32 v1, v3  }
0xd6: {  	[tilespmem:s7], [sflag:$0x1] =	stream.indirect_vreg.gather [hbm4b:s3+s2], $0x80, v4, vm0, $0xb8;
	[tilespmem:$0x10200] =	vst v63  }
0xd7: {  	_ = 	snop  }
0xd8: {  	[tilespmem:s8], [sflag:$0x1] =	stream.indirect_vreg.gather [hbm4b:s4+s2], $0x80, v4, vm0, $0xb8;
	[tilespmem:$0x10200] =	vst v63  }
0xd9: {  	_ = 	snop  }
0xda: {  	[tilespmem:s9], [sflag:$0x1] =	stream.indirect_vreg.gather [hbm4b:s3+s2], $0x80, v3, vm0, $0xb8;
	[tilespmem:$0x10200] =	vst v63  }
0xdb: {  	_ = 	snop  }
0xdc: {  	[tilespmem:s10], [sflag:$0x1] =	stream.indirect_vreg.gather [hbm4b:s4+s2], $0x80, v3, vm0, $0xb8;
	[tilespmem:$0x10200] =	vst v63  }
0xdd: {  	_ =	swait.ge [sflag:s0], $0x8000  }
0xde: {  	[sflag:s0] =	ssyncset.done $0x0  }
0xdf: {  	s19 =	rddreg [dreg:$0x7];
	[sflag:s0] =	ssyncadd.s32 $0xFFFF8000  }
0xe0: {  	[hbm4b:s19+s2] =	stream.linear.scatter [tilespmem:s24], [sflag:$0x3], $0x8000, $0x38;
	[tilespmem:$0x10200] =	vst v63  }
0xe1: {  	_ =	swait.ge [sflag:s17], $0x8000  }
0xe2: {  	[sflag:s17] =	ssyncset.done $0x0  }
0xe3: {  	[sflag:s17] =	ssyncadd.s32 $0xFFFF8000  }
0xe4: {  	v3 =	vld [tilespmem:$0x180];
	_ =	sdelay $0x4  }
0xe5: {  	v60 =	vshll.u32 v3, $0x2  }
0xe6: {  	v3 =	vand.u32 $0x7, v3;
	v4 =	vand.u32 $0xFFFFFFE0, v60  }
0xe7: {  	v3 =	vor.u32 v3, v4  }
0xe8: {  	v4 =	vperm.xlane v3, v0;
	_ =	sdelay $0x1  }
0xe9: {  	v4 =	vadd.s32 v1, v4;
	_ =	sdelay $0x1  }
0xea: {  	v3 =	vperm.xlane v3, v2;
	_ =	sdelay $0x1  }
0xeb: {  	v3 =	vadd.s32 v1, v3  }
0xec: {  	[tilespmem:s6], [sflag:$0x2] =	stream.indirect_vreg.gather [hbm4b:s3+s2], $0x80, v4, vm0, $0xb8;
	[tilespmem:$0x10200] =	vst v63  }
0xed: {  	_ = 	snop  }
0xee: {  	[tilespmem:s11], [sflag:$0x2] =	stream.indirect_vreg.gather [hbm4b:s4+s2], $0x80, v4, vm0, $0xb8;
	[tilespmem:$0x10200] =	vst v63  }
0xef: {  	_ = 	snop  }
0xf0: {  	[tilespmem:s12], [sflag:$0x2] =	stream.indirect_vreg.gather [hbm4b:s3+s2], $0x80, v3, vm0, $0xb8;
	[tilespmem:$0x10200] =	vst v63  }
0xf1: {  	_ = 	snop  }
0xf2: {  	[tilespmem:s13], [sflag:$0x2] =	stream.indirect_vreg.gather [hbm4b:s4+s2], $0x80, v3, vm0, $0xb8;
	[tilespmem:$0x10200] =	vst v63  }
0xf3: {  	v3 =	vld [tilespmem:$0x190];
	_ =	sdelay $0x4  }
0xf4: {  	v61 =	vshll.u32 v3, $0x2  }
0xf5: {  	v3 =	vand.u32 $0x7, v3;
	v4 =	vand.u32 $0xFFFFFFE0, v61  }
0xf6: {  	v3 =	vor.u32 v3, v4  }
0xf7: {  	v4 =	vperm.xlane v3, v0;
	_ =	sdelay $0x1  }
0xf8: {  	v4 =	vadd.s32 v1, v4;
	_ =	sdelay $0x1  }
0xf9: {  	v3 =	vperm.xlane v3, v2;
	_ =	sdelay $0x1  }
0xfa: {  	v3 =	vadd.s32 v1, v3  }
0xfb: {  	[tilespmem:s14], [sflag:$0x2] =	stream.indirect_vreg.gather [hbm4b:s3+s2], $0x80, v4, vm0, $0xb8;
	[tilespmem:$0x10200] =	vst v63  }
0xfc: {  	s19 =	simm.s32 $0xAA00  }
0xfd: {  	[tilespmem:s19], [sflag:$0x2] =	stream.indirect_vreg.gather [hbm4b:s4+s2], $0x80, v4, vm0, $0xb8;
	[tilespmem:$0x10200] =	vst v63  }
0xfe: {  	_ = 	snop  }
0xff: {  	[tilespmem:s23], [sflag:$0x2] =	stream.indirect_vreg.gather [hbm4b:s3+s2], $0x80, v3, vm0, $0xb8;
	[tilespmem:$0x10200] =	vst v63  }
0x100: {  	s18 =	simm.s32 $0xBA00  }
0x101: {  	[tilespmem:s18], [sflag:$0x2] =	stream.indirect_vreg.gather [hbm4b:s4+s2], $0x80, v3, vm0, $0xb8;
	[tilespmem:$0x10200] =	vst v63  }
0x102: {  	v3 =	vld [tilespmem:$0x1A0];
	_ =	sdelay $0x4  }
0x103: {  	v62 =	vshll.u32 v3, $0x2  }
0x104: {  	v3 =	vand.u32 $0x7, v3;
	v4 =	vand.u32 $0xFFFFFFE0, v62  }
0x105: {  	v3 =	vor.u32 v3, v4  }
0x106: {  	v4 =	vperm.xlane v3, v0;
	_ =	sdelay $0x1  }
0x107: {  	v4 =	vadd.s32 v1, v4;
	_ =	sdelay $0x1  }
0x108: {  	v3 =	vperm.xlane v3, v2;
	_ =	sdelay $0x1  }
0x109: {  	s19 =	simm.s32 $0xC200;
	v3 =	vadd.s32 v1, v3  }
0x10a: {  	[tilespmem:s19], [sflag:$0x2] =	stream.indirect_vreg.gather [hbm4b:s3+s2], $0x80, v4, vm0, $0xb8;
	[tilespmem:$0x10200] =	vst v63  }
0x10b: {  	s18 =	simm.s32 $0xCA00  }
0x10c: {  	[tilespmem:s18], [sflag:$0x2] =	stream.indirect_vreg.gather [hbm4b:s4+s2], $0x80, v4, vm0, $0xb8;
	[tilespmem:$0x10200] =	vst v63  }
0x10d: {  	s19 =	simm.s32 $0xD200  }
0x10e: {  	[tilespmem:s19], [sflag:$0x2] =	stream.indirect_vreg.gather [hbm4b:s3+s2], $0x80, v3, vm0, $0xb8;
	[tilespmem:$0x10200] =	vst v63  }
0x10f: {  	s18 =	simm.s32 $0xDA00  }
0x110: {  	[tilespmem:s18], [sflag:$0x2] =	stream.indirect_vreg.gather [hbm4b:s4+s2], $0x80, v3, vm0, $0xb8;
	[tilespmem:$0x10200] =	vst v63  }
0x111: {  	v3 =	vld [tilespmem:$0x1B0];
	_ =	sdelay $0x4  }
0x112: {  	v63 =	vshll.u32 v3, $0x2  }
0x113: {  	v3 =	vand.u32 $0x7, v3;
	v4 =	vand.u32 $0xFFFFFFE0, v63  }
0x114: {  	v3 =	vor.u32 v3, v4  }
0x115: {  	v4 =	vperm.xlane v3, v0;
	_ =	sdelay $0x1  }
0x116: {  	v4 =	vadd.s32 v1, v4;
	_ =	sdelay $0x1  }
0x117: {  	v3 =	vperm.xlane v3, v2;
	_ =	sdelay $0x1  }
0x118: {  	s19 =	simm.s32 $0xE200;
	v3 =	vadd.s32 v1, v3  }
0x119: {  	[tilespmem:s19], [sflag:$0x2] =	stream.indirect_vreg.gather [hbm4b:s3+s2], $0x80, v4, vm0, $0xb8;
	[tilespmem:$0x10200] =	vst v63  }
0x11a: {  	s18 =	simm.s32 $0xEA00  }
0x11b: {  	[tilespmem:s18], [sflag:$0x2] =	stream.indirect_vreg.gather [hbm4b:s4+s2], $0x80, v4, vm0, $0xb8;
	[tilespmem:$0x10200] =	vst v63  }
0x11c: {  	s19 =	simm.s32 $0xF200  }
0x11d: {  	[tilespmem:s19], [sflag:$0x2] =	stream.indirect_vreg.gather [hbm4b:s3+s2], $0x80, v3, vm0, $0xb8;
	[tilespmem:$0x10200] =	vst v63  }
0x11e: {  	s18 =	simm.s32 $0xFA00  }
0x11f: {  	[tilespmem:s18], [sflag:$0x2] =	stream.indirect_vreg.gather [hbm4b:s4+s2], $0x80, v3, vm0, $0xb8;
	[tilespmem:$0x10200] =	vst v63  }
0x120: {  	_ =	swait.ge [sflag:s15], $0x8000  }
0x121: {  	[sflag:s15] =	ssyncset.done $0x0  }
0x122: {  	s19 =	rddreg [dreg:$0x8];
	[sflag:s15] =	ssyncadd.s32 $0xFFFF8000  }
0x123: {  	[hbm4b:s19+s2] =	stream.linear.scatter [tilespmem:s6], [sflag:$0x4], $0x8000, $0x38;
	[tilespmem:$0x10200] =	vst v63  }
0x124: {  	p0 =	sne.s32 s5, $0x1;
	_ =	swait.ge [sflag:s16], $0x8000  }
.Ltmp0:
0x125: {  	[sflag:s16] =	ssyncset.done $0x0;
	(pc) =	sbr.rel @p0 .LBB2_1-.Ltmp0, $4  }
0x126: {  	[sflag:s16] =	ssyncadd.s32 $0xFFFF8000  }
0x127: {  	_ =	swait.ge [sflag:s17], $0x8000  }
0x128: {  	[sflag:s17] =	ssyncset.done $0x0  }
0x129: {  	s5 =	sadd.s32 $0xFFFFFFFF, s5;
	[sflag:s17] =	ssyncadd.s32 $0xFFFF8000  }
0x12a: {  	_ =	sfence.sel $0x180000  }
0x12b: {  	[bflag:$0x0] =	sbarrier.arrive $0xFFFF  }
0x12c: {  	_ =	strace $0x9000004A  }
0x12d: {  	s0 =	stileid.u32;
	[bflag:$0x2] =	sbarrier.arrive $0xFFFF  }
0x12e: {  	p0 =	sne.s32 s0, $0x0;
	s0 =	rddreg [dreg:$0x2]  }
0x12f: {  	s0 =	sadd.s32 @!p0 $0x100000, s0  }
0x130: {  	[sflag:s0] =	ssyncadd.tile.s32 @!p0 $0x1;
	_ =	shalt  }
.Lfunc_end2:
_tile_overlayer_lowered:
.L_overlay_start_2:
0x131: {  	(tag) =	ssettag $0x2  }
0x132: {  	s0 =	rddreg [dreg:$0x0];
	s2 =	stileid.u32  }
0x133: {  	s1 =	rddreg [dreg:$0x1];
	p0 =	sne.s32 s2, $0x0  }
0x134: {  	s3 =	rddreg [dreg:$0x2];
	[bflag:$0x3] =	sbarrier.arrive $0xFFFF;
	s2 =	simm.s32 @!p0 $0x1C05  }
0x135: {  	[timem:s3], [sflag:s2] =	dma.local @!p0 [hbm:s0], s1  }
0x136: {  	s0 =	simm.s32 @!p0 $0x5  }
0x137: {  	_ =	swait.ge @!p0 [sflag:s0], s1  }
0x138: {  	s1 =	ssub.s32 @!p0 $0x0, s1;
	[sflag:s0] =	ssyncset.done @!p0 $0x0  }
0x139: {  	[sflag:s0] =	ssyncadd.s32 @!p0 s1  }
0x13a: {  	[bflag:$0x3] =	sbarrier.arrive $0xFFFF  }
0x13b: {  	_ =	shalt  }

// kernel: kernel.7.cloned.1.call-start
scs
__scs_entry_jumppad:
0x0: {  	(pc) =	sbr.rel $0x88, $3  }
0x1: {  	(tag) =	ssettag $0x0;
	lr =	simm.s32 $0x1  }
0x2: {  	[smem:$0x3F9C] =	sst lr;
	_ =	strace $0xD0000000  }
0x3: {  	_ = 	snop  }
0x4: {  	_ = 	snop  }
0x5: {  	_ = 	snop  }
0x6: {  	_ = 	snop  }
0x7: {  	_ = 	snop  }
__scs_overlays_trampoline_lowered:
0x8: {  	[smem:$0x3FAB] =	sst s0  }
0x9: {  	[smem:$0x3FAC] =	sst s1  }
0xa: {  	[smem:$0x3FAD] =	sst s2  }
0xb: {  	[smem:$0x3FAE] =	sst s3  }
0xc: {  	[smem:$0x3FAF] =	sst s4  }
0xd: {  	[smem:$0x3FB0] =	sst s5  }
0xe: {  	[smem:$0x3FB1] =	sst s6  }
0xf: {  	[smem:$0x3FB2] =	sst s7  }
0x10: {  	[smem:$0x3FB3] =	sst s8  }
0x11: {  	[smem:$0x3FB4] =	sst s9;
	s0 =	simm.s32 @!p0 $0x0  }
0x12: {  	s1 =	sld [smem:$0x3F9A];
	s0 =	simm.s32 @p0 $0x1  }
0x13: {  	[smem:$0x3FB5] =	sst s0;
	s0 =	simm.s32 @!p1 $0x0  }
0x14: {  	s2 =	sld [smem:$0x3F99];
	s0 =	simm.s32 @p1 $0x1  }
0x15: {  	[smem:$0x3FB6] =	sst s0;
	s0 =	simm.s32 @!p2 $0x0  }
0x16: {  	s3 =	sld [smem:$0x3FDB];
	s0 =	simm.s32 @p2 $0x1  }
0x17: {  	s4 =	simm.s32 $0x1BF5;
	[smem:$0x3FB8] =	sst s0  }
0x18: {  	s0 =	sld [smem:$0x3F9B];
	_ =	swait.ge [sflag:s4], $0x0  }
0x19: {  	s7 =	sld [smem:$0x3F9C]  }
0x1a: {  	s8 =	sadd.s32 $0xFFFFE003, lr  }
0x1b: {  	s9 =	sadd.s32 $0xFFFFFEF7, lr;
	s5 =	simm.s32 $0xFFFFFFFF;
	p2 =	slt.u32 s8, $0xFFFFF086  }
0x1c: {  	p1 =	slt.u32 s9, $0xF7A;
	s5 =	simm.s32 @!p2 $0x0  }
0x1d: {  	s5 =	simm.s32 @p1 $0x1;
	p0 =	seq.s32 s7, s2  }
0x1e: {  	s7 =	smul.u32 @!p0 $0xF7A, s2;
	p2 =	seq.s32 @!p0 s5, $0x0  }
0x1f: {  	s9 =	smul.u32 $0xF7A, s1;
	s8 =	simm.s32 @!p0 $0x1BF5;
	p2 =	por !p2, p0  }
0x20: {  	[sflag:s8] =	ssyncset.s32 @!p0 $0xFFFFF086;
	s6 =	sadd.s32 @!p0 s3, s7;
	s7 =	simm.s32 @!p0 $0x108  }
0x21: {  	s3 =	sadd.s32 s3, s9;
	s6 =	sadd.s32 @!p0 $0x88, s6;
	s7 =	simm.s32 @p2 $0x1082  }
0x22: {  	[simem:s7], [sflag:s8] =	dma.local @!p0 [hbm:s6], $0xF7A  }
0x23: {  	s9 =	sor.u32 $0xD0000000, s2;
	s6 =	simm.s32 $0x108;
	_ =	swait.ge @!p0 [sflag:s8], $0x0  }
0x24: {  	s3 =	sadd.s32 $0x88, s3;
	s6 =	simm.s32 @!p1 $0x1082;
	[sflag:s4] =	ssyncset.s32 $0xFFFFF086  }
0x25: {  	[simem:s6], [sflag:s4] =	dma.local [hbm:s3], $0xF7A  }
0x26: {  	[smem:$0x3F9C] =	sst s1;
	(tag) =	ssettag s2;
	_ =	strace s9  }
0x27: {  	s1 =	sld [smem:$0x3FAC]  }
0x28: {  	s2 =	sld [smem:$0x3FAD]  }
0x29: {  	s4 =	sld [smem:$0x3FAF]  }
0x2a: {  	p0 =	seq.s32 s5, $0x0;
	s5 =	sld [smem:$0x3FB0]  }
0x2b: {  	s6 =	sld [smem:$0x3FB1]  }
0x2c: {  	s7 =	sld [smem:$0x3FB2]  }
0x2d: {  	s3 =	simm.s32 $0x108;
	s8 =	sld [smem:$0x3FB3]  }
0x2e: {  	s3 =	simm.s32 @!p0 $0x1082;
	s9 =	sld [smem:$0x3FB4]  }
0x2f: {  	lr =	sadd.s32 s0, s3;
	s0 =	sld [smem:$0x3FAB]  }
0x30: {  	s3 =	sld [smem:$0x3FAE]  }
0x31: {  	[smem:$0x3FB7] =	sst s10  }
0x32: {  	s10 =	sld [smem:$0x3FB5];
	_ =	sdelay $0x3  }
0x33: {  	p0 =	seq.s32 s10, $0x1;
	s10 =	sld [smem:$0x3FB7];
	_ =	sdelay $0x3  }
0x34: {  	[smem:$0x3FB7] =	sst s10  }
0x35: {  	s10 =	sld [smem:$0x3FB6];
	_ =	sdelay $0x3  }
0x36: {  	p1 =	seq.s32 s10, $0x1;
	s10 =	sld [smem:$0x3FB7];
	_ =	sdelay $0x3  }
0x37: {  	[smem:$0x3FB7] =	sst s10  }
0x38: {  	s10 =	sld [smem:$0x3FB8]  }
0x39: {  	_ = 	snop;
	(pc) =	sbr.ind lr, $3  }
0x3a: {  	_ = 	snop  }
0x3b: {  	_ = 	snop  }
0x3c: {  	p2 =	seq.s32 s10, $0x1;
	s10 =	sld [smem:$0x3FB7]  }
0x3d: {  	_ =	shalt  }
0x3e: {  	_ =	shalt  }
0x3f: {  	_ =	shalt  }
0x40: {  	_ =	shalt  }
0x41: {  	_ =	shalt  }
0x42: {  	_ =	shalt  }
0x43: {  	_ =	shalt  }
0x44: {  	_ =	shalt  }
0x45: {  	_ =	shalt  }
0x46: {  	_ =	shalt  }
0x47: {  	_ =	shalt  }
0x48: {  	_ =	shalt  }
0x49: {  	_ =	shalt  }
0x4a: {  	_ =	shalt  }
0x4b: {  	_ =	shalt  }
0x4c: {  	_ =	shalt  }
0x4d: {  	_ =	shalt  }
0x4e: {  	_ =	shalt  }
0x4f: {  	_ =	shalt  }
0x50: {  	_ =	shalt  }
0x51: {  	_ =	shalt  }
0x52: {  	_ =	shalt  }
0x53: {  	_ =	shalt  }
0x54: {  	_ =	shalt  }
0x55: {  	_ =	shalt  }
0x56: {  	_ =	shalt  }
0x57: {  	_ =	shalt  }
0x58: {  	_ =	shalt  }
0x59: {  	_ =	shalt  }
0x5a: {  	_ =	shalt  }
0x5b: {  	_ =	shalt  }
0x5c: {  	_ =	shalt  }
0x5d: {  	_ =	shalt  }
0x5e: {  	_ =	shalt  }
0x5f: {  	_ =	shalt  }
0x60: {  	_ =	shalt  }
0x61: {  	_ =	shalt  }
0x62: {  	_ =	shalt  }
0x63: {  	_ =	shalt  }
0x64: {  	_ =	shalt  }
0x65: {  	_ =	shalt  }
0x66: {  	_ =	shalt  }
0x67: {  	_ =	shalt  }
0x68: {  	_ =	shalt  }
0x69: {  	_ =	shalt  }
0x6a: {  	_ =	shalt  }
0x6b: {  	_ =	shalt  }
0x6c: {  	_ =	shalt  }
0x6d: {  	_ =	shalt  }
0x6e: {  	_ =	shalt  }
0x6f: {  	_ =	shalt  }
0x70: {  	_ =	shalt  }
0x71: {  	_ =	shalt  }
0x72: {  	_ =	shalt  }
0x73: {  	_ =	shalt  }
0x74: {  	_ =	shalt  }
0x75: {  	_ =	shalt  }
0x76: {  	_ =	shalt  }
0x77: {  	_ =	shalt  }
0x78: {  	_ =	shalt  }
0x79: {  	_ =	shalt  }
0x7a: {  	_ =	shalt  }
0x7b: {  	_ =	shalt  }
0x7c: {  	_ =	shalt  }
0x7d: {  	_ =	shalt  }
0x7e: {  	_ =	shalt  }
0x7f: {  	_ =	shalt  }
0x80: {  	_ =	shalt  }
0x81: {  	_ =	shalt  }
0x82: {  	_ =	shalt  }
0x83: {  	_ =	shalt  }
0x84: {  	_ =	shalt  }
0x85: {  	_ =	shalt  }
0x86: {  	_ =	shalt  }
0x87: {  	_ =	shalt  }
.Lfunc_end0:
.L_simem_size_0:
called_computation_lowered:
.L_overlay_start_0:
0x88: {  	s2 =	sld [smem:$0x3FD9]  }
0x89: {  	s3 =	sld [smem:$0x3FFE];
	_ =	sdelay $0x1  }
0x8a: {  	s1 =	srdreg.scid  }
0x8b: {  	s0 =	sand.u32 $0x1, s1  }
0x8c: {  	s17 =	sshll.u32 s0, $0xA;
	s2 =	sadd.s32 s3, s2  }
0x8d: {  	s2 =	sadd.s32 s2, s17  }
0x8e: {  	[smem:$0x3FC3] =	sst s2  }
0x8f: {  	_ = 	snop  }
0x90: {  	s2 =	sld [smem:$0x3FD0];
	(tm) =	ssettm $0x1  }
0x91: {  	s18 =	sld [smem:$0x3FFB];
	_ =	sdelay $0x3  }
0x92: {  	_ =	strace s18  }
0x93: {  	s3 =	sld [smem:$0x3FFC];
	_ =	sdelay $0x3  }
0x94: {  	_ =	strace s3  }
0x95: {  	s3 =	sld [smem:$0x3FFD];
	_ =	sdelay $0x3  }
0x96: {  	_ =	strace s3  }
0x97: {  	_ =	strace $0x8FFFFFFF  }
0x98: {  	s19 =	sld [smem:$0x3FDB];
	_ =	sdelay $0x1  }
0x99: {  	s4 =	simm.s32 $_scs_section_size  }
0x9a: {  	s5 =	simm.s32 $_size__tile_overlayer_lowered;
	s6 =	simm.s32 $_tile_overlayer_lowered  }
0x9b: {  	s22 =	simm.s32 $0x1BFF;
	s21 =	sshll.u32 s6, $0x1;
	s3 =	sadd.s32 s4, s19  }
0x9c: {  	s7 =	simm.s32 $0x0;
	s20 =	sshll.u32 s5, $0x1;
	s5 =	sadd.s32 s21, s3  }
0x9d: {  	[timem:s7], [sflag:s22] =	dma.local [hbm:s5], s20  }
0x9e: {  	_ =	swait.ge [sflag:s22], s20  }
0x9f: {  	s4 =	ssub.s32 $0x0, s20;
	[sflag:s22] =	ssyncset.done $0x0  }
0xa0: {  	[sflag:s22] =	ssyncadd.s32 s4;
	_ =	sdelay $0x1  }
0xa1: {  	s23 =	simm.s32 $0x1B8B  }
0xa2: {  	_ =	swait.ge [sflag:s23], $0x1  }
0xa3: {  	[sflag:s23] =	ssyncset.done $0x0  }
0xa4: {  	s25 =	simm.s32 $0x1B8E;
	s24 =	sld [smem:$0x3FFE];
	[sflag:s23] =	ssyncadd.s32 $0xFFFFFFFF  }
0xa5: {  	s26 =	simm.s32 $execute0_lowered;
	[smem:$0x3FD2] =	sst s25  }
0xa6: {  	s5 =	sshll.u32 s26, $0x1;
	_ =	strace $0x80000046;
	[dreg:$0x1] =	wrdreg $0xFFFFFFFF  }
0xa7: {  	s28 =	simm.s32 $_size_execute0_lowered;
	s3 =	sadd.s32 s3, s5;
	[dreg:$0x0] =	wrdreg $0x0  }
0xa8: {  	s5 =	sshll.u32 s28, $0x1;
	[dreg:$0x2] =	wrdreg s3  }
0xa9: {  	[dreg:$0x3] =	wrdreg s5  }
0xaa: {  	[dreg:$0x4] =	wrdreg $0xC0  }
0xab: {  	_ =	task [dreg:s7], $0x5FFFF  }
0xac: {  	[dreg:$0x1] =	wrdreg $0xFFFFFFFF  }
0xad: {  	[dreg:$0x0] =	wrdreg $0x60  }
0xae: {  	[dreg:$0x2] =	wrdreg s2  }
0xaf: {  	[dreg:$0x3] =	wrdreg s24  }
0xb0: {  	[dreg:$0x4] =	wrdreg $0x9  }
0xb1: {  	_ =	task.clear_ibuf [dreg:s7], $0x5FFFF;
	_ =	strace $0x90000046  }
0xb2: {  	s29 =	simm.s32 $0x9;
	_ =	strace $0x80000048  }
0xb3: {  	_ =	swait.ge [sflag:s29], $0x1  }
0xb4: {  	[sflag:s29] =	ssyncadd.s32 $0xFFFFFFFF  }
0xb5: {  	_ =	strace $0x90000048  }
0xb6: {  	_ =	sfence  }
0xb7: {  	s30 =	sld [smem:$0x0];
	_ =	sdelay $0x2  }
0xb8: {  	s31 =	sshll.u32 s1, $0xD;
	s1 =	sshrl.u32 s1, $0x2  }
0xb9: {  	s3 =	sand.u32 $0x4000, s31;
	s1 =	sadd.s32 s1, s30  }
0xba: {  	s0 =	sor.u32 s3, s0;
	s1 =	sshll.u32 s1, $0x11  }
0xbb: {  	s0 =	sor.u32 s1, s0  }
0xbc: {  	s0 =	sadd.s32 $0x8F2B, s0  }
0xbd: {  	[sflag:s0] =	ssyncadd.remote.s32 $0x1  }
0xbe: {  	_ =	sfence.sel $0xFFFF  }
0xbf: {  	[dreg:$0x0] =	wrdreg $0xFFFFFFFF;
	(pc) =	sbr.abs _section_cstart, $3  }
0xc0: {  	[dreg:$0x1] =	wrdreg $0xFFFFFFFF  }
0xc1: {  	_ =	task.clear_ibuf [dreg:s7], $0x2FFFF;
	_ =	strace $0x9FFFFFFF  }
0xc2: {  	(tm) =	ssettm $0x7FFFFFFF  }
0xc3: {  	_ =	shalt  }
tec
execute0_lowered:
.L_overlay_start_1:
0x0: {  	(tag) =	ssettag $0x1  }
0x1: {  	s0 =	rddreg [dreg:$0x0]  }
0x2: {  	s1 =	rddreg [dreg:$0x1];
	s3 =	srdreg.scid;
	s2 =	simm.s32 $0x0  }
0x3: {  	s6 =	stileid.u32;
	s19 =	simm.s32 $0x3;
	s28 =	simm.s32 $0x2A00  }
0x4: {  	s29 =	simm.s32 $0x3200;
	s30 =	simm.s32 $0x3A00;
	s31 =	simm.s32 $0x4200  }
0x5: {  	s10 =	simm.s32 $0x5A00;
	s11 =	simm.s32 $0x6200;
	s12 =	simm.s32 $0x6A00  }
0x6: {  	s13 =	simm.s32 $0x7200;
	s14 =	simm.s32 $0x7A00;
	s9 =	simm.s32 $0x8200  }
0x7: {  	s15 =	simm.s32 $0x8A00;
	s16 =	simm.s32 $0x9200;
	s17 =	simm.s32 $0x9A00  }
0x8: {  	s18 =	simm.s32 $0xA200;
	s4 =	sand.u32 $0x1, s3;
	[smem:$0x7FF] =	sst s2  }
0x9: {  	s20 =	sshll.u32 s6, $0xF;
	s6 =	sshll.u32 s6, $0x7;
	s3 =	sshll.u32 s4, $0x6  }
0xa: {  	_ =	strace $0x80000047;
	s7 =	sshll.u32 s4, $0xE;
	s8 =	sand.u32 $0x38000, s20  }
0xb: {  	s22 =	ssub.s32 $0x2, s4;
	s20 =	simm.s32 $0x4;
	s5 =	sadd.s32 s3, s1  }
0xc: {  	s3 =	sadd.s32 $0x2400, s1;
	s21 =	sor.u32 s7, s8;
	s24 =	sshrl.u32 s22, $0x1  }
0xd: {  	s7 =	simm.s32 $0x4A00;
	s5 =	sadd.s32 s6, s5;
	s23 =	sadd.s32 s0, s21  }
0xe: {  	s0 =	ssub.s32 s22, s24;
	s5 =	sadd.s32 $0x1C00, s5;
	[dreg:$0x7] =	wrdreg s23  }
0xf: {  	s22 =	simm.s32 $0xA00;
	s25 =	sadd.s32 $0x1000, s23;
	[dreg:$0x3] =	wrdreg s5  }
0x10: {  	s24 =	simm.s32 $0x1A00;
	s6 =	sadd.s32 $0x2000, s23;
	[dreg:$0x4] =	wrdreg s25  }
0x11: {  	v2 =	vlaneseq.u32;
	s26 =	sadd.s32 $0x3000, s23;
	s23 =	simm.s32 $0x1200;
	[dreg:$0x5] =	wrdreg s6  }
0x12: {  	vm0 =	vmmov $0xffff;
	v1 =	vshrl.u32 v2, $0x3;
	s5 =	sadd.s32 $0x2500, s1;
	[dreg:$0x6] =	wrdreg s26;
	s6 =	smax.u32 s0, $0x1  }
0x13: {  	v0 =	vand.u32 $0x7, v2;
	v2 =	vor.u32 $0x8, v2;
	v1 =	vmul.u32 $0x8, v1;
	s25 =	simm.s32 $0x200;
	s26 =	simm.s32 $0x1;
	s1 =	simm.s32 $0x5200  }
.LBB2_1:
0x14: {  	s21 =	rddreg [dreg:$0x3];
	s0 =	simm.s32 $0x5  }
0x15: {  	[tilespmem:s2], [sflag:$0x5] =	stream.linear.gather [hbm4b:s21+s2], $0x200, $0x38;
	[tilespmem:$0x10200] =	vst v63  }
0x16: {  	_ =	swait.ge [sflag:s0], $0x200  }
0x17: {  	[sflag:s0] =	ssyncset.done $0x0  }
0x18: {  	s4 =	rddreg [dreg:$0x7];
	[sflag:s0] =	ssyncadd.s32 $0xFFFFFE00  }
0x19: {  	[tilespmem:s25], [sflag:$0x1] =	stream.linear.gather [hbm4b:s4+s2], $0x8000, $0x38;
	[tilespmem:$0x10200] =	vst v63  }
0x1a: {  	_ =	swait.ge [sflag:s26], $0x8000  }
0x1b: {  	[sflag:s26] =	ssyncset.done $0x0  }
0x1c: {  	[sflag:s26] =	ssyncadd.s32 $0xFFFF8000  }
0x1d: {  	v3 =	vld [tilespmem:$0x0];
	_ =	sdelay $0x4  }
0x1e: {  	v4 =	vshll.u32 v3, $0x2  }
0x1f: {  	v3 =	vand.u32 $0x7, v3;
	v4 =	vand.u32 $0xFFFFFFE0, v4  }
0x20: {  	v3 =	vor.u32 v3, v4  }
0x21: {  	v4 =	vperm.xlane v3, v0;
	_ =	sdelay $0x1  }
0x22: {  	v4 =	vadd.s32 v1, v4;
	_ =	sdelay $0x1  }
0x23: {  	v3 =	vperm.xlane v3, v2;
	_ =	sdelay $0x1  }
0x24: {  	v3 =	vadd.s32 v1, v3  }
0x25: {  	[hbm4b:s3+s2] =	stream.indirect_vreg.scatter [tilespmem:s25], [sflag:$0x3], $0x80, v4, vm0, $0xb8;
	[tilespmem:$0x10200] =	vst v63  }
0x26: {  	_ = 	snop  }
0x27: {  	[hbm4b:s5+s2] =	stream.indirect_vreg.scatter [tilespmem:s22], [sflag:$0x3], $0x80, v4, vm0, $0xb8;
	[tilespmem:$0x10200] =	vst v63  }
0x28: {  	_ = 	snop  }
0x29: {  	[hbm4b:s3+s2] =	stream.indirect_vreg.scatter [tilespmem:s23], [sflag:$0x3], $0x80, v3, vm0, $0xb8;
	[tilespmem:$0x10200] =	vst v63  }
0x2a: {  	_ = 	snop  }
0x2b: {  	[hbm4b:s5+s2] =	stream.indirect_vreg.scatter [tilespmem:s24], [sflag:$0x3], $0x80, v3, vm0, $0xb8;
	[tilespmem:$0x10200] =	vst v63  }
0x2c: {  	v3 =	vld [tilespmem:$0x10];
	_ =	sdelay $0x4  }
0x2d: {  	v49 =	vshll.u32 v3, $0x2  }
0x2e: {  	v3 =	vand.u32 $0x7, v3;
	v4 =	vand.u32 $0xFFFFFFE0, v49  }
0x2f: {  	v3 =	vor.u32 v3, v4  }
0x30: {  	v4 =	vperm.xlane v3, v0;
	_ =	sdelay $0x1  }
0x31: {  	v4 =	vadd.s32 v1, v4;
	_ =	sdelay $0x1  }
0x32: {  	v3 =	vperm.xlane v3, v2;
	_ =	sdelay $0x1  }
0x33: {  	s4 =	simm.s32 $0x2200;
	v3 =	vadd.s32 v1, v3  }
0x34: {  	[hbm4b:s3+s2] =	stream.indirect_vreg.scatter [tilespmem:s4], [sflag:$0x3], $0x80, v4, vm0, $0xb8;
	[tilespmem:$0x10200] =	vst v63  }
0x35: {  	_ = 	snop  }
0x36: {  	[hbm4b:s5+s2] =	stream.indirect_vreg.scatter [tilespmem:s28], [sflag:$0x3], $0x80, v4, vm0, $0xb8;
	[tilespmem:$0x10200] =	vst v63  }
0x37: {  	_ = 	snop  }
0x38: {  	[hbm4b:s3+s2] =	stream.indirect_vreg.scatter [tilespmem:s29], [sflag:$0x3], $0x80, v3, vm0, $0xb8;
	[tilespmem:$0x10200] =	vst v63  }
0x39: {  	_ = 	snop  }
0x3a: {  	[hbm4b:s5+s2] =	stream.indirect_vreg.scatter [tilespmem:s30], [sflag:$0x3], $0x80, v3, vm0, $0xb8;
	[tilespmem:$0x10200] =	vst v63  }
0x3b: {  	v3 =	vld [tilespmem:$0x20];
	_ =	sdelay $0x4  }
0x3c: {  	v50 =	vshll.u32 v3, $0x2  }
0x3d: {  	v3 =	vand.u32 $0x7, v3;
	v4 =	vand.u32 $0xFFFFFFE0, v50  }
0x3e: {  	v3 =	vor.u32 v3, v4  }
0x3f: {  	v4 =	vperm.xlane v3, v0;
	_ =	sdelay $0x1  }
0x40: {  	v4 =	vadd.s32 v1, v4;
	_ =	sdelay $0x1  }
0x41: {  	v3 =	vperm.xlane v3, v2;
	_ =	sdelay $0x1  }
0x42: {  	v3 =	vadd.s32 v1, v3  }
0x43: {  	[hbm4b:s3+s2] =	stream.indirect_vreg.scatter [tilespmem:s31], [sflag:$0x3], $0x80, v4, vm0, $0xb8;
	[tilespmem:$0x10200] =	vst v63  }
0x44: {  	_ = 	snop  }
0x45: {  	[hbm4b:s5+s2] =	stream.indirect_vreg.scatter [tilespmem:s7], [sflag:$0x3], $0x80, v4, vm0, $0xb8;
	[tilespmem:$0x10200] =	vst v63  }
0x46: {  	_ = 	snop  }
0x47: {  	[hbm4b:s3+s2] =	stream.indirect_vreg.scatter [tilespmem:s1], [sflag:$0x3], $0x80, v3, vm0, $0xb8;
	[tilespmem:$0x10200] =	vst v63  }
0x48: {  	_ = 	snop  }
0x49: {  	[hbm4b:s5+s2] =	stream.indirect_vreg.scatter [tilespmem:s10], [sflag:$0x3], $0x80, v3, vm0, $0xb8;
	[tilespmem:$0x10200] =	vst v63  }
0x4a: {  	v3 =	vld [tilespmem:$0x30];
	_ =	sdelay $0x4  }
0x4b: {  	v51 =	vshll.u32 v3, $0x2  }
0x4c: {  	v3 =	vand.u32 $0x7, v3;
	v4 =	vand.u32 $0xFFFFFFE0, v51  }
0x4d: {  	v3 =	vor.u32 v3, v4  }
0x4e: {  	v4 =	vperm.xlane v3, v0;
	_ =	sdelay $0x1  }
0x4f: {  	v4 =	vadd.s32 v1, v4;
	_ =	sdelay $0x1  }
0x50: {  	v3 =	vperm.xlane v3, v2;
	_ =	sdelay $0x1  }
0x51: {  	v3 =	vadd.s32 v1, v3  }
0x52: {  	[hbm4b:s3+s2] =	stream.indirect_vreg.scatter [tilespmem:s11], [sflag:$0x3], $0x80, v4, vm0, $0xb8;
	[tilespmem:$0x10200] =	vst v63  }
0x53: {  	_ = 	snop  }
0x54: {  	[hbm4b:s5+s2] =	stream.indirect_vreg.scatter [tilespmem:s12], [sflag:$0x3], $0x80, v4, vm0, $0xb8;
	[tilespmem:$0x10200] =	vst v63  }
0x55: {  	_ = 	snop  }
0x56: {  	[hbm4b:s3+s2] =	stream.indirect_vreg.scatter [tilespmem:s13], [sflag:$0x3], $0x80, v3, vm0, $0xb8;
	[tilespmem:$0x10200] =	vst v63  }
0x57: {  	_ = 	snop  }
0x58: {  	[hbm4b:s5+s2] =	stream.indirect_vreg.scatter [tilespmem:s14], [sflag:$0x3], $0x80, v3, vm0, $0xb8;
	[tilespmem:$0x10200] =	vst v63  }
0x59: {  	s0 =	rddreg [dreg:$0x4]  }
0x5a: {  	[tilespmem:s9], [sflag:$0x2] =	stream.linear.gather [hbm4b:s0+s2], $0x8000, $0x38;
	[tilespmem:$0x10200] =	vst v63  }
0x5b: {  	s0 =	simm.s32 $0x2  }
0x5c: {  	_ =	swait.ge [sflag:s0], $0x8000  }
0x5d: {  	[sflag:s0] =	ssyncset.done $0x0  }
0x5e: {  	[sflag:s0] =	ssyncadd.s32 $0xFFFF8000  }
0x5f: {  	v3 =	vld [tilespmem:$0x80];
	_ =	sdelay $0x4  }
0x60: {  	v52 =	vshll.u32 v3, $0x2  }
0x61: {  	v3 =	vand.u32 $0x7, v3;
	v4 =	vand.u32 $0xFFFFFFE0, v52  }
0x62: {  	v3 =	vor.u32 v3, v4  }
0x63: {  	v4 =	vperm.xlane v3, v0;
	_ =	sdelay $0x1  }
0x64: {  	v4 =	vadd.s32 v1, v4;
	_ =	sdelay $0x1  }
0x65: {  	v3 =	vperm.xlane v3, v2;
	_ =	sdelay $0x1  }
0x66: {  	v3 =	vadd.s32 v1, v3  }
0x67: {  	[hbm4b:s3+s2] =	stream.indirect_vreg.scatter [tilespmem:s9], [sflag:$0x4], $0x80, v4, vm0, $0xb8;
	[tilespmem:$0x10200] =	vst v63  }
0x68: {  	_ = 	snop  }
0x69: {  	[hbm4b:s5+s2] =	stream.indirect_vreg.scatter [tilespmem:s15], [sflag:$0x4], $0x80, v4, vm0, $0xb8;
	[tilespmem:$0x10200] =	vst v63  }
0x6a: {  	_ = 	snop  }
0x6b: {  	[hbm4b:s3+s2] =	stream.indirect_vreg.scatter [tilespmem:s16], [sflag:$0x4], $0x80, v3, vm0, $0xb8;
	[tilespmem:$0x10200] =	vst v63  }
0x6c: {  	_ = 	snop  }
0x6d: {  	[hbm4b:s5+s2] =	stream.indirect_vreg.scatter [tilespmem:s17], [sflag:$0x4], $0x80, v3, vm0, $0xb8;
	[tilespmem:$0x10200] =	vst v63  }
0x6e: {  	v3 =	vld [tilespmem:$0x90];
	_ =	sdelay $0x4  }
0x6f: {  	v53 =	vshll.u32 v3, $0x2  }
0x70: {  	v3 =	vand.u32 $0x7, v3;
	v4 =	vand.u32 $0xFFFFFFE0, v53  }
0x71: {  	v3 =	vor.u32 v3, v4  }
0x72: {  	v4 =	vperm.xlane v3, v0;
	_ =	sdelay $0x1  }
0x73: {  	v4 =	vadd.s32 v1, v4;
	_ =	sdelay $0x1  }
0x74: {  	v3 =	vperm.xlane v3, v2;
	_ =	sdelay $0x1  }
0x75: {  	v3 =	vadd.s32 v1, v3  }
0x76: {  	[hbm4b:s3+s2] =	stream.indirect_vreg.scatter [tilespmem:s18], [sflag:$0x4], $0x80, v4, vm0, $0xb8;
	[tilespmem:$0x10200] =	vst v63  }
0x77: {  	s8 =	simm.s32 $0xAA00  }
0x78: {  	[hbm4b:s5+s2] =	stream.indirect_vreg.scatter [tilespmem:s8], [sflag:$0x4], $0x80, v4, vm0, $0xb8;
	[tilespmem:$0x10200] =	vst v63  }
0x79: {  	s8 =	simm.s32 $0xB200  }
0x7a: {  	[hbm4b:s3+s2] =	stream.indirect_vreg.scatter [tilespmem:s8], [sflag:$0x4], $0x80, v3, vm0, $0xb8;
	[tilespmem:$0x10200] =	vst v63  }
0x7b: {  	s21 =	simm.s32 $0xBA00  }
0x7c: {  	[hbm4b:s5+s2] =	stream.indirect_vreg.scatter [tilespmem:s21], [sflag:$0x4], $0x80, v3, vm0, $0xb8;
	[tilespmem:$0x10200] =	vst v63  }
0x7d: {  	v3 =	vld [tilespmem:$0xA0];
	_ =	sdelay $0x4  }
0x7e: {  	v54 =	vshll.u32 v3, $0x2  }
0x7f: {  	v3 =	vand.u32 $0x7, v3;
	v4 =	vand.u32 $0xFFFFFFE0, v54  }
0x80: {  	v3 =	vor.u32 v3, v4  }
0x81: {  	v4 =	vperm.xlane v3, v0;
	_ =	sdelay $0x1  }
0x82: {  	v4 =	vadd.s32 v1, v4;
	_ =	sdelay $0x1  }
0x83: {  	v3 =	vperm.xlane v3, v2;
	_ =	sdelay $0x1  }
0x84: {  	s21 =	simm.s32 $0xC200;
	v3 =	vadd.s32 v1, v3  }
0x85: {  	[hbm4b:s3+s2] =	stream.indirect_vreg.scatter [tilespmem:s21], [sflag:$0x4], $0x80, v4, vm0, $0xb8;
	[tilespmem:$0x10200] =	vst v63  }
0x86: {  	s21 =	simm.s32 $0xCA00  }
0x87: {  	[hbm4b:s5+s2] =	stream.indirect_vreg.scatter [tilespmem:s21], [sflag:$0x4], $0x80, v4, vm0, $0xb8;
	[tilespmem:$0x10200] =	vst v63  }
0x88: {  	s21 =	simm.s32 $0xD200  }
0x89: {  	[hbm4b:s3+s2] =	stream.indirect_vreg.scatter [tilespmem:s21], [sflag:$0x4], $0x80, v3, vm0, $0xb8;
	[tilespmem:$0x10200] =	vst v63  }
0x8a: {  	s21 =	simm.s32 $0xDA00  }
0x8b: {  	[hbm4b:s5+s2] =	stream.indirect_vreg.scatter [tilespmem:s21], [sflag:$0x4], $0x80, v3, vm0, $0xb8;
	[tilespmem:$0x10200] =	vst v63  }
0x8c: {  	v3 =	vld [tilespmem:$0xB0];
	_ =	sdelay $0x4  }
0x8d: {  	v55 =	vshll.u32 v3, $0x2  }
0x8e: {  	v3 =	vand.u32 $0x7, v3;
	v4 =	vand.u32 $0xFFFFFFE0, v55  }
0x8f: {  	v3 =	vor.u32 v3, v4  }
0x90: {  	v4 =	vperm.xlane v3, v0;
	_ =	sdelay $0x1  }
0x91: {  	v4 =	vadd.s32 v1, v4;
	_ =	sdelay $0x1  }
0x92: {  	v3 =	vperm.xlane v3, v2;
	_ =	sdelay $0x1  }
0x93: {  	s21 =	simm.s32 $0xE200;
	v3 =	vadd.s32 v1, v3  }
0x94: {  	[hbm4b:s3+s2] =	stream.indirect_vreg.scatter [tilespmem:s21], [sflag:$0x4], $0x80, v4, vm0, $0xb8;
	[tilespmem:$0x10200] =	vst v63  }
0x95: {  	s21 =	simm.s32 $0xEA00  }
0x96: {  	[hbm4b:s5+s2] =	stream.indirect_vreg.scatter [tilespmem:s21], [sflag:$0x4], $0x80, v4, vm0, $0xb8;
	[tilespmem:$0x10200] =	vst v63  }
0x97: {  	s21 =	simm.s32 $0xF200  }
0x98: {  	[hbm4b:s3+s2] =	stream.indirect_vreg.scatter [tilespmem:s21], [sflag:$0x4], $0x80, v3, vm0, $0xb8;
	[tilespmem:$0x10200] =	vst v63  }
0x99: {  	s21 =	simm.s32 $0xFA00  }
0x9a: {  	[hbm4b:s5+s2] =	stream.indirect_vreg.scatter [tilespmem:s21], [sflag:$0x4], $0x80, v3, vm0, $0xb8;
	[tilespmem:$0x10200] =	vst v63  }
0x9b: {  	_ =	swait.ge [sflag:s19], $0x8000  }
0x9c: {  	[sflag:s19] =	ssyncset.done $0x0  }
0x9d: {  	s21 =	rddreg [dreg:$0x5];
	[sflag:s19] =	ssyncadd.s32 $0xFFFF8000  }
0x9e: {  	[tilespmem:s25], [sflag:$0x1] =	stream.linear.gather [hbm4b:s21+s2], $0x8000, $0x38;
	[tilespmem:$0x10200] =	vst v63  }
0x9f: {  	_ =	swait.ge [sflag:s26], $0x8000  }
0xa0: {  	[sflag:s26] =	ssyncset.done $0x0  }
0xa1: {  	[sflag:s26] =	ssyncadd.s32 $0xFFFF8000  }
0xa2: {  	v3 =	vld [tilespmem:$0x100];
	_ =	sdelay $0x4  }
0xa3: {  	v56 =	vshll.u32 v3, $0x2  }
0xa4: {  	v3 =	vand.u32 $0x7, v3;
	v4 =	vand.u32 $0xFFFFFFE0, v56  }
0xa5: {  	v3 =	vor.u32 v3, v4  }
0xa6: {  	v4 =	vperm.xlane v3, v0;
	_ =	sdelay $0x1  }
0xa7: {  	v4 =	vadd.s32 v1, v4;
	_ =	sdelay $0x1  }
0xa8: {  	v3 =	vperm.xlane v3, v2;
	_ =	sdelay $0x1  }
0xa9: {  	v3 =	vadd.s32 v1, v3  }
0xaa: {  	[hbm4b:s3+s2] =	stream.indirect_vreg.scatter [tilespmem:s25], [sflag:$0x3], $0x80, v4, vm0, $0xb8;
	[tilespmem:$0x10200] =	vst v63  }
0xab: {  	_ = 	snop  }
0xac: {  	[hbm4b:s5+s2] =	stream.indirect_vreg.scatter [tilespmem:s22], [sflag:$0x3], $0x80, v4, vm0, $0xb8;
	[tilespmem:$0x10200] =	vst v63  }
0xad: {  	_ = 	snop  }
0xae: {  	[hbm4b:s3+s2] =	stream.indirect_vreg.scatter [tilespmem:s23], [sflag:$0x3], $0x80, v3, vm0, $0xb8;
	[tilespmem:$0x10200] =	vst v63  }
0xaf: {  	_ = 	snop  }
0xb0: {  	[hbm4b:s5+s2] =	stream.indirect_vreg.scatter [tilespmem:s24], [sflag:$0x3], $0x80, v3, vm0, $0xb8;
	[tilespmem:$0x10200] =	vst v63  }
0xb1: {  	v3 =	vld [tilespmem:$0x110];
	_ =	sdelay $0x4  }
0xb2: {  	v57 =	vshll.u32 v3, $0x2  }
0xb3: {  	v3 =	vand.u32 $0x7, v3;
	v4 =	vand.u32 $0xFFFFFFE0, v57  }
0xb4: {  	v3 =	vor.u32 v3, v4  }
0xb5: {  	v4 =	vperm.xlane v3, v0;
	_ =	sdelay $0x1  }
0xb6: {  	v4 =	vadd.s32 v1, v4;
	_ =	sdelay $0x1  }
0xb7: {  	v3 =	vperm.xlane v3, v2;
	_ =	sdelay $0x1  }
0xb8: {  	v3 =	vadd.s32 v1, v3  }
0xb9: {  	[hbm4b:s3+s2] =	stream.indirect_vreg.scatter [tilespmem:s4], [sflag:$0x3], $0x80, v4, vm0, $0xb8;
	[tilespmem:$0x10200] =	vst v63  }
0xba: {  	_ = 	snop  }
0xbb: {  	[hbm4b:s5+s2] =	stream.indirect_vreg.scatter [tilespmem:s28], [sflag:$0x3], $0x80, v4, vm0, $0xb8;
	[tilespmem:$0x10200] =	vst v63  }
0xbc: {  	_ = 	snop  }
0xbd: {  	[hbm4b:s3+s2] =	stream.indirect_vreg.scatter [tilespmem:s29], [sflag:$0x3], $0x80, v3, vm0, $0xb8;
	[tilespmem:$0x10200] =	vst v63  }
0xbe: {  	_ = 	snop  }
0xbf: {  	[hbm4b:s5+s2] =	stream.indirect_vreg.scatter [tilespmem:s30], [sflag:$0x3], $0x80, v3, vm0, $0xb8;
	[tilespmem:$0x10200] =	vst v63  }
0xc0: {  	v3 =	vld [tilespmem:$0x120];
	_ =	sdelay $0x4  }
0xc1: {  	v58 =	vshll.u32 v3, $0x2  }
0xc2: {  	v3 =	vand.u32 $0x7, v3;
	v4 =	vand.u32 $0xFFFFFFE0, v58  }
0xc3: {  	v3 =	vor.u32 v3, v4  }
0xc4: {  	v4 =	vperm.xlane v3, v0;
	_ =	sdelay $0x1  }
0xc5: {  	v4 =	vadd.s32 v1, v4;
	_ =	sdelay $0x1  }
0xc6: {  	v3 =	vperm.xlane v3, v2;
	_ =	sdelay $0x1  }
0xc7: {  	v3 =	vadd.s32 v1, v3  }
0xc8: {  	[hbm4b:s3+s2] =	stream.indirect_vreg.scatter [tilespmem:s31], [sflag:$0x3], $0x80, v4, vm0, $0xb8;
	[tilespmem:$0x10200] =	vst v63  }
0xc9: {  	_ = 	snop  }
0xca: {  	[hbm4b:s5+s2] =	stream.indirect_vreg.scatter [tilespmem:s7], [sflag:$0x3], $0x80, v4, vm0, $0xb8;
	[tilespmem:$0x10200] =	vst v63  }
0xcb: {  	_ = 	snop  }
0xcc: {  	[hbm4b:s3+s2] =	stream.indirect_vreg.scatter [tilespmem:s1], [sflag:$0x3], $0x80, v3, vm0, $0xb8;
	[tilespmem:$0x10200] =	vst v63  }
0xcd: {  	_ = 	snop  }
0xce: {  	[hbm4b:s5+s2] =	stream.indirect_vreg.scatter [tilespmem:s10], [sflag:$0x3], $0x80, v3, vm0, $0xb8;
	[tilespmem:$0x10200] =	vst v63  }
0xcf: {  	v3 =	vld [tilespmem:$0x130];
	_ =	sdelay $0x4  }
0xd0: {  	v59 =	vshll.u32 v3, $0x2  }
0xd1: {  	v3 =	vand.u32 $0x7, v3;
	v4 =	vand.u32 $0xFFFFFFE0, v59  }
0xd2: {  	v3 =	vor.u32 v3, v4  }
0xd3: {  	v4 =	vperm.xlane v3, v0;
	_ =	sdelay $0x1  }
0xd4: {  	v4 =	vadd.s32 v1, v4;
	_ =	sdelay $0x1  }
0xd5: {  	v3 =	vperm.xlane v3, v2;
	_ =	sdelay $0x1  }
0xd6: {  	v3 =	vadd.s32 v1, v3  }
0xd7: {  	[hbm4b:s3+s2] =	stream.indirect_vreg.scatter [tilespmem:s11], [sflag:$0x3], $0x80, v4, vm0, $0xb8;
	[tilespmem:$0x10200] =	vst v63  }
0xd8: {  	_ = 	snop  }
0xd9: {  	[hbm4b:s5+s2] =	stream.indirect_vreg.scatter [tilespmem:s12], [sflag:$0x3], $0x80, v4, vm0, $0xb8;
	[tilespmem:$0x10200] =	vst v63  }
0xda: {  	_ = 	snop  }
0xdb: {  	[hbm4b:s3+s2] =	stream.indirect_vreg.scatter [tilespmem:s13], [sflag:$0x3], $0x80, v3, vm0, $0xb8;
	[tilespmem:$0x10200] =	vst v63  }
0xdc: {  	_ = 	snop  }
0xdd: {  	[hbm4b:s5+s2] =	stream.indirect_vreg.scatter [tilespmem:s14], [sflag:$0x3], $0x80, v3, vm0, $0xb8;
	[tilespmem:$0x10200] =	vst v63  }
0xde: {  	_ =	swait.ge [sflag:s20], $0x8000  }
0xdf: {  	[sflag:s20] =	ssyncset.done $0x0  }
0xe0: {  	s4 =	rddreg [dreg:$0x6];
	[sflag:s20] =	ssyncadd.s32 $0xFFFF8000  }
0xe1: {  	[tilespmem:s9], [sflag:$0x2] =	stream.linear.gather [hbm4b:s4+s2], $0x8000, $0x38;
	[tilespmem:$0x10200] =	vst v63  }
0xe2: {  	_ =	swait.ge [sflag:s0], $0x8000  }
0xe3: {  	[sflag:s0] =	ssyncset.done $0x0  }
0xe4: {  	[sflag:s0] =	ssyncadd.s32 $0xFFFF8000  }
0xe5: {  	v3 =	vld [tilespmem:$0x180];
	_ =	sdelay $0x4  }
0xe6: {  	v60 =	vshll.u32 v3, $0x2  }
0xe7: {  	v3 =	vand.u32 $0x7, v3;
	v4 =	vand.u32 $0xFFFFFFE0, v60  }
0xe8: {  	v3 =	vor.u32 v3, v4  }
0xe9: {  	v4 =	vperm.xlane v3, v0;
	_ =	sdelay $0x1  }
0xea: {  	v4 =	vadd.s32 v1, v4;
	_ =	sdelay $0x1  }
0xeb: {  	v3 =	vperm.xlane v3, v2;
	_ =	sdelay $0x1  }
0xec: {  	v3 =	vadd.s32 v1, v3  }
0xed: {  	[hbm4b:s3+s2] =	stream.indirect_vreg.scatter [tilespmem:s9], [sflag:$0x4], $0x80, v4, vm0, $0xb8;
	[tilespmem:$0x10200] =	vst v63  }
0xee: {  	_ = 	snop  }
0xef: {  	[hbm4b:s5+s2] =	stream.indirect_vreg.scatter [tilespmem:s15], [sflag:$0x4], $0x80, v4, vm0, $0xb8;
	[tilespmem:$0x10200] =	vst v63  }
0xf0: {  	_ = 	snop  }
0xf1: {  	[hbm4b:s3+s2] =	stream.indirect_vreg.scatter [tilespmem:s16], [sflag:$0x4], $0x80, v3, vm0, $0xb8;
	[tilespmem:$0x10200] =	vst v63  }
0xf2: {  	_ = 	snop  }
0xf3: {  	[hbm4b:s5+s2] =	stream.indirect_vreg.scatter [tilespmem:s17], [sflag:$0x4], $0x80, v3, vm0, $0xb8;
	[tilespmem:$0x10200] =	vst v63  }
0xf4: {  	v3 =	vld [tilespmem:$0x190];
	_ =	sdelay $0x4  }
0xf5: {  	v61 =	vshll.u32 v3, $0x2  }
0xf6: {  	v3 =	vand.u32 $0x7, v3;
	v4 =	vand.u32 $0xFFFFFFE0, v61  }
0xf7: {  	v3 =	vor.u32 v3, v4  }
0xf8: {  	v4 =	vperm.xlane v3, v0;
	_ =	sdelay $0x1  }
0xf9: {  	v4 =	vadd.s32 v1, v4;
	_ =	sdelay $0x1  }
0xfa: {  	v3 =	vperm.xlane v3, v2;
	_ =	sdelay $0x1  }
0xfb: {  	v3 =	vadd.s32 v1, v3  }
0xfc: {  	[hbm4b:s3+s2] =	stream.indirect_vreg.scatter [tilespmem:s18], [sflag:$0x4], $0x80, v4, vm0, $0xb8;
	[tilespmem:$0x10200] =	vst v63  }
0xfd: {  	s21 =	simm.s32 $0xAA00  }
0xfe: {  	[hbm4b:s5+s2] =	stream.indirect_vreg.scatter [tilespmem:s21], [sflag:$0x4], $0x80, v4, vm0, $0xb8;
	[tilespmem:$0x10200] =	vst v63  }
0xff: {  	_ = 	snop  }
0x100: {  	[hbm4b:s3+s2] =	stream.indirect_vreg.scatter [tilespmem:s8], [sflag:$0x4], $0x80, v3, vm0, $0xb8;
	[tilespmem:$0x10200] =	vst v63  }
0x101: {  	s4 =	simm.s32 $0xBA00  }
0x102: {  	[hbm4b:s5+s2] =	stream.indirect_vreg.scatter [tilespmem:s4], [sflag:$0x4], $0x80, v3, vm0, $0xb8;
	[tilespmem:$0x10200] =	vst v63  }
0x103: {  	v3 =	vld [tilespmem:$0x1A0];
	_ =	sdelay $0x4  }
0x104: {  	v62 =	vshll.u32 v3, $0x2  }
0x105: {  	v3 =	vand.u32 $0x7, v3;
	v4 =	vand.u32 $0xFFFFFFE0, v62  }
0x106: {  	v3 =	vor.u32 v3, v4  }
0x107: {  	v4 =	vperm.xlane v3, v0;
	_ =	sdelay $0x1  }
0x108: {  	v4 =	vadd.s32 v1, v4;
	_ =	sdelay $0x1  }
0x109: {  	v3 =	vperm.xlane v3, v2;
	_ =	sdelay $0x1  }
0x10a: {  	s8 =	simm.s32 $0xC200;
	v3 =	vadd.s32 v1, v3  }
0x10b: {  	[hbm4b:s3+s2] =	stream.indirect_vreg.scatter [tilespmem:s8], [sflag:$0x4], $0x80, v4, vm0, $0xb8;
	[tilespmem:$0x10200] =	vst v63  }
0x10c: {  	s21 =	simm.s32 $0xCA00  }
0x10d: {  	[hbm4b:s5+s2] =	stream.indirect_vreg.scatter [tilespmem:s21], [sflag:$0x4], $0x80, v4, vm0, $0xb8;
	[tilespmem:$0x10200] =	vst v63  }
0x10e: {  	s4 =	simm.s32 $0xD200  }
0x10f: {  	[hbm4b:s3+s2] =	stream.indirect_vreg.scatter [tilespmem:s4], [sflag:$0x4], $0x80, v3, vm0, $0xb8;
	[tilespmem:$0x10200] =	vst v63  }
0x110: {  	s8 =	simm.s32 $0xDA00  }
0x111: {  	[hbm4b:s5+s2] =	stream.indirect_vreg.scatter [tilespmem:s8], [sflag:$0x4], $0x80, v3, vm0, $0xb8;
	[tilespmem:$0x10200] =	vst v63  }
0x112: {  	v3 =	vld [tilespmem:$0x1B0];
	_ =	sdelay $0x4  }
0x113: {  	v63 =	vshll.u32 v3, $0x2  }
0x114: {  	v3 =	vand.u32 $0x7, v3;
	v4 =	vand.u32 $0xFFFFFFE0, v63  }
0x115: {  	v3 =	vor.u32 v3, v4  }
0x116: {  	v4 =	vperm.xlane v3, v0;
	_ =	sdelay $0x1  }
0x117: {  	v4 =	vadd.s32 v1, v4;
	_ =	sdelay $0x1  }
0x118: {  	v3 =	vperm.xlane v3, v2;
	_ =	sdelay $0x1  }
0x119: {  	s21 =	simm.s32 $0xE200;
	v3 =	vadd.s32 v1, v3  }
0x11a: {  	[hbm4b:s3+s2] =	stream.indirect_vreg.scatter [tilespmem:s21], [sflag:$0x4], $0x80, v4, vm0, $0xb8;
	[tilespmem:$0x10200] =	vst v63  }
0x11b: {  	s4 =	simm.s32 $0xEA00  }
0x11c: {  	[hbm4b:s5+s2] =	stream.indirect_vreg.scatter [tilespmem:s4], [sflag:$0x4], $0x80, v4, vm0, $0xb8;
	[tilespmem:$0x10200] =	vst v63  }
0x11d: {  	s8 =	simm.s32 $0xF200  }
0x11e: {  	[hbm4b:s3+s2] =	stream.indirect_vreg.scatter [tilespmem:s8], [sflag:$0x4], $0x80, v3, vm0, $0xb8;
	[tilespmem:$0x10200] =	vst v63  }
0x11f: {  	s21 =	simm.s32 $0xFA00  }
0x120: {  	[hbm4b:s5+s2] =	stream.indirect_vreg.scatter [tilespmem:s21], [sflag:$0x4], $0x80, v3, vm0, $0xb8;
	[tilespmem:$0x10200] =	vst v63  }
0x121: {  	p0 =	sne.s32 s6, $0x1;
	_ =	swait.ge [sflag:s19], $0x8000  }
.Ltmp0:
0x122: {  	[sflag:s19] =	ssyncset.done $0x0;
	(pc) =	sbr.rel @p0 .LBB2_1-.Ltmp0, $4  }
0x123: {  	[sflag:s19] =	ssyncadd.s32 $0xFFFF8000  }
0x124: {  	_ =	swait.ge [sflag:s20], $0x8000  }
0x125: {  	[sflag:s20] =	ssyncset.done $0x0  }
0x126: {  	s6 =	sadd.s32 $0xFFFFFFFF, s6;
	[sflag:s20] =	ssyncadd.s32 $0xFFFF8000  }
0x127: {  	_ =	sfence.sel $0x180000  }
0x128: {  	[bflag:$0x0] =	sbarrier.arrive $0xFFFF  }
0x129: {  	_ =	strace $0x90000047  }
0x12a: {  	s0 =	stileid.u32;
	[bflag:$0x2] =	sbarrier.arrive $0xFFFF  }
0x12b: {  	p0 =	sne.s32 s0, $0x0;
	s0 =	rddreg [dreg:$0x2]  }
0x12c: {  	s0 =	sadd.s32 @!p0 $0x100000, s0  }
0x12d: {  	[sflag:s0] =	ssyncadd.tile.s32 @!p0 $0x1;
	_ =	shalt  }
.Lfunc_end2:
_tile_overlayer_lowered:
.L_overlay_start_2:
0x12e: {  	(tag) =	ssettag $0x2  }
0x12f: {  	s0 =	rddreg [dreg:$0x0];
	s2 =	stileid.u32  }
0x130: {  	s1 =	rddreg [dreg:$0x1];
	p0 =	sne.s32 s2, $0x0  }
0x131: {  	s3 =	rddreg [dreg:$0x2];
	[bflag:$0x3] =	sbarrier.arrive $0xFFFF;
	s2 =	simm.s32 @!p0 $0x1C05  }
0x132: {  	[timem:s3], [sflag:s2] =	dma.local @!p0 [hbm:s0], s1  }
0x133: {  	s0 =	simm.s32 @!p0 $0x5  }
0x134: {  	_ =	swait.ge @!p0 [sflag:s0], s1  }
0x135: {  	s1 =	ssub.s32 @!p0 $0x0, s1;
	[sflag:s0] =	ssyncset.done @!p0 $0x0  }
0x136: {  	[sflag:s0] =	ssyncadd.s32 @!p0 s1  }
0x137: {  	[bflag:$0x3] =	sbarrier.arrive $0xFFFF  }
0x138: {  	_ =	shalt  }

</sc_bundles>
